<compile_context>
chip_gen: v7x
topology: tpu7x:2x2x1
jax: 0.10.2.dev20260603
libtpu: 0.0.44.dev20260713+nightly
codegen_flags: <defaults>
</compile_context>

<pallas_src>
import functools

import jax
import jax.numpy as jnp
from jax import lax
from jax.experimental import pallas as pl
from jax.experimental.pallas import tpu as pltpu
from jax.experimental.pallas import tpu_sc as plsc

_L = 16


@functools.lru_cache(maxsize=None)
def _build_sc_call(B, N, A, C, AA, SC_ATOMS):
    BB = A - SC_ATOMS
    P = A * C
    PBB = BB * C
    PSC = SC_ATOMS * C
    HALF = (SC_ATOMS + 1) // 2
    try:
        info = plsc.get_sparse_core_info()
        NC, NS = info.num_cores, info.num_subcores
    except ValueError:
        NC, NS = 2, 16
    mesh = plsc.VectorSubcoreMesh(
        core_axis_name="c", subcore_axis_name="s", num_cores=NC, num_subcores=NS
    )
    NW = NC * NS
    ROWS, BCOLS = 8, 128
    NB = B * N // (NW * ROWS * BCOLS)
    assert NB == 2, "piece ping-pong below assumes exactly two pieces"
    GROUPS = ROWS * BCOLS // _L
    GPR = BCOLS // _L
    WB = B // ROWS
    CW = NB * BCOLS

    @functools.partial(
        pl.kernel,
        out_type=jax.ShapeDtypeStruct((P, B, N), jnp.float32),
        mesh=mesh,
        scratch_types=[
            pltpu.VMEM((P, ROWS, BCOLS), jnp.float32),
            pltpu.VMEM((P, ROWS, BCOLS), jnp.float32),
            pltpu.VMEM((PSC, ROWS, BCOLS), jnp.float32),
            pltpu.VMEM((ROWS, CW), jnp.int32),
            pltpu.VMEM((AA * 2,), jnp.int32),
            pltpu.SemaphoreType.DMA,
            pltpu.SemaphoreType.DMA,
            pltpu.SemaphoreType.DMA,
            pltpu.SemaphoreType.DMA,
            pltpu.SemaphoreType.DMA,
            pltpu.SemaphoreType.DMA,
            pltpu.SemaphoreType.DMA,
        ],
        compiler_params=pltpu.CompilerParams(needs_layout_passes=False),
    )
    def sc_call(x_hbm, s_hbm, ptbl_hbm, out_hbm, xin0, xin1, xout, sv, ptv,
                sem_in0, sem_in1, sem_ibb0, sem_s, sem_t, sem_osc, sem_obb):
        wid = lax.axis_index("s") * NC + lax.axis_index("c")
        r0 = (wid % WB) * ROWS
        c0 = (wid // WB) * CW
        sem_in = (sem_in0, sem_in1)
        xin = (xin0, xin1)
        dst = (xout, xin0.at[pl.ds(PBB, PSC)])

        def in_dma(b):
            return pltpu.make_async_copy(
                x_hbm.at[:, pl.ds(r0, ROWS), pl.ds(c0 + b * BCOLS, BCOLS)],
                xin[b], sem_in[b])

        def in_sc0_dma():
            return pltpu.make_async_copy(
                x_hbm.at[pl.ds(PBB, PSC), pl.ds(r0, ROWS),
                         pl.ds(c0, BCOLS)],
                xin0.at[pl.ds(PBB, PSC)], sem_in0)

        def in_bb0_dma():
            return pltpu.make_async_copy(
                x_hbm.at[pl.ds(0, PBB), pl.ds(r0, ROWS), pl.ds(c0, BCOLS)],
                xin0.at[pl.ds(0, PBB)], sem_ibb0)

        def out_sc_dma(b):
            return pltpu.make_async_copy(
                dst[b],
                out_hbm.at[pl.ds(PBB, PSC), pl.ds(r0, ROWS),
                           pl.ds(c0 + b * BCOLS, BCOLS)],
                sem_osc)

        def out_bb_dma(b):
            return pltpu.make_async_copy(
                xin[b].at[pl.ds(0, PBB)],
                out_hbm.at[pl.ds(0, PBB), pl.ds(r0, ROWS),
                           pl.ds(c0 + b * BCOLS, BCOLS)],
                sem_obb)

        in_sc0_dma().start()
        cp_s = pltpu.make_async_copy(
            s_hbm.at[pl.ds(r0, ROWS), pl.ds(c0, CW)], sv, sem_s)
        cp_s.start()
        cp_t = pltpu.make_async_copy(ptbl_hbm, ptv, sem_t)
        cp_t.start()
        in_bb0_dma().start()
        in_dma(1).start()
        cp_s.wait()
        cp_t.wait()
        lanes = lax.iota(jnp.int32, _L)

        for b in range(NB):
            if b == 0:
                in_sc0_dma().wait()
            else:
                in_dma(b).wait()
                out_bb_dma(b).start()

            @plsc.parallel_loop(0, GROUPS, unroll=1)
            def group(g, b=b):
                s = g // GPR
                l0 = (g % GPR) * _L
                svec = sv[s, pl.ds(b * BCOLS + l0, _L)]
                widx = svec * 2
                w0 = plsc.load_gather(ptv, [widx])
                w1 = plsc.load_gather(ptv, [widx + 1])
                svec_s = jnp.full((_L,), s, jnp.int32)
                lvec = l0 + lanes
                for a in range(SC_ATOMS):
                    w = w0 if a < HALF else w1
                    p = ((w >> (6 * (a % HALF))) & 63) + PBB
                    for c in range(C):
                        v = plsc.load_gather(xin[b], [p + c, svec_s, lvec])
                        plsc.store_scatter(
                            dst[b],
                            [jnp.full((_L,), a * C + c, jnp.int32), svec_s,
                             lvec], v)

            if b == 0:
                in_bb0_dma().wait()
                out_bb_dma(0).start()
            out_sc_dma(b).start()

        for b in range(NB):
            out_sc_dma(b).wait()
            out_bb_dma(b).wait()

    return sc_call


def kernel(X, S, symmetry_indices):
    B, N, A, C = X.shape
    AA, SC_ATOMS = symmetry_indices.shape
    HALF = (SC_ATOMS + 1) // 2
    x_planes = jnp.transpose(X, (2, 3, 0, 1)).reshape(A * C, B, N)
    p3 = symmetry_indices.astype(jnp.int32) * C
    shifts = jnp.arange(HALF, dtype=jnp.int32) * 6
    w0 = jnp.sum(p3[:, :HALF] << shifts[None, :], axis=1)
    w1 = jnp.sum(p3[:, HALF:] << shifts[None, : SC_ATOMS - HALF], axis=1)
    ptbl = jnp.stack([w0, w1], axis=1).reshape(-1)
    sc_call = _build_sc_call(B, N, A, C, AA, SC_ATOMS)
    out_planes = sc_call(x_planes, S, ptbl)
    return jnp.transpose(out_planes.reshape(A, C, B, N), (2, 3, 0, 1))

# --- scband reference (transcript-rebuilt; emitter-appended) ---
"""Pipeline reference for scband-side-chain-symmetry-renamer-40819369181405 (READ-ONLY COPY).

The authoritative reference and input builder live on the scoring server;
editing this copy changes nothing except your own understanding.
"""

import jax, jax.numpy as jnp
import numpy as np

NUM_ATOMS = 10
NUM_AA = 20

def _build_symmetry_indices():
    # Replicates the buffer built in __init__ from constants.ATOM_SYMMETRIES.
    # AA20_3 alphabetical: ALA,ARG,ASN,ASP,CYS,GLN,GLU,GLY,HIS,ILE,LEU,LYS,MET,PHE,PRO,SER,THR,TRP,TYR,VAL
    # Sidechain-local atom index swaps for 180-degree symmetric groups:
    #   ARG (1): NH1/NH2 -> (5,6)
    #   ASP (3): OD1/OD2 -> (2,3)
    #   GLU (6): OE1/OE2 -> (3,4)
    #   PHE (13): CD1/CD2 (2,3), CE1/CE2 (4,5)
    #   TYR (18): CD1/CD2 (2,3), CE1/CE2 (4,5)
    sym = np.tile(np.arange(NUM_ATOMS, dtype=np.int32), (NUM_AA, 1))
    swaps = {1: [(5, 6)], 3: [(2, 3)], 6: [(3, 4)], 13: [(2, 3), (4, 5)], 18: [(2, 3), (4, 5)]}
    for aa, pairs in swaps.items():
        for a, b in pairs:
            sym[aa, a], sym[aa, b] = sym[aa, b].copy(), sym[aa, a].copy()
    return jnp.asarray(sym, dtype=jnp.int32)


def setup_inputs(seed: int = 0) -> dict:
    key = jax.random.key(seed)
    k1, k2 = jax.random.split(key)
    X = jax.random.normal(k1, (32, 2048, 14, 3), dtype=jnp.float32)
    S = jax.random.randint(k2, (32, 2048), 0, NUM_AA, dtype=jnp.int32)
    symmetry_indices = _build_symmetry_indices()
    return {"X": X, "S": S, "symmetry_indices": symmetry_indices}


def reference(X, S, symmetry_indices):
    # _gather_per_residue: table[S] -> [B, N, num_atoms]
    alt_indices = jnp.take(symmetry_indices, S, axis=0)  # [B, N, 10]
    X_bb = X[:, :, :4, :]
    X_sc = X[:, :, 4:, :]  # [B, N, 10, 3]
    idx = jnp.broadcast_to(alt_indices[..., None], X_sc.shape)  # [B, N, 10, 3]
    X_sc_alternate = jnp.take_along_axis(X_sc, idx, axis=2)
    X_alternate = jnp.concatenate([X_bb, X_sc_alternate], axis=2)
    return X_alternate

if __name__ == "__main__":
    import jax
    _d = setup_inputs()
    print(jax.jit(kernel)(*tuple(_d.values())))

</pallas_src>

<mosaic_0001>
#map = affine_map<(d0, d1) -> (0, 0, 0)>
#map1 = affine_map<(d0, d1) -> (0, 0)>
#map2 = affine_map<(d0, d1) -> (0)>
module attributes {stable_mosaic.version = 14 : i64} {
  func.func @sc_call(%arg0: i32, %arg1: i32, %arg2: memref<42x32x2048xf32, #tpu.memory_space<hbm>>, %arg3: memref<32x2048xi32, #tpu.memory_space<hbm>>, %arg4: memref<40xi32, #tpu.memory_space<hbm>>, %arg5: memref<42x32x2048xf32, #tpu.memory_space<hbm>>, %arg6: memref<42x8x128xf32, #tpu.memory_space<vmem>>, %arg7: memref<42x8x128xf32, #tpu.memory_space<vmem>>, %arg8: memref<30x8x128xf32, #tpu.memory_space<vmem>>, %arg9: memref<8x256xi32, #tpu.memory_space<vmem>>, %arg10: memref<40xi32, #tpu.memory_space<vmem>>, %arg11: memref<!tpu.dma_semaphore, #tpu.memory_space<semaphore_mem>>, %arg12: memref<!tpu.dma_semaphore, #tpu.memory_space<semaphore_mem>>, %arg13: memref<!tpu.dma_semaphore, #tpu.memory_space<semaphore_mem>>, %arg14: memref<!tpu.dma_semaphore, #tpu.memory_space<semaphore_mem>>, %arg15: memref<!tpu.dma_semaphore, #tpu.memory_space<semaphore_mem>>, %arg16: memref<!tpu.dma_semaphore, #tpu.memory_space<semaphore_mem>>, %arg17: memref<!tpu.dma_semaphore, #tpu.memory_space<semaphore_mem>>) attributes {dimension_semantics = [#tpu.dimension_semantics<core_parallel>, #tpu.dimension_semantics<subcore_parallel>], iteration_bounds = array<i64: 2, 16>, scalar_prefetch = 0 : i64, scratch_operands = 12 : i64, tpu.core_type = #tpu.core_type<sc_vector_subcore>, window_params = [{transform_indices = #map}, {transform_indices = #map1}, {transform_indices = #map2}, {transform_indices = #map}]} {
    %mul3A = arith.constant 2 : i32
    %mul3A_0 = arith.muli %arg1, %mul3A : i32
    %add3A = arith.addi %mul3A_0, %arg0 : i32
    %jit3A = arith.constant 4 : i32
    %eq3A = arith.constant 0 : i32
    %eq3A_1 = arith.cmpi eq, %jit3A, %eq3A : i32
    %jit3A_2 = arith.constant 1 : i32
    %select_n3A = arith.select %eq3A_1, %jit3A_2, %jit3A : i32
    %rem3A = arith.remsi %add3A, %select_n3A : i32
    %ne3A = arith.constant 0 : i32
    %ne3A_3 = arith.cmpi ne, %rem3A, %ne3A : i32
    %lt3A = arith.constant 0 : i32
    %lt3A_4 = arith.cmpi slt, %rem3A, %lt3A : i32
    %lt3A_5 = arith.constant 0 : i32
    %lt3A_6 = arith.cmpi slt, %select_n3A, %lt3A_5 : i32
    %ne3A_7 = arith.xori %lt3A_4, %lt3A_6 : i1
    %and3A = arith.andi %ne3A_7, %ne3A_3 : i1
    %add3A_8 = arith.addi %rem3A, %select_n3A : i32
    %select_n3A_9 = arith.select %and3A, %add3A_8, %rem3A : i32
    %mul3A_10 = arith.constant 8 : i32
    %mul3A_11 = arith.muli %select_n3A_9, %mul3A_10 : i32
    %jit3A_12 = arith.constant 4 : i32
    %div3A = arith.divsi %add3A, %jit3A_12 : i32
    %sign3A = arith.constant 0 : i32
    %sign3A_13 = arith.cmpi sgt, %add3A, %sign3A : i32
    %sign3A_14 = arith.extui %sign3A_13 : i1 to i32
    %sign3A_15 = arith.constant 0 : i32
    %sign3A_16 = arith.cmpi slt, %add3A, %sign3A_15 : i32
    %sign3A_17 = arith.extui %sign3A_16 : i1 to i32
    %sign3A_18 = arith.subi %sign3A_14, %sign3A_17 : i32
    %sign3A_19 = arith.constant 0 : i32
    %sign3A_20 = arith.cmpi sgt, %jit3A_12, %sign3A_19 : i32
    %sign3A_21 = arith.extui %sign3A_20 : i1 to i32
    %sign3A_22 = arith.constant 0 : i32
    %sign3A_23 = arith.cmpi slt, %jit3A_12, %sign3A_22 : i32
    %sign3A_24 = arith.extui %sign3A_23 : i1 to i32
    %sign3A_25 = arith.subi %sign3A_21, %sign3A_24 : i32
    %ne3A_26 = arith.cmpi ne, %sign3A_18, %sign3A_25 : i32
    %rem3A_27 = arith.remsi %add3A, %jit3A_12 : i32
    %ne3A_28 = arith.constant 0 : i32
    %ne3A_29 = arith.cmpi ne, %rem3A_27, %ne3A_28 : i32
    %and3A_30 = arith.andi %ne3A_26, %ne3A_29 : i1
    %sub3A = arith.constant 1 : i32
    %sub3A_31 = arith.subi %div3A, %sub3A : i32
    %select_n3A_32 = arith.select %and3A_30, %sub3A_31, %div3A : i32
    %mul3A_33 = arith.constant 256 : i32
    %mul3A_34 = arith.muli %select_n3A_32, %mul3A_33 : i32
    %dma_start3A = arith.constant 12 : i32
    %dma_start3A_35 = arith.constant 0 : i32
    %dma_start3A_36 = arith.constant 0 : i32
    %dma_start3A_37 = tpu.memref_slice %arg6[%dma_start3A, %dma_start3A_35, %dma_start3A_36] : memref<42x8x128xf32, #tpu.memory_space<vmem>> -> memref<30x8x128xf32, #tpu.memory_space<vmem>>
    %dma_start3A_38 = arith.constant 12 : i32
    %dma_start3A_39 = tpu.memref_slice %arg2[%dma_start3A_38, %mul3A_11, %mul3A_34] : memref<42x32x2048xf32, #tpu.memory_space<hbm>> -> memref<30x8x128xf32, #tpu.memory_space<hbm>>
    %dma_start3A_40 = arith.constant 12 : i32
    %dma_start3A_41 = arith.constant 0 : i32
    %dma_start3A_42 = arith.constant 0 : i32
    %dma_start3A_43 = tpu.memref_slice %arg6[%dma_start3A_40, %dma_start3A_41, %dma_start3A_42] : memref<42x8x128xf32, #tpu.memory_space<vmem>> -> memref<30x8x128xf32, #tpu.memory_space<vmem>>
    %dma_start3A_44 = arith.constant 12 : i32
    %dma_start3A_45 = tpu.memref_slice %arg2[%dma_start3A_44, %mul3A_11, %mul3A_34] : memref<42x32x2048xf32, #tpu.memory_space<hbm>> -> memref<30x8x128xf32, #tpu.memory_space<hbm>>
    tpu.enqueue_dma source(%dma_start3A_45 : memref<30x8x128xf32, #tpu.memory_space<hbm>>) target(%dma_start3A_43 : memref<30x8x128xf32, #tpu.memory_space<vmem>>) target_semaphore(%arg11 : memref<!tpu.dma_semaphore, #tpu.memory_space<semaphore_mem>>)
    %dma_start3A_46 = tpu.memref_slice %arg3[%mul3A_11, %mul3A_34] : memref<32x2048xi32, #tpu.memory_space<hbm>> -> memref<8x256xi32, #tpu.memory_space<hbm>>
    %dma_start3A_47 = tpu.memref_slice %arg3[%mul3A_11, %mul3A_34] : memref<32x2048xi32, #tpu.memory_space<hbm>> -> memref<8x256xi32, #tpu.memory_space<hbm>>
    tpu.enqueue_dma source(%dma_start3A_47 : memref<8x256xi32, #tpu.memory_space<hbm>>) target(%arg9 : memref<8x256xi32, #tpu.memory_space<vmem>>) target_semaphore(%arg14 : memref<!tpu.dma_semaphore, #tpu.memory_space<semaphore_mem>>)
    tpu.enqueue_dma source(%arg4 : memref<40xi32, #tpu.memory_space<hbm>>) target(%arg10 : memref<40xi32, #tpu.memory_space<vmem>>) target_semaphore(%arg15 : memref<!tpu.dma_semaphore, #tpu.memory_space<semaphore_mem>>)
    %dma_start3A_48 = arith.constant 0 : i32
    %dma_start3A_49 = arith.constant 0 : i32
    %dma_start3A_50 = arith.constant 0 : i32
    %dma_start3A_51 = tpu.memref_slice %arg6[%dma_start3A_48, %dma_start3A_49, %dma_start3A_50] : memref<42x8x128xf32, #tpu.memory_space<vmem>> -> memref<12x8x128xf32, #tpu.memory_space<vmem>>
    %dma_start3A_52 = arith.constant 0 : i32
    %dma_start3A_53 = tpu.memref_slice %arg2[%dma_start3A_52, %mul3A_11, %mul3A_34] : memref<42x32x2048xf32, #tpu.memory_space<hbm>> -> memref<12x8x128xf32, #tpu.memory_space<hbm>>
    %dma_start3A_54 = arith.constant 0 : i32
    %dma_start3A_55 = arith.constant 0 : i32
    %dma_start3A_56 = arith.constant 0 : i32
    %dma_start3A_57 = tpu.memref_slice %arg6[%dma_start3A_54, %dma_start3A_55, %dma_start3A_56] : memref<42x8x128xf32, #tpu.memory_space<vmem>> -> memref<12x8x128xf32, #tpu.memory_space<vmem>>
    %dma_start3A_58 = arith.constant 0 : i32
    %dma_start3A_59 = tpu.memref_slice %arg2[%dma_start3A_58, %mul3A_11, %mul3A_34] : memref<42x32x2048xf32, #tpu.memory_space<hbm>> -> memref<12x8x128xf32, #tpu.memory_space<hbm>>
    tpu.enqueue_dma source(%dma_start3A_59 : memref<12x8x128xf32, #tpu.memory_space<hbm>>) target(%dma_start3A_57 : memref<12x8x128xf32, #tpu.memory_space<vmem>>) target_semaphore(%arg13 : memref<!tpu.dma_semaphore, #tpu.memory_space<semaphore_mem>>)
    %add3A_60 = arith.constant 128 : i32
    %add3A_61 = arith.addi %mul3A_34, %add3A_60 : i32
    %dma_start3A_62 = arith.constant 0 : i32
    %dma_start3A_63 = tpu.memref_slice %arg2[%dma_start3A_62, %mul3A_11, %add3A_61] : memref<42x32x2048xf32, #tpu.memory_space<hbm>> -> memref<42x8x128xf32, #tpu.memory_space<hbm>>
    %dma_start3A_64 = arith.constant 0 : i32
    %dma_start3A_65 = tpu.memref_slice %arg2[%dma_start3A_64, %mul3A_11, %add3A_61] : memref<42x32x2048xf32, #tpu.memory_space<hbm>> -> memref<42x8x128xf32, #tpu.memory_space<hbm>>
    tpu.enqueue_dma source(%dma_start3A_65 : memref<42x8x128xf32, #tpu.memory_space<hbm>>) target(%arg7 : memref<42x8x128xf32, #tpu.memory_space<vmem>>) target_semaphore(%arg12 : memref<!tpu.dma_semaphore, #tpu.memory_space<semaphore_mem>>)
    %dma_wait3A = tpu.memref_slice %arg3[%mul3A_11, %mul3A_34] : memref<32x2048xi32, #tpu.memory_space<hbm>> -> memref<8x256xi32, #tpu.memory_space<hbm>>
    %dma_wait3A_66 = tpu.memref_slice %arg3[%mul3A_11, %mul3A_34] : memref<32x2048xi32, #tpu.memory_space<hbm>> -> memref<8x256xi32, #tpu.memory_space<hbm>>
    tpu.wait_dma2 semaphore(%arg14 : memref<!tpu.dma_semaphore, #tpu.memory_space<semaphore_mem>>) src(%dma_wait3A_66 : memref<8x256xi32, #tpu.memory_space<hbm>>) dst(%arg9 : memref<8x256xi32, #tpu.memory_space<vmem>>)
    tpu.wait_dma2 semaphore(%arg15 : memref<!tpu.dma_semaphore, #tpu.memory_space<semaphore_mem>>) src(%arg4 : memref<40xi32, #tpu.memory_space<hbm>>) dst(%arg10 : memref<40xi32, #tpu.memory_space<vmem>>)
    %iota3A = tpu.iota {dimensions = array<i32: 0>} : vector<16xi32>
    %dma_wait3A_67 = arith.constant 12 : i32
    %dma_wait3A_68 = arith.constant 0 : i32
    %dma_wait3A_69 = arith.constant 0 : i32
    %dma_wait3A_70 = tpu.memref_slice %arg6[%dma_wait3A_67, %dma_wait3A_68, %dma_wait3A_69] : memref<42x8x128xf32, #tpu.memory_space<vmem>> -> memref<30x8x128xf32, #tpu.memory_space<vmem>>
    %dma_wait3A_71 = arith.constant 12 : i32
    %dma_wait3A_72 = tpu.memref_slice %arg2[%dma_wait3A_71, %mul3A_11, %mul3A_34] : memref<42x32x2048xf32, #tpu.memory_space<hbm>> -> memref<30x8x128xf32, #tpu.memory_space<hbm>>
    %dma_wait3A_73 = arith.constant 12 : i32
    %dma_wait3A_74 = arith.constant 0 : i32
    %dma_wait3A_75 = arith.constant 0 : i32
    %dma_wait3A_76 = tpu.memref_slice %arg6[%dma_wait3A_73, %dma_wait3A_74, %dma_wait3A_75] : memref<42x8x128xf32, #tpu.memory_space<vmem>> -> memref<30x8x128xf32, #tpu.memory_space<vmem>>
    %dma_wait3A_77 = arith.constant 12 : i32
    %dma_wait3A_78 = tpu.memref_slice %arg2[%dma_wait3A_77, %mul3A_11, %mul3A_34] : memref<42x32x2048xf32, #tpu.memory_space<hbm>> -> memref<30x8x128xf32, #tpu.memory_space<hbm>>
    tpu.wait_dma2 semaphore(%arg11 : memref<!tpu.dma_semaphore, #tpu.memory_space<semaphore_mem>>) src(%dma_wait3A_78 : memref<30x8x128xf32, #tpu.memory_space<hbm>>) dst(%dma_wait3A_76 : memref<30x8x128xf32, #tpu.memory_space<vmem>>)
    %parallel_loop3A = arith.constant 0 : i32
    %parallel_loop3A_79 = arith.constant 64 : i32
    %parallel_loop3A_80 = arith.constant 1 : i32
    scf.for %parallel_loop3A_198 = %parallel_loop3A to %parallel_loop3A_79 step %parallel_loop3A_80  : i32 {
      %parallel_loop3A_199 = arith.constant 8 : i32
      %parallel_loop3A_200 = arith.divsi %parallel_loop3A_198, %parallel_loop3A_199 : i32
      %parallel_loop3A_201 = arith.constant 0 : i32
      %parallel_loop3A_202 = arith.cmpi sgt, %parallel_loop3A_198, %parallel_loop3A_201 : i32
      %parallel_loop3A_203 = arith.extui %parallel_loop3A_202 : i1 to i32
      %parallel_loop3A_204 = arith.constant 0 : i32
      %parallel_loop3A_205 = arith.cmpi slt, %parallel_loop3A_198, %parallel_loop3A_204 : i32
      %parallel_loop3A_206 = arith.extui %parallel_loop3A_205 : i1 to i32
      %parallel_loop3A_207 = arith.subi %parallel_loop3A_203, %parallel_loop3A_206 : i32
      %parallel_loop3A_208 = arith.constant 0 : i32
      %parallel_loop3A_209 = arith.cmpi sgt, %parallel_loop3A_199, %parallel_loop3A_208 : i32
      %parallel_loop3A_210 = arith.extui %parallel_loop3A_209 : i1 to i32
      %parallel_loop3A_211 = arith.constant 0 : i32
      %parallel_loop3A_212 = arith.cmpi slt, %parallel_loop3A_199, %parallel_loop3A_211 : i32
      %parallel_loop3A_213 = arith.extui %parallel_loop3A_212 : i1 to i32
      %parallel_loop3A_214 = arith.subi %parallel_loop3A_210, %parallel_loop3A_213 : i32
      %parallel_loop3A_215 = arith.cmpi ne, %parallel_loop3A_207, %parallel_loop3A_214 : i32
      %parallel_loop3A_216 = arith.remsi %parallel_loop3A_198, %parallel_loop3A_199 : i32
      %parallel_loop3A_217 = arith.constant 0 : i32
      %parallel_loop3A_218 = arith.cmpi ne, %parallel_loop3A_216, %parallel_loop3A_217 : i32
      %parallel_loop3A_219 = arith.andi %parallel_loop3A_215, %parallel_loop3A_218 : i1
      %parallel_loop3A_220 = arith.constant 1 : i32
      %parallel_loop3A_221 = arith.subi %parallel_loop3A_200, %parallel_loop3A_220 : i32
      %parallel_loop3A_222 = arith.select %parallel_loop3A_219, %parallel_loop3A_221, %parallel_loop3A_200 : i32
      %parallel_loop3A_223 = arith.constant 8 : i32
      %parallel_loop3A_224 = arith.constant 0 : i32
      %parallel_loop3A_225 = arith.cmpi eq, %parallel_loop3A_223, %parallel_loop3A_224 : i32
      %parallel_loop3A_226 = arith.constant 1 : i32
      %parallel_loop3A_227 = arith.select %parallel_loop3A_225, %parallel_loop3A_226, %parallel_loop3A_223 : i32
      %parallel_loop3A_228 = arith.remsi %parallel_loop3A_198, %parallel_loop3A_227 : i32
      %parallel_loop3A_229 = arith.constant 0 : i32
      %parallel_loop3A_230 = arith.cmpi ne, %parallel_loop3A_228, %parallel_loop3A_229 : i32
      %parallel_loop3A_231 = arith.constant 0 : i32
      %parallel_loop3A_232 = arith.cmpi slt, %parallel_loop3A_228, %parallel_loop3A_231 : i32
      %parallel_loop3A_233 = arith.constant 0 : i32
      %parallel_loop3A_234 = arith.cmpi slt, %parallel_loop3A_227, %parallel_loop3A_233 : i32
      %parallel_loop3A_235 = arith.xori %parallel_loop3A_232, %parallel_loop3A_234 : i1
      %parallel_loop3A_236 = arith.andi %parallel_loop3A_235, %parallel_loop3A_230 : i1
      %parallel_loop3A_237 = arith.addi %parallel_loop3A_228, %parallel_loop3A_227 : i32
      %parallel_loop3A_238 = arith.select %parallel_loop3A_236, %parallel_loop3A_237, %parallel_loop3A_228 : i32
      %parallel_loop3A_239 = arith.constant 16 : i32
      %parallel_loop3A_240 = arith.muli %parallel_loop3A_238, %parallel_loop3A_239 : i32
      %parallel_loop3A_241 = arith.constant 0 : i32
      %parallel_loop3A_242 = arith.addi %parallel_loop3A_241, %parallel_loop3A_240 : i32
      %parallel_loop3A_243 = arith.index_cast %parallel_loop3A_222 : i32 to index
      %parallel_loop3A_244 = arith.index_cast %parallel_loop3A_242 : i32 to index
      %parallel_loop3A_245 = tpu.vector_load %arg9[%parallel_loop3A_243, %parallel_loop3A_244] {strides = array<i32>} : memref<8x256xi32, #tpu.memory_space<vmem>>, vector<16xi32>,
      %parallel_loop3A_246 = arith.constant 2 : i32
      %parallel_loop3A_247 = vector.broadcast %parallel_loop3A_246 : i32 to vector<16xi32>
      %parallel_loop3A_248 = arith.muli %parallel_loop3A_245, %parallel_loop3A_247 : vector<16xi32>
      %parallel_loop3A_249 = tpu.vector_load_idx %arg10[%parallel_loop3A_248] : memref<40xi32, #tpu.memory_space<vmem>>[vector<16xi32>], vector<16xi32>,
      %parallel_loop3A_250 = arith.constant 1 : i32
      %parallel_loop3A_251 = vector.broadcast %parallel_loop3A_250 : i32 to vector<16xi32>
      %parallel_loop3A_252 = arith.addi %parallel_loop3A_248, %parallel_loop3A_251 : vector<16xi32>
      %parallel_loop3A_253 = tpu.vector_load_idx %arg10[%parallel_loop3A_252] : memref<40xi32, #tpu.memory_space<vmem>>[vector<16xi32>], vector<16xi32>,
      %parallel_loop3A_254 = vector.broadcast %parallel_loop3A_222 : i32 to vector<16xi32>
      %parallel_loop3A_255 = vector.broadcast %parallel_loop3A_240 : i32 to vector<16xi32>
      %parallel_loop3A_256 = arith.addi %parallel_loop3A_255, %iota3A : vector<16xi32>
      %parallel_loop3A_257 = arith.constant 0 : i32
      %parallel_loop3A_258 = vector.broadcast %parallel_loop3A_257 : i32 to vector<16xi32>
      %parallel_loop3A_259 = arith.shrsi %parallel_loop3A_249, %parallel_loop3A_258 : vector<16xi32>
      %parallel_loop3A_260 = arith.constant 63 : i32
      %parallel_loop3A_261 = vector.broadcast %parallel_loop3A_260 : i32 to vector<16xi32>
      %parallel_loop3A_262 = arith.andi %parallel_loop3A_259, %parallel_loop3A_261 : vector<16xi32>
      %parallel_loop3A_263 = arith.constant 12 : i32
      %parallel_loop3A_264 = vector.broadcast %parallel_loop3A_263 : i32 to vector<16xi32>
      %parallel_loop3A_265 = arith.addi %parallel_loop3A_262, %parallel_loop3A_264 : vector<16xi32>
      %parallel_loop3A_266 = arith.constant 0 : i32
      %parallel_loop3A_267 = vector.broadcast %parallel_loop3A_266 : i32 to vector<16xi32>
      %parallel_loop3A_268 = arith.addi %parallel_loop3A_265, %parallel_loop3A_267 : vector<16xi32>
      %parallel_loop3A_269 = tpu.vector_load_idx %arg6[%parallel_loop3A_268, %parallel_loop3A_254, %parallel_loop3A_256] : memref<42x8x128xf32, #tpu.memory_space<vmem>>[vector<16xi32>, vector<16xi32>, vector<16xi32>], vector<16xf32>,
      %parallel_loop3A_270 = arith.constant 0 : i32
      %parallel_loop3A_271 = vector.broadcast %parallel_loop3A_270 : i32 to vector<16xi32>
      tpu.vector_store_idx %arg8[%parallel_loop3A_271, %parallel_loop3A_254, %parallel_loop3A_256], %parallel_loop3A_269 : memref<30x8x128xf32, #tpu.memory_space<vmem>>[vector<16xi32>, vector<16xi32>, vector<16xi32>], vector<16xf32>,
      %parallel_loop3A_272 = arith.constant 1 : i32
      %parallel_loop3A_273 = vector.broadcast %parallel_loop3A_272 : i32 to vector<16xi32>
      %parallel_loop3A_274 = arith.addi %parallel_loop3A_265, %parallel_loop3A_273 : vector<16xi32>
      %parallel_loop3A_275 = tpu.vector_load_idx %arg6[%parallel_loop3A_274, %parallel_loop3A_254, %parallel_loop3A_256] : memref<42x8x128xf32, #tpu.memory_space<vmem>>[vector<16xi32>, vector<16xi32>, vector<16xi32>], vector<16xf32>,
      %parallel_loop3A_276 = arith.constant 1 : i32
      %parallel_loop3A_277 = vector.broadcast %parallel_loop3A_276 : i32 to vector<16xi32>
      tpu.vector_store_idx %arg8[%parallel_loop3A_277, %parallel_loop3A_254, %parallel_loop3A_256], %parallel_loop3A_275 : memref<30x8x128xf32, #tpu.memory_space<vmem>>[vector<16xi32>, vector<16xi32>, vector<16xi32>], vector<16xf32>,
      %parallel_loop3A_278 = arith.constant 2 : i32
      %parallel_loop3A_279 = vector.broadcast %parallel_loop3A_278 : i32 to vector<16xi32>
      %parallel_loop3A_280 = arith.addi %parallel_loop3A_265, %parallel_loop3A_279 : vector<16xi32>
      %parallel_loop3A_281 = tpu.vector_load_idx %arg6[%parallel_loop3A_280, %parallel_loop3A_254, %parallel_loop3A_256] : memref<42x8x128xf32, #tpu.memory_space<vmem>>[vector<16xi32>, vector<16xi32>, vector<16xi32>], vector<16xf32>,
      %parallel_loop3A_282 = arith.constant 2 : i32
      %parallel_loop3A_283 = vector.broadcast %parallel_loop3A_282 : i32 to vector<16xi32>
      tpu.vector_store_idx %arg8[%parallel_loop3A_283, %parallel_loop3A_254, %parallel_loop3A_256], %parallel_loop3A_281 : memref<30x8x128xf32, #tpu.memory_space<vmem>>[vector<16xi32>, vector<16xi32>, vector<16xi32>], vector<16xf32>,
      %parallel_loop3A_284 = arith.constant 6 : i32
      %parallel_loop3A_285 = vector.broadcast %parallel_loop3A_284 : i32 to vector<16xi32>
      %parallel_loop3A_286 = arith.shrsi %parallel_loop3A_249, %parallel_loop3A_285 : vector<16xi32>
      %parallel_loop3A_287 = arith.constant 63 : i32
      %parallel_loop3A_288 = vector.broadcast %parallel_loop3A_287 : i32 to vector<16xi32>
      %parallel_loop3A_289 = arith.andi %parallel_loop3A_286, %parallel_loop3A_288 : vector<16xi32>
      %parallel_loop3A_290 = arith.constant 12 : i32
      %parallel_loop3A_291 = vector.broadcast %parallel_loop3A_290 : i32 to vector<16xi32>
      %parallel_loop3A_292 = arith.addi %parallel_loop3A_289, %parallel_loop3A_291 : vector<16xi32>
      %parallel_loop3A_293 = arith.constant 0 : i32
      %parallel_loop3A_294 = vector.broadcast %parallel_loop3A_293 : i32 to vector<16xi32>
      %parallel_loop3A_295 = arith.addi %parallel_loop3A_292, %parallel_loop3A_294 : vector<16xi32>
      %parallel_loop3A_296 = tpu.vector_load_idx %arg6[%parallel_loop3A_295, %parallel_loop3A_254, %parallel_loop3A_256] : memref<42x8x128xf32, #tpu.memory_space<vmem>>[vector<16xi32>, vector<16xi32>, vector<16xi32>], vector<16xf32>,
      %parallel_loop3A_297 = arith.constant 3 : i32
      %parallel_loop3A_298 = vector.broadcast %parallel_loop3A_297 : i32 to vector<16xi32>
      tpu.vector_store_idx %arg8[%parallel_loop3A_298, %parallel_loop3A_254, %parallel_loop3A_256], %parallel_loop3A_296 : memref<30x8x128xf32, #tpu.memory_space<vmem>>[vector<16xi32>, vector<16xi32>, vector<16xi32>], vector<16xf32>,
      %parallel_loop3A_299 = arith.constant 1 : i32
      %parallel_loop3A_300 = vector.broadcast %parallel_loop3A_299 : i32 to vector<16xi32>
      %parallel_loop3A_301 = arith.addi %parallel_loop3A_292, %parallel_loop3A_300 : vector<16xi32>
      %parallel_loop3A_302 = tpu.vector_load_idx %arg6[%parallel_loop3A_301, %parallel_loop3A_254, %parallel_loop3A_256] : memref<42x8x128xf32, #tpu.memory_space<vmem>>[vector<16xi32>, vector<16xi32>, vector<16xi32>], vector<16xf32>,
      %parallel_loop3A_303 = arith.constant 4 : i32
      %parallel_loop3A_304 = vector.broadcast %parallel_loop3A_303 : i32 to vector<16xi32>
      tpu.vector_store_idx %arg8[%parallel_loop3A_304, %parallel_loop3A_254, %parallel_loop3A_256], %parallel_loop3A_302 : memref<30x8x128xf32, #tpu.memory_space<vmem>>[vector<16xi32>, vector<16xi32>, vector<16xi32>], vector<16xf32>,
      %parallel_loop3A_305 = arith.constant 2 : i32
      %parallel_loop3A_306 = vector.broadcast %parallel_loop3A_305 : i32 to vector<16xi32>
      %parallel_loop3A_307 = arith.addi %parallel_loop3A_292, %parallel_loop3A_306 : vector<16xi32>
      %parallel_loop3A_308 = tpu.vector_load_idx %arg6[%parallel_loop3A_307, %parallel_loop3A_254, %parallel_loop3A_256] : memref<42x8x128xf32, #tpu.memory_space<vmem>>[vector<16xi32>, vector<16xi32>, vector<16xi32>], vector<16xf32>,
      %parallel_loop3A_309 = arith.constant 5 : i32
      %parallel_loop3A_310 = vector.broadcast %parallel_loop3A_309 : i32 to vector<16xi32>
      tpu.vector_store_idx %arg8[%parallel_loop3A_310, %parallel_loop3A_254, %parallel_loop3A_256], %parallel_loop3A_308 : memref<30x8x128xf32, #tpu.memory_space<vmem>>[vector<16xi32>, vector<16xi32>, vector<16xi32>], vector<16xf32>,
      %parallel_loop3A_311 = arith.constant 12 : i32
      %parallel_loop3A_312 = vector.broadcast %parallel_loop3A_311 : i32 to vector<16xi32>
      %parallel_loop3A_313 = arith.shrsi %parallel_loop3A_249, %parallel_loop3A_312 : vector<16xi32>
      %parallel_loop3A_314 = arith.constant 63 : i32
      %parallel_loop3A_315 = vector.broadcast %parallel_loop3A_314 : i32 to vector<16xi32>
      %parallel_loop3A_316 = arith.andi %parallel_loop3A_313, %parallel_loop3A_315 : vector<16xi32>
      %parallel_loop3A_317 = arith.constant 12 : i32
      %parallel_loop3A_318 = vector.broadcast %parallel_loop3A_317 : i32 to vector<16xi32>
      %parallel_loop3A_319 = arith.addi %parallel_loop3A_316, %parallel_loop3A_318 : vector<16xi32>
      %parallel_loop3A_320 = arith.constant 0 : i32
      %parallel_loop3A_321 = vector.broadcast %parallel_loop3A_320 : i32 to vector<16xi32>
      %parallel_loop3A_322 = arith.addi %parallel_loop3A_319, %parallel_loop3A_321 : vector<16xi32>
      %parallel_loop3A_323 = tpu.vector_load_idx %arg6[%parallel_loop3A_322, %parallel_loop3A_254, %parallel_loop3A_256] : memref<42x8x128xf32, #tpu.memory_space<vmem>>[vector<16xi32>, vector<16xi32>, vector<16xi32>], vector<16xf32>,
      %parallel_loop3A_324 = arith.constant 6 : i32
      %parallel_loop3A_325 = vector.broadcast %parallel_loop3A_324 : i32 to vector<16xi32>
      tpu.vector_store_idx %arg8[%parallel_loop3A_325, %parallel_loop3A_254, %parallel_loop3A_256], %parallel_loop3A_323 : memref<30x8x128xf32, #tpu.memory_space<vmem>>[vector<16xi32>, vector<16xi32>, vector<16xi32>], vector<16xf32>,
      %parallel_loop3A_326 = arith.constant 1 : i32
      %parallel_loop3A_327 = vector.broadcast %parallel_loop3A_326 : i32 to vector<16xi32>
      %parallel_loop3A_328 = arith.addi %parallel_loop3A_319, %parallel_loop3A_327 : vector<16xi32>
      %parallel_loop3A_329 = tpu.vector_load_idx %arg6[%parallel_loop3A_328, %parallel_loop3A_254, %parallel_loop3A_256] : memref<42x8x128xf32, #tpu.memory_space<vmem>>[vector<16xi32>, vector<16xi32>, vector<16xi32>], vector<16xf32>,
      %parallel_loop3A_330 = arith.constant 7 : i32
      %parallel_loop3A_331 = vector.broadcast %parallel_loop3A_330 : i32 to vector<16xi32>
      tpu.vector_store_idx %arg8[%parallel_loop3A_331, %parallel_loop3A_254, %parallel_loop3A_256], %parallel_loop3A_329 : memref<30x8x128xf32, #tpu.memory_space<vmem>>[vector<16xi32>, vector<16xi32>, vector<16xi32>], vector<16xf32>,
      %parallel_loop3A_332 = arith.constant 2 : i32
      %parallel_loop3A_333 = vector.broadcast %parallel_loop3A_332 : i32 to vector<16xi32>
      %parallel_loop3A_334 = arith.addi %parallel_loop3A_319, %parallel_loop3A_333 : vector<16xi32>
      %parallel_loop3A_335 = tpu.vector_load_idx %arg6[%parallel_loop3A_334, %parallel_loop3A_254, %parallel_loop3A_256] : memref<42x8x128xf32, #tpu.memory_space<vmem>>[vector<16xi32>, vector<16xi32>, vector<16xi32>], vector<16xf32>,
      %parallel_loop3A_336 = arith.constant 8 : i32
      %parallel_loop3A_337 = vector.broadcast %parallel_loop3A_336 : i32 to vector<16xi32>
      tpu.vector_store_idx %arg8[%parallel_loop3A_337, %parallel_loop3A_254, %parallel_loop3A_256], %parallel_loop3A_335 : memref<30x8x128xf32, #tpu.memory_space<vmem>>[vector<16xi32>, vector<16xi32>, vector<16xi32>], vector<16xf32>,
      %parallel_loop3A_338 = arith.constant 18 : i32
      %parallel_loop3A_339 = vector.broadcast %parallel_loop3A_338 : i32 to vector<16xi32>
      %parallel_loop3A_340 = arith.shrsi %parallel_loop3A_249, %parallel_loop3A_339 : vector<16xi32>
      %parallel_loop3A_341 = arith.constant 63 : i32
      %parallel_loop3A_342 = vector.broadcast %parallel_loop3A_341 : i32 to vector<16xi32>
      %parallel_loop3A_343 = arith.andi %parallel_loop3A_340, %parallel_loop3A_342 : vector<16xi32>
      %parallel_loop3A_344 = arith.constant 12 : i32
      %parallel_loop3A_345 = vector.broadcast %parallel_loop3A_344 : i32 to vector<16xi32>
      %parallel_loop3A_346 = arith.addi %parallel_loop3A_343, %parallel_loop3A_345 : vector<16xi32>
      %parallel_loop3A_347 = arith.constant 0 : i32
      %parallel_loop3A_348 = vector.broadcast %parallel_loop3A_347 : i32 to vector<16xi32>
      %parallel_loop3A_349 = arith.addi %parallel_loop3A_346, %parallel_loop3A_348 : vector<16xi32>
      %parallel_loop3A_350 = tpu.vector_load_idx %arg6[%parallel_loop3A_349, %parallel_loop3A_254, %parallel_loop3A_256] : memref<42x8x128xf32, #tpu.memory_space<vmem>>[vector<16xi32>, vector<16xi32>, vector<16xi32>], vector<16xf32>,
      %parallel_loop3A_351 = arith.constant 9 : i32
      %parallel_loop3A_352 = vector.broadcast %parallel_loop3A_351 : i32 to vector<16xi32>
      tpu.vector_store_idx %arg8[%parallel_loop3A_352, %parallel_loop3A_254, %parallel_loop3A_256], %parallel_loop3A_350 : memref<30x8x128xf32, #tpu.memory_space<vmem>>[vector<16xi32>, vector<16xi32>, vector<16xi32>], vector<16xf32>,
      %parallel_loop3A_353 = arith.constant 1 : i32
      %parallel_loop3A_354 = vector.broadcast %parallel_loop3A_353 : i32 to vector<16xi32>
      %parallel_loop3A_355 = arith.addi %parallel_loop3A_346, %parallel_loop3A_354 : vector<16xi32>
      %parallel_loop3A_356 = tpu.vector_load_idx %arg6[%parallel_loop3A_355, %parallel_loop3A_254, %parallel_loop3A_256] : memref<42x8x128xf32, #tpu.memory_space<vmem>>[vector<16xi32>, vector<16xi32>, vector<16xi32>], vector<16xf32>,
      %parallel_loop3A_357 = arith.constant 10 : i32
      %parallel_loop3A_358 = vector.broadcast %parallel_loop3A_357 : i32 to vector<16xi32>
      tpu.vector_store_idx %arg8[%parallel_loop3A_358, %parallel_loop3A_254, %parallel_loop3A_256], %parallel_loop3A_356 : memref<30x8x128xf32, #tpu.memory_space<vmem>>[vector<16xi32>, vector<16xi32>, vector<16xi32>], vector<16xf32>,
      %parallel_loop3A_359 = arith.constant 2 : i32
      %parallel_loop3A_360 = vector.broadcast %parallel_loop3A_359 : i32 to vector<16xi32>
      %parallel_loop3A_361 = arith.addi %parallel_loop3A_346, %parallel_loop3A_360 : vector<16xi32>
      %parallel_loop3A_362 = tpu.vector_load_idx %arg6[%parallel_loop3A_361, %parallel_loop3A_254, %parallel_loop3A_256] : memref<42x8x128xf32, #tpu.memory_space<vmem>>[vector<16xi32>, vector<16xi32>, vector<16xi32>], vector<16xf32>,
      %parallel_loop3A_363 = arith.constant 11 : i32
      %parallel_loop3A_364 = vector.broadcast %parallel_loop3A_363 : i32 to vector<16xi32>
      tpu.vector_store_idx %arg8[%parallel_loop3A_364, %parallel_loop3A_254, %parallel_loop3A_256], %parallel_loop3A_362 : memref<30x8x128xf32, #tpu.memory_space<vmem>>[vector<16xi32>, vector<16xi32>, vector<16xi32>], vector<16xf32>,
      %parallel_loop3A_365 = arith.constant 24 : i32
      %parallel_loop3A_366 = vector.broadcast %parallel_loop3A_365 : i32 to vector<16xi32>
      %parallel_loop3A_367 = arith.shrsi %parallel_loop3A_249, %parallel_loop3A_366 : vector<16xi32>
      %parallel_loop3A_368 = arith.constant 63 : i32
      %parallel_loop3A_369 = vector.broadcast %parallel_loop3A_368 : i32 to vector<16xi32>
      %parallel_loop3A_370 = arith.andi %parallel_loop3A_367, %parallel_loop3A_369 : vector<16xi32>
      %parallel_loop3A_371 = arith.constant 12 : i32
      %parallel_loop3A_372 = vector.broadcast %parallel_loop3A_371 : i32 to vector<16xi32>
      %parallel_loop3A_373 = arith.addi %parallel_loop3A_370, %parallel_loop3A_372 : vector<16xi32>
      %parallel_loop3A_374 = arith.constant 0 : i32
      %parallel_loop3A_375 = vector.broadcast %parallel_loop3A_374 : i32 to vector<16xi32>
      %parallel_loop3A_376 = arith.addi %parallel_loop3A_373, %parallel_loop3A_375 : vector<16xi32>
      %parallel_loop3A_377 = tpu.vector_load_idx %arg6[%parallel_loop3A_376, %parallel_loop3A_254, %parallel_loop3A_256] : memref<42x8x128xf32, #tpu.memory_space<vmem>>[vector<16xi32>, vector<16xi32>, vector<16xi32>], vector<16xf32>,
      %parallel_loop3A_378 = arith.constant 12 : i32
      %parallel_loop3A_379 = vector.broadcast %parallel_loop3A_378 : i32 to vector<16xi32>
      tpu.vector_store_idx %arg8[%parallel_loop3A_379, %parallel_loop3A_254, %parallel_loop3A_256], %parallel_loop3A_377 : memref<30x8x128xf32, #tpu.memory_space<vmem>>[vector<16xi32>, vector<16xi32>, vector<16xi32>], vector<16xf32>,
      %parallel_loop3A_380 = arith.constant 1 : i32
      %parallel_loop3A_381 = vector.broadcast %parallel_loop3A_380 : i32 to vector<16xi32>
      %parallel_loop3A_382 = arith.addi %parallel_loop3A_373, %parallel_loop3A_381 : vector<16xi32>
      %parallel_loop3A_383 = tpu.vector_load_idx %arg6[%parallel_loop3A_382, %parallel_loop3A_254, %parallel_loop3A_256] : memref<42x8x128xf32, #tpu.memory_space<vmem>>[vector<16xi32>, vector<16xi32>, vector<16xi32>], vector<16xf32>,
      %parallel_loop3A_384 = arith.constant 13 : i32
      %parallel_loop3A_385 = vector.broadcast %parallel_loop3A_384 : i32 to vector<16xi32>
      tpu.vector_store_idx %arg8[%parallel_loop3A_385, %parallel_loop3A_254, %parallel_loop3A_256], %parallel_loop3A_383 : memref<30x8x128xf32, #tpu.memory_space<vmem>>[vector<16xi32>, vector<16xi32>, vector<16xi32>], vector<16xf32>,
      %parallel_loop3A_386 = arith.constant 2 : i32
      %parallel_loop3A_387 = vector.broadcast %parallel_loop3A_386 : i32 to vector<16xi32>
      %parallel_loop3A_388 = arith.addi %parallel_loop3A_373, %parallel_loop3A_387 : vector<16xi32>
      %parallel_loop3A_389 = tpu.vector_load_idx %arg6[%parallel_loop3A_388, %parallel_loop3A_254, %parallel_loop3A_256] : memref<42x8x128xf32, #tpu.memory_space<vmem>>[vector<16xi32>, vector<16xi32>, vector<16xi32>], vector<16xf32>,
      %parallel_loop3A_390 = arith.constant 14 : i32
      %parallel_loop3A_391 = vector.broadcast %parallel_loop3A_390 : i32 to vector<16xi32>
      tpu.vector_store_idx %arg8[%parallel_loop3A_391, %parallel_loop3A_254, %parallel_loop3A_256], %parallel_loop3A_389 : memref<30x8x128xf32, #tpu.memory_space<vmem>>[vector<16xi32>, vector<16xi32>, vector<16xi32>], vector<16xf32>,
      %parallel_loop3A_392 = arith.constant 0 : i32
      %parallel_loop3A_393 = vector.broadcast %parallel_loop3A_392 : i32 to vector<16xi32>
      %parallel_loop3A_394 = arith.shrsi %parallel_loop3A_253, %parallel_loop3A_393 : vector<16xi32>
      %parallel_loop3A_395 = arith.constant 63 : i32
      %parallel_loop3A_396 = vector.broadcast %parallel_loop3A_395 : i32 to vector<16xi32>
      %parallel_loop3A_397 = arith.andi %parallel_loop3A_394, %parallel_loop3A_396 : vector<16xi32>
      %parallel_loop3A_398 = arith.constant 12 : i32
      %parallel_loop3A_399 = vector.broadcast %parallel_loop3A_398 : i32 to vector<16xi32>
      %parallel_loop3A_400 = arith.addi %parallel_loop3A_397, %parallel_loop3A_399 : vector<16xi32>
      %parallel_loop3A_401 = arith.constant 0 : i32
      %parallel_loop3A_402 = vector.broadcast %parallel_loop3A_401 : i32 to vector<16xi32>
      %parallel_loop3A_403 = arith.addi %parallel_loop3A_400, %parallel_loop3A_402 : vector<16xi32>
      %parallel_loop3A_404 = tpu.vector_load_idx %arg6[%parallel_loop3A_403, %parallel_loop3A_254, %parallel_loop3A_256] : memref<42x8x128xf32, #tpu.memory_space<vmem>>[vector<16xi32>, vector<16xi32>, vector<16xi32>], vector<16xf32>,
      %parallel_loop3A_405 = arith.constant 15 : i32
      %parallel_loop3A_406 = vector.broadcast %parallel_loop3A_405 : i32 to vector<16xi32>
      tpu.vector_store_idx %arg8[%parallel_loop3A_406, %parallel_loop3A_254, %parallel_loop3A_256], %parallel_loop3A_404 : memref<30x8x128xf32, #tpu.memory_space<vmem>>[vector<16xi32>, vector<16xi32>, vector<16xi32>], vector<16xf32>,
      %parallel_loop3A_407 = arith.constant 1 : i32
      %parallel_loop3A_408 = vector.broadcast %parallel_loop3A_407 : i32 to vector<16xi32>
      %parallel_loop3A_409 = arith.addi %parallel_loop3A_400, %parallel_loop3A_408 : vector<16xi32>
      %parallel_loop3A_410 = tpu.vector_load_idx %arg6[%parallel_loop3A_409, %parallel_loop3A_254, %parallel_loop3A_256] : memref<42x8x128xf32, #tpu.memory_space<vmem>>[vector<16xi32>, vector<16xi32>, vector<16xi32>], vector<16xf32>,
      %parallel_loop3A_411 = arith.constant 16 : i32
      %parallel_loop3A_412 = vector.broadcast %parallel_loop3A_411 : i32 to vector<16xi32>
      tpu.vector_store_idx %arg8[%parallel_loop3A_412, %parallel_loop3A_254, %parallel_loop3A_256], %parallel_loop3A_410 : memref<30x8x128xf32, #tpu.memory_space<vmem>>[vector<16xi32>, vector<16xi32>, vector<16xi32>], vector<16xf32>,
      %parallel_loop3A_413 = arith.constant 2 : i32
      %parallel_loop3A_414 = vector.broadcast %parallel_loop3A_413 : i32 to vector<16xi32>
      %parallel_loop3A_415 = arith.addi %parallel_loop3A_400, %parallel_loop3A_414 : vector<16xi32>
      %parallel_loop3A_416 = tpu.vector_load_idx %arg6[%parallel_loop3A_415, %parallel_loop3A_254, %parallel_loop3A_256] : memref<42x8x128xf32, #tpu.memory_space<vmem>>[vector<16xi32>, vector<16xi32>, vector<16xi32>], vector<16xf32>,
      %parallel_loop3A_417 = arith.constant 17 : i32
      %parallel_loop3A_418 = vector.broadcast %parallel_loop3A_417 : i32 to vector<16xi32>
      tpu.vector_store_idx %arg8[%parallel_loop3A_418, %parallel_loop3A_254, %parallel_loop3A_256], %parallel_loop3A_416 : memref<30x8x128xf32, #tpu.memory_space<vmem>>[vector<16xi32>, vector<16xi32>, vector<16xi32>], vector<16xf32>,
      %parallel_loop3A_419 = arith.constant 6 : i32
      %parallel_loop3A_420 = vector.broadcast %parallel_loop3A_419 : i32 to vector<16xi32>
      %parallel_loop3A_421 = arith.shrsi %parallel_loop3A_253, %parallel_loop3A_420 : vector<16xi32>
      %parallel_loop3A_422 = arith.constant 63 : i32
      %parallel_loop3A_423 = vector.broadcast %parallel_loop3A_422 : i32 to vector<16xi32>
      %parallel_loop3A_424 = arith.andi %parallel_loop3A_421, %parallel_loop3A_423 : vector<16xi32>
      %parallel_loop3A_425 = arith.constant 12 : i32
      %parallel_loop3A_426 = vector.broadcast %parallel_loop3A_425 : i32 to vector<16xi32>
      %parallel_loop3A_427 = arith.addi %parallel_loop3A_424, %parallel_loop3A_426 : vector<16xi32>
      %parallel_loop3A_428 = arith.constant 0 : i32
      %parallel_loop3A_429 = vector.broadcast %parallel_loop3A_428 : i32 to vector<16xi32>
      %parallel_loop3A_430 = arith.addi %parallel_loop3A_427, %parallel_loop3A_429 : vector<16xi32>
      %parallel_loop3A_431 = tpu.vector_load_idx %arg6[%parallel_loop3A_430, %parallel_loop3A_254, %parallel_loop3A_256] : memref<42x8x128xf32, #tpu.memory_space<vmem>>[vector<16xi32>, vector<16xi32>, vector<16xi32>], vector<16xf32>,
      %parallel_loop3A_432 = arith.constant 18 : i32
      %parallel_loop3A_433 = vector.broadcast %parallel_loop3A_432 : i32 to vector<16xi32>
      tpu.vector_store_idx %arg8[%parallel_loop3A_433, %parallel_loop3A_254, %parallel_loop3A_256], %parallel_loop3A_431 : memref<30x8x128xf32, #tpu.memory_space<vmem>>[vector<16xi32>, vector<16xi32>, vector<16xi32>], vector<16xf32>,
      %parallel_loop3A_434 = arith.constant 1 : i32
      %parallel_loop3A_435 = vector.broadcast %parallel_loop3A_434 : i32 to vector<16xi32>
      %parallel_loop3A_436 = arith.addi %parallel_loop3A_427, %parallel_loop3A_435 : vector<16xi32>
      %parallel_loop3A_437 = tpu.vector_load_idx %arg6[%parallel_loop3A_436, %parallel_loop3A_254, %parallel_loop3A_256] : memref<42x8x128xf32, #tpu.memory_space<vmem>>[vector<16xi32>, vector<16xi32>, vector<16xi32>], vector<16xf32>,
      %parallel_loop3A_438 = arith.constant 19 : i32
      %parallel_loop3A_439 = vector.broadcast %parallel_loop3A_438 : i32 to vector<16xi32>
      tpu.vector_store_idx %arg8[%parallel_loop3A_439, %parallel_loop3A_254, %parallel_loop3A_256], %parallel_loop3A_437 : memref<30x8x128xf32, #tpu.memory_space<vmem>>[vector<16xi32>, vector<16xi32>, vector<16xi32>], vector<16xf32>,
      %parallel_loop3A_440 = arith.constant 2 : i32
      %parallel_loop3A_441 = vector.broadcast %parallel_loop3A_440 : i32 to vector<16xi32>
      %parallel_loop3A_442 = arith.addi %parallel_loop3A_427, %parallel_loop3A_441 : vector<16xi32>
      %parallel_loop3A_443 = tpu.vector_load_idx %arg6[%parallel_loop3A_442, %parallel_loop3A_254, %parallel_loop3A_256] : memref<42x8x128xf32, #tpu.memory_space<vmem>>[vector<16xi32>, vector<16xi32>, vector<16xi32>], vector<16xf32>,
      %parallel_loop3A_444 = arith.constant 20 : i32
      %parallel_loop3A_445 = vector.broadcast %parallel_loop3A_444 : i32 to vector<16xi32>
      tpu.vector_store_idx %arg8[%parallel_loop3A_445, %parallel_loop3A_254, %parallel_loop3A_256], %parallel_loop3A_443 : memref<30x8x128xf32, #tpu.memory_space<vmem>>[vector<16xi32>, vector<16xi32>, vector<16xi32>], vector<16xf32>,
      %parallel_loop3A_446 = arith.constant 12 : i32
      %parallel_loop3A_447 = vector.broadcast %parallel_loop3A_446 : i32 to vector<16xi32>
      %parallel_loop3A_448 = arith.shrsi %parallel_loop3A_253, %parallel_loop3A_447 : vector<16xi32>
      %parallel_loop3A_449 = arith.constant 63 : i32
      %parallel_loop3A_450 = vector.broadcast %parallel_loop3A_449 : i32 to vector<16xi32>
      %parallel_loop3A_451 = arith.andi %parallel_loop3A_448, %parallel_loop3A_450 : vector<16xi32>
      %parallel_loop3A_452 = arith.constant 12 : i32
      %parallel_loop3A_453 = vector.broadcast %parallel_loop3A_452 : i32 to vector<16xi32>
      %parallel_loop3A_454 = arith.addi %parallel_loop3A_451, %parallel_loop3A_453 : vector<16xi32>
      %parallel_loop3A_455 = arith.constant 0 : i32
      %parallel_loop3A_456 = vector.broadcast %parallel_loop3A_455 : i32 to vector<16xi32>
      %parallel_loop3A_457 = arith.addi %parallel_loop3A_454, %parallel_loop3A_456 : vector<16xi32>
      %parallel_loop3A_458 = tpu.vector_load_idx %arg6[%parallel_loop3A_457, %parallel_loop3A_254, %parallel_loop3A_256] : memref<42x8x128xf32, #tpu.memory_space<vmem>>[vector<16xi32>, vector<16xi32>, vector<16xi32>], vector<16xf32>,
      %parallel_loop3A_459 = arith.constant 21 : i32
      %parallel_loop3A_460 = vector.broadcast %parallel_loop3A_459 : i32 to vector<16xi32>
      tpu.vector_store_idx %arg8[%parallel_loop3A_460, %parallel_loop3A_254, %parallel_loop3A_256], %parallel_loop3A_458 : memref<30x8x128xf32, #tpu.memory_space<vmem>>[vector<16xi32>, vector<16xi32>, vector<16xi32>], vector<16xf32>,
      %parallel_loop3A_461 = arith.constant 1 : i32
      %parallel_loop3A_462 = vector.broadcast %parallel_loop3A_461 : i32 to vector<16xi32>
      %parallel_loop3A_463 = arith.addi %parallel_loop3A_454, %parallel_loop3A_462 : vector<16xi32>
      %parallel_loop3A_464 = tpu.vector_load_idx %arg6[%parallel_loop3A_463, %parallel_loop3A_254, %parallel_loop3A_256] : memref<42x8x128xf32, #tpu.memory_space<vmem>>[vector<16xi32>, vector<16xi32>, vector<16xi32>], vector<16xf32>,
      %parallel_loop3A_465 = arith.constant 22 : i32
      %parallel_loop3A_466 = vector.broadcast %parallel_loop3A_465 : i32 to vector<16xi32>
      tpu.vector_store_idx %arg8[%parallel_loop3A_466, %parallel_loop3A_254, %parallel_loop3A_256], %parallel_loop3A_464 : memref<30x8x128xf32, #tpu.memory_space<vmem>>[vector<16xi32>, vector<16xi32>, vector<16xi32>], vector<16xf32>,
      %parallel_loop3A_467 = arith.constant 2 : i32
      %parallel_loop3A_468 = vector.broadcast %parallel_loop3A_467 : i32 to vector<16xi32>
      %parallel_loop3A_469 = arith.addi %parallel_loop3A_454, %parallel_loop3A_468 : vector<16xi32>
      %parallel_loop3A_470 = tpu.vector_load_idx %arg6[%parallel_loop3A_469, %parallel_loop3A_254, %parallel_loop3A_256] : memref<42x8x128xf32, #tpu.memory_space<vmem>>[vector<16xi32>, vector<16xi32>, vector<16xi32>], vector<16xf32>,
      %parallel_loop3A_471 = arith.constant 23 : i32
      %parallel_loop3A_472 = vector.broadcast %parallel_loop3A_471 : i32 to vector<16xi32>
      tpu.vector_store_idx %arg8[%parallel_loop3A_472, %parallel_loop3A_254, %parallel_loop3A_256], %parallel_loop3A_470 : memref<30x8x128xf32, #tpu.memory_space<vmem>>[vector<16xi32>, vector<16xi32>, vector<16xi32>], vector<16xf32>,
      %parallel_loop3A_473 = arith.constant 18 : i32
      %parallel_loop3A_474 = vector.broadcast %parallel_loop3A_473 : i32 to vector<16xi32>
      %parallel_loop3A_475 = arith.shrsi %parallel_loop3A_253, %parallel_loop3A_474 : vector<16xi32>
      %parallel_loop3A_476 = arith.constant 63 : i32
      %parallel_loop3A_477 = vector.broadcast %parallel_loop3A_476 : i32 to vector<16xi32>
      %parallel_loop3A_478 = arith.andi %parallel_loop3A_475, %parallel_loop3A_477 : vector<16xi32>
      %parallel_loop3A_479 = arith.constant 12 : i32
      %parallel_loop3A_480 = vector.broadcast %parallel_loop3A_479 : i32 to vector<16xi32>
      %parallel_loop3A_481 = arith.addi %parallel_loop3A_478, %parallel_loop3A_480 : vector<16xi32>
      %parallel_loop3A_482 = arith.constant 0 : i32
      %parallel_loop3A_483 = vector.broadcast %parallel_loop3A_482 : i32 to vector<16xi32>
      %parallel_loop3A_484 = arith.addi %parallel_loop3A_481, %parallel_loop3A_483 : vector<16xi32>
      %parallel_loop3A_485 = tpu.vector_load_idx %arg6[%parallel_loop3A_484, %parallel_loop3A_254, %parallel_loop3A_256] : memref<42x8x128xf32, #tpu.memory_space<vmem>>[vector<16xi32>, vector<16xi32>, vector<16xi32>], vector<16xf32>,
      %parallel_loop3A_486 = arith.constant 24 : i32
      %parallel_loop3A_487 = vector.broadcast %parallel_loop3A_486 : i32 to vector<16xi32>
      tpu.vector_store_idx %arg8[%parallel_loop3A_487, %parallel_loop3A_254, %parallel_loop3A_256], %parallel_loop3A_485 : memref<30x8x128xf32, #tpu.memory_space<vmem>>[vector<16xi32>, vector<16xi32>, vector<16xi32>], vector<16xf32>,
      %parallel_loop3A_488 = arith.constant 1 : i32
      %parallel_loop3A_489 = vector.broadcast %parallel_loop3A_488 : i32 to vector<16xi32>
      %parallel_loop3A_490 = arith.addi %parallel_loop3A_481, %parallel_loop3A_489 : vector<16xi32>
      %parallel_loop3A_491 = tpu.vector_load_idx %arg6[%parallel_loop3A_490, %parallel_loop3A_254, %parallel_loop3A_256] : memref<42x8x128xf32, #tpu.memory_space<vmem>>[vector<16xi32>, vector<16xi32>, vector<16xi32>], vector<16xf32>,
      %parallel_loop3A_492 = arith.constant 25 : i32
      %parallel_loop3A_493 = vector.broadcast %parallel_loop3A_492 : i32 to vector<16xi32>
      tpu.vector_store_idx %arg8[%parallel_loop3A_493, %parallel_loop3A_254, %parallel_loop3A_256], %parallel_loop3A_491 : memref<30x8x128xf32, #tpu.memory_space<vmem>>[vector<16xi32>, vector<16xi32>, vector<16xi32>], vector<16xf32>,
      %parallel_loop3A_494 = arith.constant 2 : i32
      %parallel_loop3A_495 = vector.broadcast %parallel_loop3A_494 : i32 to vector<16xi32>
      %parallel_loop3A_496 = arith.addi %parallel_loop3A_481, %parallel_loop3A_495 : vector<16xi32>
      %parallel_loop3A_497 = tpu.vector_load_idx %arg6[%parallel_loop3A_496, %parallel_loop3A_254, %parallel_loop3A_256] : memref<42x8x128xf32, #tpu.memory_space<vmem>>[vector<16xi32>, vector<16xi32>, vector<16xi32>], vector<16xf32>,
      %parallel_loop3A_498 = arith.constant 26 : i32
      %parallel_loop3A_499 = vector.broadcast %parallel_loop3A_498 : i32 to vector<16xi32>
      tpu.vector_store_idx %arg8[%parallel_loop3A_499, %parallel_loop3A_254, %parallel_loop3A_256], %parallel_loop3A_497 : memref<30x8x128xf32, #tpu.memory_space<vmem>>[vector<16xi32>, vector<16xi32>, vector<16xi32>], vector<16xf32>,
      %parallel_loop3A_500 = arith.constant 24 : i32
      %parallel_loop3A_501 = vector.broadcast %parallel_loop3A_500 : i32 to vector<16xi32>
      %parallel_loop3A_502 = arith.shrsi %parallel_loop3A_253, %parallel_loop3A_501 : vector<16xi32>
      %parallel_loop3A_503 = arith.constant 63 : i32
      %parallel_loop3A_504 = vector.broadcast %parallel_loop3A_503 : i32 to vector<16xi32>
      %parallel_loop3A_505 = arith.andi %parallel_loop3A_502, %parallel_loop3A_504 : vector<16xi32>
      %parallel_loop3A_506 = arith.constant 12 : i32
      %parallel_loop3A_507 = vector.broadcast %parallel_loop3A_506 : i32 to vector<16xi32>
      %parallel_loop3A_508 = arith.addi %parallel_loop3A_505, %parallel_loop3A_507 : vector<16xi32>
      %parallel_loop3A_509 = arith.constant 0 : i32
      %parallel_loop3A_510 = vector.broadcast %parallel_loop3A_509 : i32 to vector<16xi32>
      %parallel_loop3A_511 = arith.addi %parallel_loop3A_508, %parallel_loop3A_510 : vector<16xi32>
      %parallel_loop3A_512 = tpu.vector_load_idx %arg6[%parallel_loop3A_511, %parallel_loop3A_254, %parallel_loop3A_256] : memref<42x8x128xf32, #tpu.memory_space<vmem>>[vector<16xi32>, vector<16xi32>, vector<16xi32>], vector<16xf32>,
      %parallel_loop3A_513 = arith.constant 27 : i32
      %parallel_loop3A_514 = vector.broadcast %parallel_loop3A_513 : i32 to vector<16xi32>
      tpu.vector_store_idx %arg8[%parallel_loop3A_514, %parallel_loop3A_254, %parallel_loop3A_256], %parallel_loop3A_512 : memref<30x8x128xf32, #tpu.memory_space<vmem>>[vector<16xi32>, vector<16xi32>, vector<16xi32>], vector<16xf32>,
      %parallel_loop3A_515 = arith.constant 1 : i32
      %parallel_loop3A_516 = vector.broadcast %parallel_loop3A_515 : i32 to vector<16xi32>
      %parallel_loop3A_517 = arith.addi %parallel_loop3A_508, %parallel_loop3A_516 : vector<16xi32>
      %parallel_loop3A_518 = tpu.vector_load_idx %arg6[%parallel_loop3A_517, %parallel_loop3A_254, %parallel_loop3A_256] : memref<42x8x128xf32, #tpu.memory_space<vmem>>[vector<16xi32>, vector<16xi32>, vector<16xi32>], vector<16xf32>,
      %parallel_loop3A_519 = arith.constant 28 : i32
      %parallel_loop3A_520 = vector.broadcast %parallel_loop3A_519 : i32 to vector<16xi32>
      tpu.vector_store_idx %arg8[%parallel_loop3A_520, %parallel_loop3A_254, %parallel_loop3A_256], %parallel_loop3A_518 : memref<30x8x128xf32, #tpu.memory_space<vmem>>[vector<16xi32>, vector<16xi32>, vector<16xi32>], vector<16xf32>,
      %parallel_loop3A_521 = arith.constant 2 : i32
      %parallel_loop3A_522 = vector.broadcast %parallel_loop3A_521 : i32 to vector<16xi32>
      %parallel_loop3A_523 = arith.addi %parallel_loop3A_508, %parallel_loop3A_522 : vector<16xi32>
      %parallel_loop3A_524 = tpu.vector_load_idx %arg6[%parallel_loop3A_523, %parallel_loop3A_254, %parallel_loop3A_256] : memref<42x8x128xf32, #tpu.memory_space<vmem>>[vector<16xi32>, vector<16xi32>, vector<16xi32>], vector<16xf32>,
      %parallel_loop3A_525 = arith.constant 29 : i32
      %parallel_loop3A_526 = vector.broadcast %parallel_loop3A_525 : i32 to vector<16xi32>
      tpu.vector_store_idx %arg8[%parallel_loop3A_526, %parallel_loop3A_254, %parallel_loop3A_256], %parallel_loop3A_524 : memref<30x8x128xf32, #tpu.memory_space<vmem>>[vector<16xi32>, vector<16xi32>, vector<16xi32>], vector<16xf32>,
    } {sc.loop_unroll_factor = 1 : i64, sc.parallel_access}
    %dma_wait3A_81 = arith.constant 0 : i32
    %dma_wait3A_82 = arith.constant 0 : i32
    %dma_wait3A_83 = arith.constant 0 : i32
    %dma_wait3A_84 = tpu.memref_slice %arg6[%dma_wait3A_81, %dma_wait3A_82, %dma_wait3A_83] : memref<42x8x128xf32, #tpu.memory_space<vmem>> -> memref<12x8x128xf32, #tpu.memory_space<vmem>>
    %dma_wait3A_85 = arith.constant 0 : i32
    %dma_wait3A_86 = tpu.memref_slice %arg2[%dma_wait3A_85, %mul3A_11, %mul3A_34] : memref<42x32x2048xf32, #tpu.memory_space<hbm>> -> memref<12x8x128xf32, #tpu.memory_space<hbm>>
    %dma_wait3A_87 = arith.constant 0 : i32
    %dma_wait3A_88 = arith.constant 0 : i32
    %dma_wait3A_89 = arith.constant 0 : i32
    %dma_wait3A_90 = tpu.memref_slice %arg6[%dma_wait3A_87, %dma_wait3A_88, %dma_wait3A_89] : memref<42x8x128xf32, #tpu.memory_space<vmem>> -> memref<12x8x128xf32, #tpu.memory_space<vmem>>
    %dma_wait3A_91 = arith.constant 0 : i32
    %dma_wait3A_92 = tpu.memref_slice %arg2[%dma_wait3A_91, %mul3A_11, %mul3A_34] : memref<42x32x2048xf32, #tpu.memory_space<hbm>> -> memref<12x8x128xf32, #tpu.memory_space<hbm>>
    tpu.wait_dma2 semaphore(%arg13 : memref<!tpu.dma_semaphore, #tpu.memory_space<semaphore_mem>>) src(%dma_wait3A_92 : memref<12x8x128xf32, #tpu.memory_space<hbm>>) dst(%dma_wait3A_90 : memref<12x8x128xf32, #tpu.memory_space<vmem>>)
    %add3A_93 = arith.constant 0 : i32
    %add3A_94 = arith.addi %mul3A_34, %add3A_93 : i32
    %dma_start3A_95 = arith.constant 0 : i32
    %dma_start3A_96 = arith.constant 0 : i32
    %dma_start3A_97 = arith.constant 0 : i32
    %dma_start3A_98 = tpu.memref_slice %arg6[%dma_start3A_95, %dma_start3A_96, %dma_start3A_97] : memref<42x8x128xf32, #tpu.memory_space<vmem>> -> memref<12x8x128xf32, #tpu.memory_space<vmem>>
    %dma_start3A_99 = arith.constant 0 : i32
    %dma_start3A_100 = tpu.memref_slice %arg5[%dma_start3A_99, %mul3A_11, %add3A_94] : memref<42x32x2048xf32, #tpu.memory_space<hbm>> -> memref<12x8x128xf32, #tpu.memory_space<hbm>>
    %dma_start3A_101 = arith.constant 0 : i32
    %dma_start3A_102 = tpu.memref_slice %arg5[%dma_start3A_101, %mul3A_11, %add3A_94] : memref<42x32x2048xf32, #tpu.memory_space<hbm>> -> memref<12x8x128xf32, #tpu.memory_space<hbm>>
    %dma_start3A_103 = arith.constant 0 : i32
    %dma_start3A_104 = arith.constant 0 : i32
    %dma_start3A_105 = arith.constant 0 : i32
    %dma_start3A_106 = tpu.memref_slice %arg6[%dma_start3A_103, %dma_start3A_104, %dma_start3A_105] : memref<42x8x128xf32, #tpu.memory_space<vmem>> -> memref<12x8x128xf32, #tpu.memory_space<vmem>>
    tpu.enqueue_dma source(%dma_start3A_106 : memref<12x8x128xf32, #tpu.memory_space<vmem>>) target(%dma_start3A_102 : memref<12x8x128xf32, #tpu.memory_space<hbm>>) target_semaphore(%arg17 : memref<!tpu.dma_semaphore, #tpu.memory_space<semaphore_mem>>)
    %add3A_107 = arith.constant 0 : i32
    %add3A_108 = arith.addi %mul3A_34, %add3A_107 : i32
    %dma_start3A_109 = arith.constant 12 : i32
    %dma_start3A_110 = tpu.memref_slice %arg5[%dma_start3A_109, %mul3A_11, %add3A_108] : memref<42x32x2048xf32, #tpu.memory_space<hbm>> -> memref<30x8x128xf32, #tpu.memory_space<hbm>>
    %dma_start3A_111 = arith.constant 12 : i32
    %dma_start3A_112 = tpu.memref_slice %arg5[%dma_start3A_111, %mul3A_11, %add3A_108] : memref<42x32x2048xf32, #tpu.memory_space<hbm>> -> memref<30x8x128xf32, #tpu.memory_space<hbm>>
    tpu.enqueue_dma source(%arg8 : memref<30x8x128xf32, #tpu.memory_space<vmem>>) target(%dma_start3A_112 : memref<30x8x128xf32, #tpu.memory_space<hbm>>) target_semaphore(%arg16 : memref<!tpu.dma_semaphore, #tpu.memory_space<semaphore_mem>>)
    %add3A_113 = arith.constant 128 : i32
    %add3A_114 = arith.addi %mul3A_34, %add3A_113 : i32
    %dma_wait3A_115 = arith.constant 0 : i32
    %dma_wait3A_116 = tpu.memref_slice %arg2[%dma_wait3A_115, %mul3A_11, %add3A_114] : memref<42x32x2048xf32, #tpu.memory_space<hbm>> -> memref<42x8x128xf32, #tpu.memory_space<hbm>>
    %dma_wait3A_117 = arith.constant 0 : i32
    %dma_wait3A_118 = tpu.memref_slice %arg2[%dma_wait3A_117, %mul3A_11, %add3A_114] : memref<42x32x2048xf32, #tpu.memory_space<hbm>> -> memref<42x8x128xf32, #tpu.memory_space<hbm>>
    tpu.wait_dma2 semaphore(%arg12 : memref<!tpu.dma_semaphore, #tpu.memory_space<semaphore_mem>>) src(%dma_wait3A_118 : memref<42x8x128xf32, #tpu.memory_space<hbm>>) dst(%arg7 : memref<42x8x128xf32, #tpu.memory_space<vmem>>)
    %add3A_119 = arith.constant 128 : i32
    %add3A_120 = arith.addi %mul3A_34, %add3A_119 : i32
    %dma_start3A_121 = arith.constant 0 : i32
    %dma_start3A_122 = arith.constant 0 : i32
    %dma_start3A_123 = arith.constant 0 : i32
    %dma_start3A_124 = tpu.memref_slice %arg7[%dma_start3A_121, %dma_start3A_122, %dma_start3A_123] : memref<42x8x128xf32, #tpu.memory_space<vmem>> -> memref<12x8x128xf32, #tpu.memory_space<vmem>>
    %dma_start3A_125 = arith.constant 0 : i32
    %dma_start3A_126 = tpu.memref_slice %arg5[%dma_start3A_125, %mul3A_11, %add3A_120] : memref<42x32x2048xf32, #tpu.memory_space<hbm>> -> memref<12x8x128xf32, #tpu.memory_space<hbm>>
    %dma_start3A_127 = arith.constant 0 : i32
    %dma_start3A_128 = tpu.memref_slice %arg5[%dma_start3A_127, %mul3A_11, %add3A_120] : memref<42x32x2048xf32, #tpu.memory_space<hbm>> -> memref<12x8x128xf32, #tpu.memory_space<hbm>>
    %dma_start3A_129 = arith.constant 0 : i32
    %dma_start3A_130 = arith.constant 0 : i32
    %dma_start3A_131 = arith.constant 0 : i32
    %dma_start3A_132 = tpu.memref_slice %arg7[%dma_start3A_129, %dma_start3A_130, %dma_start3A_131] : memref<42x8x128xf32, #tpu.memory_space<vmem>> -> memref<12x8x128xf32, #tpu.memory_space<vmem>>
    tpu.enqueue_dma source(%dma_start3A_132 : memref<12x8x128xf32, #tpu.memory_space<vmem>>) target(%dma_start3A_128 : memref<12x8x128xf32, #tpu.memory_space<hbm>>) target_semaphore(%arg17 : memref<!tpu.dma_semaphore, #tpu.memory_space<semaphore_mem>>)
    %parallel_loop3A_133 = arith.constant 0 : i32
    %parallel_loop3A_134 = arith.constant 64 : i32
    %parallel_loop3A_135 = arith.constant 1 : i32
    scf.for %parallel_loop3A_198 = %parallel_loop3A_133 to %parallel_loop3A_134 step %parallel_loop3A_135  : i32 {
      %parallel_loop3A_199 = arith.constant 8 : i32
      %parallel_loop3A_200 = arith.divsi %parallel_loop3A_198, %parallel_loop3A_199 : i32
      %parallel_loop3A_201 = arith.constant 0 : i32
      %parallel_loop3A_202 = arith.cmpi sgt, %parallel_loop3A_198, %parallel_loop3A_201 : i32
      %parallel_loop3A_203 = arith.extui %parallel_loop3A_202 : i1 to i32
      %parallel_loop3A_204 = arith.constant 0 : i32
      %parallel_loop3A_205 = arith.cmpi slt, %parallel_loop3A_198, %parallel_loop3A_204 : i32
      %parallel_loop3A_206 = arith.extui %parallel_loop3A_205 : i1 to i32
      %parallel_loop3A_207 = arith.subi %parallel_loop3A_203, %parallel_loop3A_206 : i32
      %parallel_loop3A_208 = arith.constant 0 : i32
      %parallel_loop3A_209 = arith.cmpi sgt, %parallel_loop3A_199, %parallel_loop3A_208 : i32
      %parallel_loop3A_210 = arith.extui %parallel_loop3A_209 : i1 to i32
      %parallel_loop3A_211 = arith.constant 0 : i32
      %parallel_loop3A_212 = arith.cmpi slt, %parallel_loop3A_199, %parallel_loop3A_211 : i32
      %parallel_loop3A_213 = arith.extui %parallel_loop3A_212 : i1 to i32
      %parallel_loop3A_214 = arith.subi %parallel_loop3A_210, %parallel_loop3A_213 : i32
      %parallel_loop3A_215 = arith.cmpi ne, %parallel_loop3A_207, %parallel_loop3A_214 : i32
      %parallel_loop3A_216 = arith.remsi %parallel_loop3A_198, %parallel_loop3A_199 : i32
      %parallel_loop3A_217 = arith.constant 0 : i32
      %parallel_loop3A_218 = arith.cmpi ne, %parallel_loop3A_216, %parallel_loop3A_217 : i32
      %parallel_loop3A_219 = arith.andi %parallel_loop3A_215, %parallel_loop3A_218 : i1
      %parallel_loop3A_220 = arith.constant 1 : i32
      %parallel_loop3A_221 = arith.subi %parallel_loop3A_200, %parallel_loop3A_220 : i32
      %parallel_loop3A_222 = arith.select %parallel_loop3A_219, %parallel_loop3A_221, %parallel_loop3A_200 : i32
      %parallel_loop3A_223 = arith.constant 8 : i32
      %parallel_loop3A_224 = arith.constant 0 : i32
      %parallel_loop3A_225 = arith.cmpi eq, %parallel_loop3A_223, %parallel_loop3A_224 : i32
      %parallel_loop3A_226 = arith.constant 1 : i32
      %parallel_loop3A_227 = arith.select %parallel_loop3A_225, %parallel_loop3A_226, %parallel_loop3A_223 : i32
      %parallel_loop3A_228 = arith.remsi %parallel_loop3A_198, %parallel_loop3A_227 : i32
      %parallel_loop3A_229 = arith.constant 0 : i32
      %parallel_loop3A_230 = arith.cmpi ne, %parallel_loop3A_228, %parallel_loop3A_229 : i32
      %parallel_loop3A_231 = arith.constant 0 : i32
      %parallel_loop3A_232 = arith.cmpi slt, %parallel_loop3A_228, %parallel_loop3A_231 : i32
      %parallel_loop3A_233 = arith.constant 0 : i32
      %parallel_loop3A_234 = arith.cmpi slt, %parallel_loop3A_227, %parallel_loop3A_233 : i32
      %parallel_loop3A_235 = arith.xori %parallel_loop3A_232, %parallel_loop3A_234 : i1
      %parallel_loop3A_236 = arith.andi %parallel_loop3A_235, %parallel_loop3A_230 : i1
      %parallel_loop3A_237 = arith.addi %parallel_loop3A_228, %parallel_loop3A_227 : i32
      %parallel_loop3A_238 = arith.select %parallel_loop3A_236, %parallel_loop3A_237, %parallel_loop3A_228 : i32
      %parallel_loop3A_239 = arith.constant 16 : i32
      %parallel_loop3A_240 = arith.muli %parallel_loop3A_238, %parallel_loop3A_239 : i32
      %parallel_loop3A_241 = arith.constant 128 : i32
      %parallel_loop3A_242 = arith.addi %parallel_loop3A_241, %parallel_loop3A_240 : i32
      %parallel_loop3A_243 = arith.index_cast %parallel_loop3A_222 : i32 to index
      %parallel_loop3A_244 = arith.index_cast %parallel_loop3A_242 : i32 to index
      %parallel_loop3A_245 = tpu.vector_load %arg9[%parallel_loop3A_243, %parallel_loop3A_244] {strides = array<i32>} : memref<8x256xi32, #tpu.memory_space<vmem>>, vector<16xi32>,
      %parallel_loop3A_246 = arith.constant 2 : i32
      %parallel_loop3A_247 = vector.broadcast %parallel_loop3A_246 : i32 to vector<16xi32>
      %parallel_loop3A_248 = arith.muli %parallel_loop3A_245, %parallel_loop3A_247 : vector<16xi32>
      %parallel_loop3A_249 = tpu.vector_load_idx %arg10[%parallel_loop3A_248] : memref<40xi32, #tpu.memory_space<vmem>>[vector<16xi32>], vector<16xi32>,
      %parallel_loop3A_250 = arith.constant 1 : i32
      %parallel_loop3A_251 = vector.broadcast %parallel_loop3A_250 : i32 to vector<16xi32>
      %parallel_loop3A_252 = arith.addi %parallel_loop3A_248, %parallel_loop3A_251 : vector<16xi32>
      %parallel_loop3A_253 = tpu.vector_load_idx %arg10[%parallel_loop3A_252] : memref<40xi32, #tpu.memory_space<vmem>>[vector<16xi32>], vector<16xi32>,
      %parallel_loop3A_254 = vector.broadcast %parallel_loop3A_222 : i32 to vector<16xi32>
      %parallel_loop3A_255 = vector.broadcast %parallel_loop3A_240 : i32 to vector<16xi32>
      %parallel_loop3A_256 = arith.addi %parallel_loop3A_255, %iota3A : vector<16xi32>
      %parallel_loop3A_257 = arith.constant 0 : i32
      %parallel_loop3A_258 = vector.broadcast %parallel_loop3A_257 : i32 to vector<16xi32>
      %parallel_loop3A_259 = arith.shrsi %parallel_loop3A_249, %parallel_loop3A_258 : vector<16xi32>
      %parallel_loop3A_260 = arith.constant 63 : i32
      %parallel_loop3A_261 = vector.broadcast %parallel_loop3A_260 : i32 to vector<16xi32>
      %parallel_loop3A_262 = arith.andi %parallel_loop3A_259, %parallel_loop3A_261 : vector<16xi32>
      %parallel_loop3A_263 = arith.constant 12 : i32
      %parallel_loop3A_264 = vector.broadcast %parallel_loop3A_263 : i32 to vector<16xi32>
      %parallel_loop3A_265 = arith.addi %parallel_loop3A_262, %parallel_loop3A_264 : vector<16xi32>
      %parallel_loop3A_266 = arith.constant 0 : i32
      %parallel_loop3A_267 = vector.broadcast %parallel_loop3A_266 : i32 to vector<16xi32>
      %parallel_loop3A_268 = arith.addi %parallel_loop3A_265, %parallel_loop3A_267 : vector<16xi32>
      %parallel_loop3A_269 = tpu.vector_load_idx %arg7[%parallel_loop3A_268, %parallel_loop3A_254, %parallel_loop3A_256] : memref<42x8x128xf32, #tpu.memory_space<vmem>>[vector<16xi32>, vector<16xi32>, vector<16xi32>], vector<16xf32>,
      %parallel_loop3A_270 = arith.constant 0 : i32
      %parallel_loop3A_271 = vector.broadcast %parallel_loop3A_270 : i32 to vector<16xi32>
      %parallel_loop3A_272 = arith.constant 12 : i32
      %parallel_loop3A_273 = arith.constant 0 : i32
      %parallel_loop3A_274 = arith.constant 0 : i32
      %parallel_loop3A_275 = tpu.memref_slice %arg6[%parallel_loop3A_272, %parallel_loop3A_273, %parallel_loop3A_274] : memref<42x8x128xf32, #tpu.memory_space<vmem>> -> memref<30x8x128xf32, #tpu.memory_space<vmem>>
      tpu.vector_store_idx %parallel_loop3A_275[%parallel_loop3A_271, %parallel_loop3A_254, %parallel_loop3A_256], %parallel_loop3A_269 : memref<30x8x128xf32, #tpu.memory_space<vmem>>[vector<16xi32>, vector<16xi32>, vector<16xi32>], vector<16xf32>,
      %parallel_loop3A_276 = arith.constant 1 : i32
      %parallel_loop3A_277 = vector.broadcast %parallel_loop3A_276 : i32 to vector<16xi32>
      %parallel_loop3A_278 = arith.addi %parallel_loop3A_265, %parallel_loop3A_277 : vector<16xi32>
      %parallel_loop3A_279 = tpu.vector_load_idx %arg7[%parallel_loop3A_278, %parallel_loop3A_254, %parallel_loop3A_256] : memref<42x8x128xf32, #tpu.memory_space<vmem>>[vector<16xi32>, vector<16xi32>, vector<16xi32>], vector<16xf32>,
      %parallel_loop3A_280 = arith.constant 1 : i32
      %parallel_loop3A_281 = vector.broadcast %parallel_loop3A_280 : i32 to vector<16xi32>
      %parallel_loop3A_282 = arith.constant 12 : i32
      %parallel_loop3A_283 = arith.constant 0 : i32
      %parallel_loop3A_284 = arith.constant 0 : i32
      %parallel_loop3A_285 = tpu.memref_slice %arg6[%parallel_loop3A_282, %parallel_loop3A_283, %parallel_loop3A_284] : memref<42x8x128xf32, #tpu.memory_space<vmem>> -> memref<30x8x128xf32, #tpu.memory_space<vmem>>
      tpu.vector_store_idx %parallel_loop3A_285[%parallel_loop3A_281, %parallel_loop3A_254, %parallel_loop3A_256], %parallel_loop3A_279 : memref<30x8x128xf32, #tpu.memory_space<vmem>>[vector<16xi32>, vector<16xi32>, vector<16xi32>], vector<16xf32>,
      %parallel_loop3A_286 = arith.constant 2 : i32
      %parallel_loop3A_287 = vector.broadcast %parallel_loop3A_286 : i32 to vector<16xi32>
      %parallel_loop3A_288 = arith.addi %parallel_loop3A_265, %parallel_loop3A_287 : vector<16xi32>
      %parallel_loop3A_289 = tpu.vector_load_idx %arg7[%parallel_loop3A_288, %parallel_loop3A_254, %parallel_loop3A_256] : memref<42x8x128xf32, #tpu.memory_space<vmem>>[vector<16xi32>, vector<16xi32>, vector<16xi32>], vector<16xf32>,
      %parallel_loop3A_290 = arith.constant 2 : i32
      %parallel_loop3A_291 = vector.broadcast %parallel_loop3A_290 : i32 to vector<16xi32>
      %parallel_loop3A_292 = arith.constant 12 : i32
      %parallel_loop3A_293 = arith.constant 0 : i32
      %parallel_loop3A_294 = arith.constant 0 : i32
      %parallel_loop3A_295 = tpu.memref_slice %arg6[%parallel_loop3A_292, %parallel_loop3A_293, %parallel_loop3A_294] : memref<42x8x128xf32, #tpu.memory_space<vmem>> -> memref<30x8x128xf32, #tpu.memory_space<vmem>>
      tpu.vector_store_idx %parallel_loop3A_295[%parallel_loop3A_291, %parallel_loop3A_254, %parallel_loop3A_256], %parallel_loop3A_289 : memref<30x8x128xf32, #tpu.memory_space<vmem>>[vector<16xi32>, vector<16xi32>, vector<16xi32>], vector<16xf32>,
      %parallel_loop3A_296 = arith.constant 6 : i32
      %parallel_loop3A_297 = vector.broadcast %parallel_loop3A_296 : i32 to vector<16xi32>
      %parallel_loop3A_298 = arith.shrsi %parallel_loop3A_249, %parallel_loop3A_297 : vector<16xi32>
      %parallel_loop3A_299 = arith.constant 63 : i32
      %parallel_loop3A_300 = vector.broadcast %parallel_loop3A_299 : i32 to vector<16xi32>
      %parallel_loop3A_301 = arith.andi %parallel_loop3A_298, %parallel_loop3A_300 : vector<16xi32>
      %parallel_loop3A_302 = arith.constant 12 : i32
      %parallel_loop3A_303 = vector.broadcast %parallel_loop3A_302 : i32 to vector<16xi32>
      %parallel_loop3A_304 = arith.addi %parallel_loop3A_301, %parallel_loop3A_303 : vector<16xi32>
      %parallel_loop3A_305 = arith.constant 0 : i32
      %parallel_loop3A_306 = vector.broadcast %parallel_loop3A_305 : i32 to vector<16xi32>
      %parallel_loop3A_307 = arith.addi %parallel_loop3A_304, %parallel_loop3A_306 : vector<16xi32>
      %parallel_loop3A_308 = tpu.vector_load_idx %arg7[%parallel_loop3A_307, %parallel_loop3A_254, %parallel_loop3A_256] : memref<42x8x128xf32, #tpu.memory_space<vmem>>[vector<16xi32>, vector<16xi32>, vector<16xi32>], vector<16xf32>,
      %parallel_loop3A_309 = arith.constant 3 : i32
      %parallel_loop3A_310 = vector.broadcast %parallel_loop3A_309 : i32 to vector<16xi32>
      %parallel_loop3A_311 = arith.constant 12 : i32
      %parallel_loop3A_312 = arith.constant 0 : i32
      %parallel_loop3A_313 = arith.constant 0 : i32
      %parallel_loop3A_314 = tpu.memref_slice %arg6[%parallel_loop3A_311, %parallel_loop3A_312, %parallel_loop3A_313] : memref<42x8x128xf32, #tpu.memory_space<vmem>> -> memref<30x8x128xf32, #tpu.memory_space<vmem>>
      tpu.vector_store_idx %parallel_loop3A_314[%parallel_loop3A_310, %parallel_loop3A_254, %parallel_loop3A_256], %parallel_loop3A_308 : memref<30x8x128xf32, #tpu.memory_space<vmem>>[vector<16xi32>, vector<16xi32>, vector<16xi32>], vector<16xf32>,
      %parallel_loop3A_315 = arith.constant 1 : i32
      %parallel_loop3A_316 = vector.broadcast %parallel_loop3A_315 : i32 to vector<16xi32>
      %parallel_loop3A_317 = arith.addi %parallel_loop3A_304, %parallel_loop3A_316 : vector<16xi32>
      %parallel_loop3A_318 = tpu.vector_load_idx %arg7[%parallel_loop3A_317, %parallel_loop3A_254, %parallel_loop3A_256] : memref<42x8x128xf32, #tpu.memory_space<vmem>>[vector<16xi32>, vector<16xi32>, vector<16xi32>], vector<16xf32>,
      %parallel_loop3A_319 = arith.constant 4 : i32
      %parallel_loop3A_320 = vector.broadcast %parallel_loop3A_319 : i32 to vector<16xi32>
      %parallel_loop3A_321 = arith.constant 12 : i32
      %parallel_loop3A_322 = arith.constant 0 : i32
      %parallel_loop3A_323 = arith.constant 0 : i32
      %parallel_loop3A_324 = tpu.memref_slice %arg6[%parallel_loop3A_321, %parallel_loop3A_322, %parallel_loop3A_323] : memref<42x8x128xf32, #tpu.memory_space<vmem>> -> memref<30x8x128xf32, #tpu.memory_space<vmem>>
      tpu.vector_store_idx %parallel_loop3A_324[%parallel_loop3A_320, %parallel_loop3A_254, %parallel_loop3A_256], %parallel_loop3A_318 : memref<30x8x128xf32, #tpu.memory_space<vmem>>[vector<16xi32>, vector<16xi32>, vector<16xi32>], vector<16xf32>,
      %parallel_loop3A_325 = arith.constant 2 : i32
      %parallel_loop3A_326 = vector.broadcast %parallel_loop3A_325 : i32 to vector<16xi32>
      %parallel_loop3A_327 = arith.addi %parallel_loop3A_304, %parallel_loop3A_326 : vector<16xi32>
      %parallel_loop3A_328 = tpu.vector_load_idx %arg7[%parallel_loop3A_327, %parallel_loop3A_254, %parallel_loop3A_256] : memref<42x8x128xf32, #tpu.memory_space<vmem>>[vector<16xi32>, vector<16xi32>, vector<16xi32>], vector<16xf32>,
      %parallel_loop3A_329 = arith.constant 5 : i32
      %parallel_loop3A_330 = vector.broadcast %parallel_loop3A_329 : i32 to vector<16xi32>
      %parallel_loop3A_331 = arith.constant 12 : i32
      %parallel_loop3A_332 = arith.constant 0 : i32
      %parallel_loop3A_333 = arith.constant 0 : i32
      %parallel_loop3A_334 = tpu.memref_slice %arg6[%parallel_loop3A_331, %parallel_loop3A_332, %parallel_loop3A_333] : memref<42x8x128xf32, #tpu.memory_space<vmem>> -> memref<30x8x128xf32, #tpu.memory_space<vmem>>
      tpu.vector_store_idx %parallel_loop3A_334[%parallel_loop3A_330, %parallel_loop3A_254, %parallel_loop3A_256], %parallel_loop3A_328 : memref<30x8x128xf32, #tpu.memory_space<vmem>>[vector<16xi32>, vector<16xi32>, vector<16xi32>], vector<16xf32>,
      %parallel_loop3A_335 = arith.constant 12 : i32
      %parallel_loop3A_336 = vector.broadcast %parallel_loop3A_335 : i32 to vector<16xi32>
      %parallel_loop3A_337 = arith.shrsi %parallel_loop3A_249, %parallel_loop3A_336 : vector<16xi32>
      %parallel_loop3A_338 = arith.constant 63 : i32
      %parallel_loop3A_339 = vector.broadcast %parallel_loop3A_338 : i32 to vector<16xi32>
      %parallel_loop3A_340 = arith.andi %parallel_loop3A_337, %parallel_loop3A_339 : vector<16xi32>
      %parallel_loop3A_341 = arith.constant 12 : i32
      %parallel_loop3A_342 = vector.broadcast %parallel_loop3A_341 : i32 to vector<16xi32>
      %parallel_loop3A_343 = arith.addi %parallel_loop3A_340, %parallel_loop3A_342 : vector<16xi32>
      %parallel_loop3A_344 = arith.constant 0 : i32
      %parallel_loop3A_345 = vector.broadcast %parallel_loop3A_344 : i32 to vector<16xi32>
      %parallel_loop3A_346 = arith.addi %parallel_loop3A_343, %parallel_loop3A_345 : vector<16xi32>
      %parallel_loop3A_347 = tpu.vector_load_idx %arg7[%parallel_loop3A_346, %parallel_loop3A_254, %parallel_loop3A_256] : memref<42x8x128xf32, #tpu.memory_space<vmem>>[vector<16xi32>, vector<16xi32>, vector<16xi32>], vector<16xf32>,
      %parallel_loop3A_348 = arith.constant 6 : i32
      %parallel_loop3A_349 = vector.broadcast %parallel_loop3A_348 : i32 to vector<16xi32>
      %parallel_loop3A_350 = arith.constant 12 : i32
      %parallel_loop3A_351 = arith.constant 0 : i32
      %parallel_loop3A_352 = arith.constant 0 : i32
      %parallel_loop3A_353 = tpu.memref_slice %arg6[%parallel_loop3A_350, %parallel_loop3A_351, %parallel_loop3A_352] : memref<42x8x128xf32, #tpu.memory_space<vmem>> -> memref<30x8x128xf32, #tpu.memory_space<vmem>>
      tpu.vector_store_idx %parallel_loop3A_353[%parallel_loop3A_349, %parallel_loop3A_254, %parallel_loop3A_256], %parallel_loop3A_347 : memref<30x8x128xf32, #tpu.memory_space<vmem>>[vector<16xi32>, vector<16xi32>, vector<16xi32>], vector<16xf32>,
      %parallel_loop3A_354 = arith.constant 1 : i32
      %parallel_loop3A_355 = vector.broadcast %parallel_loop3A_354 : i32 to vector<16xi32>
      %parallel_loop3A_356 = arith.addi %parallel_loop3A_343, %parallel_loop3A_355 : vector<16xi32>
      %parallel_loop3A_357 = tpu.vector_load_idx %arg7[%parallel_loop3A_356, %parallel_loop3A_254, %parallel_loop3A_256] : memref<42x8x128xf32, #tpu.memory_space<vmem>>[vector<16xi32>, vector<16xi32>, vector<16xi32>], vector<16xf32>,
      %parallel_loop3A_358 = arith.constant 7 : i32
      %parallel_loop3A_359 = vector.broadcast %parallel_loop3A_358 : i32 to vector<16xi32>
      %parallel_loop3A_360 = arith.constant 12 : i32
      %parallel_loop3A_361 = arith.constant 0 : i32
      %parallel_loop3A_362 = arith.constant 0 : i32
      %parallel_loop3A_363 = tpu.memref_slice %arg6[%parallel_loop3A_360, %parallel_loop3A_361, %parallel_loop3A_362] : memref<42x8x128xf32, #tpu.memory_space<vmem>> -> memref<30x8x128xf32, #tpu.memory_space<vmem>>
      tpu.vector_store_idx %parallel_loop3A_363[%parallel_loop3A_359, %parallel_loop3A_254, %parallel_loop3A_256], %parallel_loop3A_357 : memref<30x8x128xf32, #tpu.memory_space<vmem>>[vector<16xi32>, vector<16xi32>, vector<16xi32>], vector<16xf32>,
      %parallel_loop3A_364 = arith.constant 2 : i32
      %parallel_loop3A_365 = vector.broadcast %parallel_loop3A_364 : i32 to vector<16xi32>
      %parallel_loop3A_366 = arith.addi %parallel_loop3A_343, %parallel_loop3A_365 : vector<16xi32>
      %parallel_loop3A_367 = tpu.vector_load_idx %arg7[%parallel_loop3A_366, %parallel_loop3A_254, %parallel_loop3A_256] : memref<42x8x128xf32, #tpu.memory_space<vmem>>[vector<16xi32>, vector<16xi32>, vector<16xi32>], vector<16xf32>,
      %parallel_loop3A_368 = arith.constant 8 : i32
      %parallel_loop3A_369 = vector.broadcast %parallel_loop3A_368 : i32 to vector<16xi32>
      %parallel_loop3A_370 = arith.constant 12 : i32
      %parallel_loop3A_371 = arith.constant 0 : i32
      %parallel_loop3A_372 = arith.constant 0 : i32
      %parallel_loop3A_373 = tpu.memref_slice %arg6[%parallel_loop3A_370, %parallel_loop3A_371, %parallel_loop3A_372] : memref<42x8x128xf32, #tpu.memory_space<vmem>> -> memref<30x8x128xf32, #tpu.memory_space<vmem>>
      tpu.vector_store_idx %parallel_loop3A_373[%parallel_loop3A_369, %parallel_loop3A_254, %parallel_loop3A_256], %parallel_loop3A_367 : memref<30x8x128xf32, #tpu.memory_space<vmem>>[vector<16xi32>, vector<16xi32>, vector<16xi32>], vector<16xf32>,
      %parallel_loop3A_374 = arith.constant 18 : i32
      %parallel_loop3A_375 = vector.broadcast %parallel_loop3A_374 : i32 to vector<16xi32>
      %parallel_loop3A_376 = arith.shrsi %parallel_loop3A_249, %parallel_loop3A_375 : vector<16xi32>
      %parallel_loop3A_377 = arith.constant 63 : i32
      %parallel_loop3A_378 = vector.broadcast %parallel_loop3A_377 : i32 to vector<16xi32>
      %parallel_loop3A_379 = arith.andi %parallel_loop3A_376, %parallel_loop3A_378 : vector<16xi32>
      %parallel_loop3A_380 = arith.constant 12 : i32
      %parallel_loop3A_381 = vector.broadcast %parallel_loop3A_380 : i32 to vector<16xi32>
      %parallel_loop3A_382 = arith.addi %parallel_loop3A_379, %parallel_loop3A_381 : vector<16xi32>
      %parallel_loop3A_383 = arith.constant 0 : i32
      %parallel_loop3A_384 = vector.broadcast %parallel_loop3A_383 : i32 to vector<16xi32>
      %parallel_loop3A_385 = arith.addi %parallel_loop3A_382, %parallel_loop3A_384 : vector<16xi32>
      %parallel_loop3A_386 = tpu.vector_load_idx %arg7[%parallel_loop3A_385, %parallel_loop3A_254, %parallel_loop3A_256] : memref<42x8x128xf32, #tpu.memory_space<vmem>>[vector<16xi32>, vector<16xi32>, vector<16xi32>], vector<16xf32>,
      %parallel_loop3A_387 = arith.constant 9 : i32
      %parallel_loop3A_388 = vector.broadcast %parallel_loop3A_387 : i32 to vector<16xi32>
      %parallel_loop3A_389 = arith.constant 12 : i32
      %parallel_loop3A_390 = arith.constant 0 : i32
      %parallel_loop3A_391 = arith.constant 0 : i32
      %parallel_loop3A_392 = tpu.memref_slice %arg6[%parallel_loop3A_389, %parallel_loop3A_390, %parallel_loop3A_391] : memref<42x8x128xf32, #tpu.memory_space<vmem>> -> memref<30x8x128xf32, #tpu.memory_space<vmem>>
      tpu.vector_store_idx %parallel_loop3A_392[%parallel_loop3A_388, %parallel_loop3A_254, %parallel_loop3A_256], %parallel_loop3A_386 : memref<30x8x128xf32, #tpu.memory_space<vmem>>[vector<16xi32>, vector<16xi32>, vector<16xi32>], vector<16xf32>,
      %parallel_loop3A_393 = arith.constant 1 : i32
      %parallel_loop3A_394 = vector.broadcast %parallel_loop3A_393 : i32 to vector<16xi32>
      %parallel_loop3A_395 = arith.addi %parallel_loop3A_382, %parallel_loop3A_394 : vector<16xi32>
      %parallel_loop3A_396 = tpu.vector_load_idx %arg7[%parallel_loop3A_395, %parallel_loop3A_254, %parallel_loop3A_256] : memref<42x8x128xf32, #tpu.memory_space<vmem>>[vector<16xi32>, vector<16xi32>, vector<16xi32>], vector<16xf32>,
      %parallel_loop3A_397 = arith.constant 10 : i32
      %parallel_loop3A_398 = vector.broadcast %parallel_loop3A_397 : i32 to vector<16xi32>
      %parallel_loop3A_399 = arith.constant 12 : i32
      %parallel_loop3A_400 = arith.constant 0 : i32
      %parallel_loop3A_401 = arith.constant 0 : i32
      %parallel_loop3A_402 = tpu.memref_slice %arg6[%parallel_loop3A_399, %parallel_loop3A_400, %parallel_loop3A_401] : memref<42x8x128xf32, #tpu.memory_space<vmem>> -> memref<30x8x128xf32, #tpu.memory_space<vmem>>
      tpu.vector_store_idx %parallel_loop3A_402[%parallel_loop3A_398, %parallel_loop3A_254, %parallel_loop3A_256], %parallel_loop3A_396 : memref<30x8x128xf32, #tpu.memory_space<vmem>>[vector<16xi32>, vector<16xi32>, vector<16xi32>], vector<16xf32>,
      %parallel_loop3A_403 = arith.constant 2 : i32
      %parallel_loop3A_404 = vector.broadcast %parallel_loop3A_403 : i32 to vector<16xi32>
      %parallel_loop3A_405 = arith.addi %parallel_loop3A_382, %parallel_loop3A_404 : vector<16xi32>
      %parallel_loop3A_406 = tpu.vector_load_idx %arg7[%parallel_loop3A_405, %parallel_loop3A_254, %parallel_loop3A_256] : memref<42x8x128xf32, #tpu.memory_space<vmem>>[vector<16xi32>, vector<16xi32>, vector<16xi32>], vector<16xf32>,
      %parallel_loop3A_407 = arith.constant 11 : i32
      %parallel_loop3A_408 = vector.broadcast %parallel_loop3A_407 : i32 to vector<16xi32>
      %parallel_loop3A_409 = arith.constant 12 : i32
      %parallel_loop3A_410 = arith.constant 0 : i32
      %parallel_loop3A_411 = arith.constant 0 : i32
      %parallel_loop3A_412 = tpu.memref_slice %arg6[%parallel_loop3A_409, %parallel_loop3A_410, %parallel_loop3A_411] : memref<42x8x128xf32, #tpu.memory_space<vmem>> -> memref<30x8x128xf32, #tpu.memory_space<vmem>>
      tpu.vector_store_idx %parallel_loop3A_412[%parallel_loop3A_408, %parallel_loop3A_254, %parallel_loop3A_256], %parallel_loop3A_406 : memref<30x8x128xf32, #tpu.memory_space<vmem>>[vector<16xi32>, vector<16xi32>, vector<16xi32>], vector<16xf32>,
      %parallel_loop3A_413 = arith.constant 24 : i32
      %parallel_loop3A_414 = vector.broadcast %parallel_loop3A_413 : i32 to vector<16xi32>
      %parallel_loop3A_415 = arith.shrsi %parallel_loop3A_249, %parallel_loop3A_414 : vector<16xi32>
      %parallel_loop3A_416 = arith.constant 63 : i32
      %parallel_loop3A_417 = vector.broadcast %parallel_loop3A_416 : i32 to vector<16xi32>
      %parallel_loop3A_418 = arith.andi %parallel_loop3A_415, %parallel_loop3A_417 : vector<16xi32>
      %parallel_loop3A_419 = arith.constant 12 : i32
      %parallel_loop3A_420 = vector.broadcast %parallel_loop3A_419 : i32 to vector<16xi32>
      %parallel_loop3A_421 = arith.addi %parallel_loop3A_418, %parallel_loop3A_420 : vector<16xi32>
      %parallel_loop3A_422 = arith.constant 0 : i32
      %parallel_loop3A_423 = vector.broadcast %parallel_loop3A_422 : i32 to vector<16xi32>
      %parallel_loop3A_424 = arith.addi %parallel_loop3A_421, %parallel_loop3A_423 : vector<16xi32>
      %parallel_loop3A_425 = tpu.vector_load_idx %arg7[%parallel_loop3A_424, %parallel_loop3A_254, %parallel_loop3A_256] : memref<42x8x128xf32, #tpu.memory_space<vmem>>[vector<16xi32>, vector<16xi32>, vector<16xi32>], vector<16xf32>,
      %parallel_loop3A_426 = arith.constant 12 : i32
      %parallel_loop3A_427 = vector.broadcast %parallel_loop3A_426 : i32 to vector<16xi32>
      %parallel_loop3A_428 = arith.constant 12 : i32
      %parallel_loop3A_429 = arith.constant 0 : i32
      %parallel_loop3A_430 = arith.constant 0 : i32
      %parallel_loop3A_431 = tpu.memref_slice %arg6[%parallel_loop3A_428, %parallel_loop3A_429, %parallel_loop3A_430] : memref<42x8x128xf32, #tpu.memory_space<vmem>> -> memref<30x8x128xf32, #tpu.memory_space<vmem>>
      tpu.vector_store_idx %parallel_loop3A_431[%parallel_loop3A_427, %parallel_loop3A_254, %parallel_loop3A_256], %parallel_loop3A_425 : memref<30x8x128xf32, #tpu.memory_space<vmem>>[vector<16xi32>, vector<16xi32>, vector<16xi32>], vector<16xf32>,
      %parallel_loop3A_432 = arith.constant 1 : i32
      %parallel_loop3A_433 = vector.broadcast %parallel_loop3A_432 : i32 to vector<16xi32>
      %parallel_loop3A_434 = arith.addi %parallel_loop3A_421, %parallel_loop3A_433 : vector<16xi32>
      %parallel_loop3A_435 = tpu.vector_load_idx %arg7[%parallel_loop3A_434, %parallel_loop3A_254, %parallel_loop3A_256] : memref<42x8x128xf32, #tpu.memory_space<vmem>>[vector<16xi32>, vector<16xi32>, vector<16xi32>], vector<16xf32>,
      %parallel_loop3A_436 = arith.constant 13 : i32
      %parallel_loop3A_437 = vector.broadcast %parallel_loop3A_436 : i32 to vector<16xi32>
      %parallel_loop3A_438 = arith.constant 12 : i32
      %parallel_loop3A_439 = arith.constant 0 : i32
      %parallel_loop3A_440 = arith.constant 0 : i32
      %parallel_loop3A_441 = tpu.memref_slice %arg6[%parallel_loop3A_438, %parallel_loop3A_439, %parallel_loop3A_440] : memref<42x8x128xf32, #tpu.memory_space<vmem>> -> memref<30x8x128xf32, #tpu.memory_space<vmem>>
      tpu.vector_store_idx %parallel_loop3A_441[%parallel_loop3A_437, %parallel_loop3A_254, %parallel_loop3A_256], %parallel_loop3A_435 : memref<30x8x128xf32, #tpu.memory_space<vmem>>[vector<16xi32>, vector<16xi32>, vector<16xi32>], vector<16xf32>,
      %parallel_loop3A_442 = arith.constant 2 : i32
      %parallel_loop3A_443 = vector.broadcast %parallel_loop3A_442 : i32 to vector<16xi32>
      %parallel_loop3A_444 = arith.addi %parallel_loop3A_421, %parallel_loop3A_443 : vector<16xi32>
      %parallel_loop3A_445 = tpu.vector_load_idx %arg7[%parallel_loop3A_444, %parallel_loop3A_254, %parallel_loop3A_256] : memref<42x8x128xf32, #tpu.memory_space<vmem>>[vector<16xi32>, vector<16xi32>, vector<16xi32>], vector<16xf32>,
      %parallel_loop3A_446 = arith.constant 14 : i32
      %parallel_loop3A_447 = vector.broadcast %parallel_loop3A_446 : i32 to vector<16xi32>
      %parallel_loop3A_448 = arith.constant 12 : i32
      %parallel_loop3A_449 = arith.constant 0 : i32
      %parallel_loop3A_450 = arith.constant 0 : i32
      %parallel_loop3A_451 = tpu.memref_slice %arg6[%parallel_loop3A_448, %parallel_loop3A_449, %parallel_loop3A_450] : memref<42x8x128xf32, #tpu.memory_space<vmem>> -> memref<30x8x128xf32, #tpu.memory_space<vmem>>
      tpu.vector_store_idx %parallel_loop3A_451[%parallel_loop3A_447, %parallel_loop3A_254, %parallel_loop3A_256], %parallel_loop3A_445 : memref<30x8x128xf32, #tpu.memory_space<vmem>>[vector<16xi32>, vector<16xi32>, vector<16xi32>], vector<16xf32>,
      %parallel_loop3A_452 = arith.constant 0 : i32
      %parallel_loop3A_453 = vector.broadcast %parallel_loop3A_452 : i32 to vector<16xi32>
      %parallel_loop3A_454 = arith.shrsi %parallel_loop3A_253, %parallel_loop3A_453 : vector<16xi32>
      %parallel_loop3A_455 = arith.constant 63 : i32
      %parallel_loop3A_456 = vector.broadcast %parallel_loop3A_455 : i32 to vector<16xi32>
      %parallel_loop3A_457 = arith.andi %parallel_loop3A_454, %parallel_loop3A_456 : vector<16xi32>
      %parallel_loop3A_458 = arith.constant 12 : i32
      %parallel_loop3A_459 = vector.broadcast %parallel_loop3A_458 : i32 to vector<16xi32>
      %parallel_loop3A_460 = arith.addi %parallel_loop3A_457, %parallel_loop3A_459 : vector<16xi32>
      %parallel_loop3A_461 = arith.constant 0 : i32
      %parallel_loop3A_462 = vector.broadcast %parallel_loop3A_461 : i32 to vector<16xi32>
      %parallel_loop3A_463 = arith.addi %parallel_loop3A_460, %parallel_loop3A_462 : vector<16xi32>
      %parallel_loop3A_464 = tpu.vector_load_idx %arg7[%parallel_loop3A_463, %parallel_loop3A_254, %parallel_loop3A_256] : memref<42x8x128xf32, #tpu.memory_space<vmem>>[vector<16xi32>, vector<16xi32>, vector<16xi32>], vector<16xf32>,
      %parallel_loop3A_465 = arith.constant 15 : i32
      %parallel_loop3A_466 = vector.broadcast %parallel_loop3A_465 : i32 to vector<16xi32>
      %parallel_loop3A_467 = arith.constant 12 : i32
      %parallel_loop3A_468 = arith.constant 0 : i32
      %parallel_loop3A_469 = arith.constant 0 : i32
      %parallel_loop3A_470 = tpu.memref_slice %arg6[%parallel_loop3A_467, %parallel_loop3A_468, %parallel_loop3A_469] : memref<42x8x128xf32, #tpu.memory_space<vmem>> -> memref<30x8x128xf32, #tpu.memory_space<vmem>>
      tpu.vector_store_idx %parallel_loop3A_470[%parallel_loop3A_466, %parallel_loop3A_254, %parallel_loop3A_256], %parallel_loop3A_464 : memref<30x8x128xf32, #tpu.memory_space<vmem>>[vector<16xi32>, vector<16xi32>, vector<16xi32>], vector<16xf32>,
      %parallel_loop3A_471 = arith.constant 1 : i32
      %parallel_loop3A_472 = vector.broadcast %parallel_loop3A_471 : i32 to vector<16xi32>
      %parallel_loop3A_473 = arith.addi %parallel_loop3A_460, %parallel_loop3A_472 : vector<16xi32>
      %parallel_loop3A_474 = tpu.vector_load_idx %arg7[%parallel_loop3A_473, %parallel_loop3A_254, %parallel_loop3A_256] : memref<42x8x128xf32, #tpu.memory_space<vmem>>[vector<16xi32>, vector<16xi32>, vector<16xi32>], vector<16xf32>,
      %parallel_loop3A_475 = arith.constant 16 : i32
      %parallel_loop3A_476 = vector.broadcast %parallel_loop3A_475 : i32 to vector<16xi32>
      %parallel_loop3A_477 = arith.constant 12 : i32
      %parallel_loop3A_478 = arith.constant 0 : i32
      %parallel_loop3A_479 = arith.constant 0 : i32
      %parallel_loop3A_480 = tpu.memref_slice %arg6[%parallel_loop3A_477, %parallel_loop3A_478, %parallel_loop3A_479] : memref<42x8x128xf32, #tpu.memory_space<vmem>> -> memref<30x8x128xf32, #tpu.memory_space<vmem>>
      tpu.vector_store_idx %parallel_loop3A_480[%parallel_loop3A_476, %parallel_loop3A_254, %parallel_loop3A_256], %parallel_loop3A_474 : memref<30x8x128xf32, #tpu.memory_space<vmem>>[vector<16xi32>, vector<16xi32>, vector<16xi32>], vector<16xf32>,
      %parallel_loop3A_481 = arith.constant 2 : i32
      %parallel_loop3A_482 = vector.broadcast %parallel_loop3A_481 : i32 to vector<16xi32>
      %parallel_loop3A_483 = arith.addi %parallel_loop3A_460, %parallel_loop3A_482 : vector<16xi32>
      %parallel_loop3A_484 = tpu.vector_load_idx %arg7[%parallel_loop3A_483, %parallel_loop3A_254, %parallel_loop3A_256] : memref<42x8x128xf32, #tpu.memory_space<vmem>>[vector<16xi32>, vector<16xi32>, vector<16xi32>], vector<16xf32>,
      %parallel_loop3A_485 = arith.constant 17 : i32
      %parallel_loop3A_486 = vector.broadcast %parallel_loop3A_485 : i32 to vector<16xi32>
      %parallel_loop3A_487 = arith.constant 12 : i32
      %parallel_loop3A_488 = arith.constant 0 : i32
      %parallel_loop3A_489 = arith.constant 0 : i32
      %parallel_loop3A_490 = tpu.memref_slice %arg6[%parallel_loop3A_487, %parallel_loop3A_488, %parallel_loop3A_489] : memref<42x8x128xf32, #tpu.memory_space<vmem>> -> memref<30x8x128xf32, #tpu.memory_space<vmem>>
      tpu.vector_store_idx %parallel_loop3A_490[%parallel_loop3A_486, %parallel_loop3A_254, %parallel_loop3A_256], %parallel_loop3A_484 : memref<30x8x128xf32, #tpu.memory_space<vmem>>[vector<16xi32>, vector<16xi32>, vector<16xi32>], vector<16xf32>,
      %parallel_loop3A_491 = arith.constant 6 : i32
      %parallel_loop3A_492 = vector.broadcast %parallel_loop3A_491 : i32 to vector<16xi32>
      %parallel_loop3A_493 = arith.shrsi %parallel_loop3A_253, %parallel_loop3A_492 : vector<16xi32>
      %parallel_loop3A_494 = arith.constant 63 : i32
      %parallel_loop3A_495 = vector.broadcast %parallel_loop3A_494 : i32 to vector<16xi32>
      %parallel_loop3A_496 = arith.andi %parallel_loop3A_493, %parallel_loop3A_495 : vector<16xi32>
      %parallel_loop3A_497 = arith.constant 12 : i32
      %parallel_loop3A_498 = vector.broadcast %parallel_loop3A_497 : i32 to vector<16xi32>
      %parallel_loop3A_499 = arith.addi %parallel_loop3A_496, %parallel_loop3A_498 : vector<16xi32>
      %parallel_loop3A_500 = arith.constant 0 : i32
      %parallel_loop3A_501 = vector.broadcast %parallel_loop3A_500 : i32 to vector<16xi32>
      %parallel_loop3A_502 = arith.addi %parallel_loop3A_499, %parallel_loop3A_501 : vector<16xi32>
      %parallel_loop3A_503 = tpu.vector_load_idx %arg7[%parallel_loop3A_502, %parallel_loop3A_254, %parallel_loop3A_256] : memref<42x8x128xf32, #tpu.memory_space<vmem>>[vector<16xi32>, vector<16xi32>, vector<16xi32>], vector<16xf32>,
      %parallel_loop3A_504 = arith.constant 18 : i32
      %parallel_loop3A_505 = vector.broadcast %parallel_loop3A_504 : i32 to vector<16xi32>
      %parallel_loop3A_506 = arith.constant 12 : i32
      %parallel_loop3A_507 = arith.constant 0 : i32
      %parallel_loop3A_508 = arith.constant 0 : i32
      %parallel_loop3A_509 = tpu.memref_slice %arg6[%parallel_loop3A_506, %parallel_loop3A_507, %parallel_loop3A_508] : memref<42x8x128xf32, #tpu.memory_space<vmem>> -> memref<30x8x128xf32, #tpu.memory_space<vmem>>
      tpu.vector_store_idx %parallel_loop3A_509[%parallel_loop3A_505, %parallel_loop3A_254, %parallel_loop3A_256], %parallel_loop3A_503 : memref<30x8x128xf32, #tpu.memory_space<vmem>>[vector<16xi32>, vector<16xi32>, vector<16xi32>], vector<16xf32>,
      %parallel_loop3A_510 = arith.constant 1 : i32
      %parallel_loop3A_511 = vector.broadcast %parallel_loop3A_510 : i32 to vector<16xi32>
      %parallel_loop3A_512 = arith.addi %parallel_loop3A_499, %parallel_loop3A_511 : vector<16xi32>
      %parallel_loop3A_513 = tpu.vector_load_idx %arg7[%parallel_loop3A_512, %parallel_loop3A_254, %parallel_loop3A_256] : memref<42x8x128xf32, #tpu.memory_space<vmem>>[vector<16xi32>, vector<16xi32>, vector<16xi32>], vector<16xf32>,
      %parallel_loop3A_514 = arith.constant 19 : i32
      %parallel_loop3A_515 = vector.broadcast %parallel_loop3A_514 : i32 to vector<16xi32>
      %parallel_loop3A_516 = arith.constant 12 : i32
      %parallel_loop3A_517 = arith.constant 0 : i32
      %parallel_loop3A_518 = arith.constant 0 : i32
      %parallel_loop3A_519 = tpu.memref_slice %arg6[%parallel_loop3A_516, %parallel_loop3A_517, %parallel_loop3A_518] : memref<42x8x128xf32, #tpu.memory_space<vmem>> -> memref<30x8x128xf32, #tpu.memory_space<vmem>>
      tpu.vector_store_idx %parallel_loop3A_519[%parallel_loop3A_515, %parallel_loop3A_254, %parallel_loop3A_256], %parallel_loop3A_513 : memref<30x8x128xf32, #tpu.memory_space<vmem>>[vector<16xi32>, vector<16xi32>, vector<16xi32>], vector<16xf32>,
      %parallel_loop3A_520 = arith.constant 2 : i32
      %parallel_loop3A_521 = vector.broadcast %parallel_loop3A_520 : i32 to vector<16xi32>
      %parallel_loop3A_522 = arith.addi %parallel_loop3A_499, %parallel_loop3A_521 : vector<16xi32>
      %parallel_loop3A_523 = tpu.vector_load_idx %arg7[%parallel_loop3A_522, %parallel_loop3A_254, %parallel_loop3A_256] : memref<42x8x128xf32, #tpu.memory_space<vmem>>[vector<16xi32>, vector<16xi32>, vector<16xi32>], vector<16xf32>,
      %parallel_loop3A_524 = arith.constant 20 : i32
      %parallel_loop3A_525 = vector.broadcast %parallel_loop3A_524 : i32 to vector<16xi32>
      %parallel_loop3A_526 = arith.constant 12 : i32
      %parallel_loop3A_527 = arith.constant 0 : i32
      %parallel_loop3A_528 = arith.constant 0 : i32
      %parallel_loop3A_529 = tpu.memref_slice %arg6[%parallel_loop3A_526, %parallel_loop3A_527, %parallel_loop3A_528] : memref<42x8x128xf32, #tpu.memory_space<vmem>> -> memref<30x8x128xf32, #tpu.memory_space<vmem>>
      tpu.vector_store_idx %parallel_loop3A_529[%parallel_loop3A_525, %parallel_loop3A_254, %parallel_loop3A_256], %parallel_loop3A_523 : memref<30x8x128xf32, #tpu.memory_space<vmem>>[vector<16xi32>, vector<16xi32>, vector<16xi32>], vector<16xf32>,
      %parallel_loop3A_530 = arith.constant 12 : i32
      %parallel_loop3A_531 = vector.broadcast %parallel_loop3A_530 : i32 to vector<16xi32>
      %parallel_loop3A_532 = arith.shrsi %parallel_loop3A_253, %parallel_loop3A_531 : vector<16xi32>
      %parallel_loop3A_533 = arith.constant 63 : i32
      %parallel_loop3A_534 = vector.broadcast %parallel_loop3A_533 : i32 to vector<16xi32>
      %parallel_loop3A_535 = arith.andi %parallel_loop3A_532, %parallel_loop3A_534 : vector<16xi32>
      %parallel_loop3A_536 = arith.constant 12 : i32
      %parallel_loop3A_537 = vector.broadcast %parallel_loop3A_536 : i32 to vector<16xi32>
      %parallel_loop3A_538 = arith.addi %parallel_loop3A_535, %parallel_loop3A_537 : vector<16xi32>
      %parallel_loop3A_539 = arith.constant 0 : i32
      %parallel_loop3A_540 = vector.broadcast %parallel_loop3A_539 : i32 to vector<16xi32>
      %parallel_loop3A_541 = arith.addi %parallel_loop3A_538, %parallel_loop3A_540 : vector<16xi32>
      %parallel_loop3A_542 = tpu.vector_load_idx %arg7[%parallel_loop3A_541, %parallel_loop3A_254, %parallel_loop3A_256] : memref<42x8x128xf32, #tpu.memory_space<vmem>>[vector<16xi32>, vector<16xi32>, vector<16xi32>], vector<16xf32>,
      %parallel_loop3A_543 = arith.constant 21 : i32
      %parallel_loop3A_544 = vector.broadcast %parallel_loop3A_543 : i32 to vector<16xi32>
      %parallel_loop3A_545 = arith.constant 12 : i32
      %parallel_loop3A_546 = arith.constant 0 : i32
      %parallel_loop3A_547 = arith.constant 0 : i32
      %parallel_loop3A_548 = tpu.memref_slice %arg6[%parallel_loop3A_545, %parallel_loop3A_546, %parallel_loop3A_547] : memref<42x8x128xf32, #tpu.memory_space<vmem>> -> memref<30x8x128xf32, #tpu.memory_space<vmem>>
      tpu.vector_store_idx %parallel_loop3A_548[%parallel_loop3A_544, %parallel_loop3A_254, %parallel_loop3A_256], %parallel_loop3A_542 : memref<30x8x128xf32, #tpu.memory_space<vmem>>[vector<16xi32>, vector<16xi32>, vector<16xi32>], vector<16xf32>,
      %parallel_loop3A_549 = arith.constant 1 : i32
      %parallel_loop3A_550 = vector.broadcast %parallel_loop3A_549 : i32 to vector<16xi32>
      %parallel_loop3A_551 = arith.addi %parallel_loop3A_538, %parallel_loop3A_550 : vector<16xi32>
      %parallel_loop3A_552 = tpu.vector_load_idx %arg7[%parallel_loop3A_551, %parallel_loop3A_254, %parallel_loop3A_256] : memref<42x8x128xf32, #tpu.memory_space<vmem>>[vector<16xi32>, vector<16xi32>, vector<16xi32>], vector<16xf32>,
      %parallel_loop3A_553 = arith.constant 22 : i32
      %parallel_loop3A_554 = vector.broadcast %parallel_loop3A_553 : i32 to vector<16xi32>
      %parallel_loop3A_555 = arith.constant 12 : i32
      %parallel_loop3A_556 = arith.constant 0 : i32
      %parallel_loop3A_557 = arith.constant 0 : i32
      %parallel_loop3A_558 = tpu.memref_slice %arg6[%parallel_loop3A_555, %parallel_loop3A_556, %parallel_loop3A_557] : memref<42x8x128xf32, #tpu.memory_space<vmem>> -> memref<30x8x128xf32, #tpu.memory_space<vmem>>
      tpu.vector_store_idx %parallel_loop3A_558[%parallel_loop3A_554, %parallel_loop3A_254, %parallel_loop3A_256], %parallel_loop3A_552 : memref<30x8x128xf32, #tpu.memory_space<vmem>>[vector<16xi32>, vector<16xi32>, vector<16xi32>], vector<16xf32>,
      %parallel_loop3A_559 = arith.constant 2 : i32
      %parallel_loop3A_560 = vector.broadcast %parallel_loop3A_559 : i32 to vector<16xi32>
      %parallel_loop3A_561 = arith.addi %parallel_loop3A_538, %parallel_loop3A_560 : vector<16xi32>
      %parallel_loop3A_562 = tpu.vector_load_idx %arg7[%parallel_loop3A_561, %parallel_loop3A_254, %parallel_loop3A_256] : memref<42x8x128xf32, #tpu.memory_space<vmem>>[vector<16xi32>, vector<16xi32>, vector<16xi32>], vector<16xf32>,
      %parallel_loop3A_563 = arith.constant 23 : i32
      %parallel_loop3A_564 = vector.broadcast %parallel_loop3A_563 : i32 to vector<16xi32>
      %parallel_loop3A_565 = arith.constant 12 : i32
      %parallel_loop3A_566 = arith.constant 0 : i32
      %parallel_loop3A_567 = arith.constant 0 : i32
      %parallel_loop3A_568 = tpu.memref_slice %arg6[%parallel_loop3A_565, %parallel_loop3A_566, %parallel_loop3A_567] : memref<42x8x128xf32, #tpu.memory_space<vmem>> -> memref<30x8x128xf32, #tpu.memory_space<vmem>>
      tpu.vector_store_idx %parallel_loop3A_568[%parallel_loop3A_564, %parallel_loop3A_254, %parallel_loop3A_256], %parallel_loop3A_562 : memref<30x8x128xf32, #tpu.memory_space<vmem>>[vector<16xi32>, vector<16xi32>, vector<16xi32>], vector<16xf32>,
      %parallel_loop3A_569 = arith.constant 18 : i32
      %parallel_loop3A_570 = vector.broadcast %parallel_loop3A_569 : i32 to vector<16xi32>
      %parallel_loop3A_571 = arith.shrsi %parallel_loop3A_253, %parallel_loop3A_570 : vector<16xi32>
      %parallel_loop3A_572 = arith.constant 63 : i32
      %parallel_loop3A_573 = vector.broadcast %parallel_loop3A_572 : i32 to vector<16xi32>
      %parallel_loop3A_574 = arith.andi %parallel_loop3A_571, %parallel_loop3A_573 : vector<16xi32>
      %parallel_loop3A_575 = arith.constant 12 : i32
      %parallel_loop3A_576 = vector.broadcast %parallel_loop3A_575 : i32 to vector<16xi32>
      %parallel_loop3A_577 = arith.addi %parallel_loop3A_574, %parallel_loop3A_576 : vector<16xi32>
      %parallel_loop3A_578 = arith.constant 0 : i32
      %parallel_loop3A_579 = vector.broadcast %parallel_loop3A_578 : i32 to vector<16xi32>
      %parallel_loop3A_580 = arith.addi %parallel_loop3A_577, %parallel_loop3A_579 : vector<16xi32>
      %parallel_loop3A_581 = tpu.vector_load_idx %arg7[%parallel_loop3A_580, %parallel_loop3A_254, %parallel_loop3A_256] : memref<42x8x128xf32, #tpu.memory_space<vmem>>[vector<16xi32>, vector<16xi32>, vector<16xi32>], vector<16xf32>,
      %parallel_loop3A_582 = arith.constant 24 : i32
      %parallel_loop3A_583 = vector.broadcast %parallel_loop3A_582 : i32 to vector<16xi32>
      %parallel_loop3A_584 = arith.constant 12 : i32
      %parallel_loop3A_585 = arith.constant 0 : i32
      %parallel_loop3A_586 = arith.constant 0 : i32
      %parallel_loop3A_587 = tpu.memref_slice %arg6[%parallel_loop3A_584, %parallel_loop3A_585, %parallel_loop3A_586] : memref<42x8x128xf32, #tpu.memory_space<vmem>> -> memref<30x8x128xf32, #tpu.memory_space<vmem>>
      tpu.vector_store_idx %parallel_loop3A_587[%parallel_loop3A_583, %parallel_loop3A_254, %parallel_loop3A_256], %parallel_loop3A_581 : memref<30x8x128xf32, #tpu.memory_space<vmem>>[vector<16xi32>, vector<16xi32>, vector<16xi32>], vector<16xf32>,
      %parallel_loop3A_588 = arith.constant 1 : i32
      %parallel_loop3A_589 = vector.broadcast %parallel_loop3A_588 : i32 to vector<16xi32>
      %parallel_loop3A_590 = arith.addi %parallel_loop3A_577, %parallel_loop3A_589 : vector<16xi32>
      %parallel_loop3A_591 = tpu.vector_load_idx %arg7[%parallel_loop3A_590, %parallel_loop3A_254, %parallel_loop3A_256] : memref<42x8x128xf32, #tpu.memory_space<vmem>>[vector<16xi32>, vector<16xi32>, vector<16xi32>], vector<16xf32>,
      %parallel_loop3A_592 = arith.constant 25 : i32
      %parallel_loop3A_593 = vector.broadcast %parallel_loop3A_592 : i32 to vector<16xi32>
      %parallel_loop3A_594 = arith.constant 12 : i32
      %parallel_loop3A_595 = arith.constant 0 : i32
      %parallel_loop3A_596 = arith.constant 0 : i32
      %parallel_loop3A_597 = tpu.memref_slice %arg6[%parallel_loop3A_594, %parallel_loop3A_595, %parallel_loop3A_596] : memref<42x8x128xf32, #tpu.memory_space<vmem>> -> memref<30x8x128xf32, #tpu.memory_space<vmem>>
      tpu.vector_store_idx %parallel_loop3A_597[%parallel_loop3A_593, %parallel_loop3A_254, %parallel_loop3A_256], %parallel_loop3A_591 : memref<30x8x128xf32, #tpu.memory_space<vmem>>[vector<16xi32>, vector<16xi32>, vector<16xi32>], vector<16xf32>,
      %parallel_loop3A_598 = arith.constant 2 : i32
      %parallel_loop3A_599 = vector.broadcast %parallel_loop3A_598 : i32 to vector<16xi32>
      %parallel_loop3A_600 = arith.addi %parallel_loop3A_577, %parallel_loop3A_599 : vector<16xi32>
      %parallel_loop3A_601 = tpu.vector_load_idx %arg7[%parallel_loop3A_600, %parallel_loop3A_254, %parallel_loop3A_256] : memref<42x8x128xf32, #tpu.memory_space<vmem>>[vector<16xi32>, vector<16xi32>, vector<16xi32>], vector<16xf32>,
      %parallel_loop3A_602 = arith.constant 26 : i32
      %parallel_loop3A_603 = vector.broadcast %parallel_loop3A_602 : i32 to vector<16xi32>
      %parallel_loop3A_604 = arith.constant 12 : i32
      %parallel_loop3A_605 = arith.constant 0 : i32
      %parallel_loop3A_606 = arith.constant 0 : i32
      %parallel_loop3A_607 = tpu.memref_slice %arg6[%parallel_loop3A_604, %parallel_loop3A_605, %parallel_loop3A_606] : memref<42x8x128xf32, #tpu.memory_space<vmem>> -> memref<30x8x128xf32, #tpu.memory_space<vmem>>
      tpu.vector_store_idx %parallel_loop3A_607[%parallel_loop3A_603, %parallel_loop3A_254, %parallel_loop3A_256], %parallel_loop3A_601 : memref<30x8x128xf32, #tpu.memory_space<vmem>>[vector<16xi32>, vector<16xi32>, vector<16xi32>], vector<16xf32>,
      %parallel_loop3A_608 = arith.constant 24 : i32
      %parallel_loop3A_609 = vector.broadcast %parallel_loop3A_608 : i32 to vector<16xi32>
      %parallel_loop3A_610 = arith.shrsi %parallel_loop3A_253, %parallel_loop3A_609 : vector<16xi32>
      %parallel_loop3A_611 = arith.constant 63 : i32
      %parallel_loop3A_612 = vector.broadcast %parallel_loop3A_611 : i32 to vector<16xi32>
      %parallel_loop3A_613 = arith.andi %parallel_loop3A_610, %parallel_loop3A_612 : vector<16xi32>
      %parallel_loop3A_614 = arith.constant 12 : i32
      %parallel_loop3A_615 = vector.broadcast %parallel_loop3A_614 : i32 to vector<16xi32>
      %parallel_loop3A_616 = arith.addi %parallel_loop3A_613, %parallel_loop3A_615 : vector<16xi32>
      %parallel_loop3A_617 = arith.constant 0 : i32
      %parallel_loop3A_618 = vector.broadcast %parallel_loop3A_617 : i32 to vector<16xi32>
      %parallel_loop3A_619 = arith.addi %parallel_loop3A_616, %parallel_loop3A_618 : vector<16xi32>
      %parallel_loop3A_620 = tpu.vector_load_idx %arg7[%parallel_loop3A_619, %parallel_loop3A_254, %parallel_loop3A_256] : memref<42x8x128xf32, #tpu.memory_space<vmem>>[vector<16xi32>, vector<16xi32>, vector<16xi32>], vector<16xf32>,
      %parallel_loop3A_621 = arith.constant 27 : i32
      %parallel_loop3A_622 = vector.broadcast %parallel_loop3A_621 : i32 to vector<16xi32>
      %parallel_loop3A_623 = arith.constant 12 : i32
      %parallel_loop3A_624 = arith.constant 0 : i32
      %parallel_loop3A_625 = arith.constant 0 : i32
      %parallel_loop3A_626 = tpu.memref_slice %arg6[%parallel_loop3A_623, %parallel_loop3A_624, %parallel_loop3A_625] : memref<42x8x128xf32, #tpu.memory_space<vmem>> -> memref<30x8x128xf32, #tpu.memory_space<vmem>>
      tpu.vector_store_idx %parallel_loop3A_626[%parallel_loop3A_622, %parallel_loop3A_254, %parallel_loop3A_256], %parallel_loop3A_620 : memref<30x8x128xf32, #tpu.memory_space<vmem>>[vector<16xi32>, vector<16xi32>, vector<16xi32>], vector<16xf32>,
      %parallel_loop3A_627 = arith.constant 1 : i32
      %parallel_loop3A_628 = vector.broadcast %parallel_loop3A_627 : i32 to vector<16xi32>
      %parallel_loop3A_629 = arith.addi %parallel_loop3A_616, %parallel_loop3A_628 : vector<16xi32>
      %parallel_loop3A_630 = tpu.vector_load_idx %arg7[%parallel_loop3A_629, %parallel_loop3A_254, %parallel_loop3A_256] : memref<42x8x128xf32, #tpu.memory_space<vmem>>[vector<16xi32>, vector<16xi32>, vector<16xi32>], vector<16xf32>,
      %parallel_loop3A_631 = arith.constant 28 : i32
      %parallel_loop3A_632 = vector.broadcast %parallel_loop3A_631 : i32 to vector<16xi32>
      %parallel_loop3A_633 = arith.constant 12 : i32
      %parallel_loop3A_634 = arith.constant 0 : i32
      %parallel_loop3A_635 = arith.constant 0 : i32
      %parallel_loop3A_636 = tpu.memref_slice %arg6[%parallel_loop3A_633, %parallel_loop3A_634, %parallel_loop3A_635] : memref<42x8x128xf32, #tpu.memory_space<vmem>> -> memref<30x8x128xf32, #tpu.memory_space<vmem>>
      tpu.vector_store_idx %parallel_loop3A_636[%parallel_loop3A_632, %parallel_loop3A_254, %parallel_loop3A_256], %parallel_loop3A_630 : memref<30x8x128xf32, #tpu.memory_space<vmem>>[vector<16xi32>, vector<16xi32>, vector<16xi32>], vector<16xf32>,
      %parallel_loop3A_637 = arith.constant 2 : i32
      %parallel_loop3A_638 = vector.broadcast %parallel_loop3A_637 : i32 to vector<16xi32>
      %parallel_loop3A_639 = arith.addi %parallel_loop3A_616, %parallel_loop3A_638 : vector<16xi32>
      %parallel_loop3A_640 = tpu.vector_load_idx %arg7[%parallel_loop3A_639, %parallel_loop3A_254, %parallel_loop3A_256] : memref<42x8x128xf32, #tpu.memory_space<vmem>>[vector<16xi32>, vector<16xi32>, vector<16xi32>], vector<16xf32>,
      %parallel_loop3A_641 = arith.constant 29 : i32
      %parallel_loop3A_642 = vector.broadcast %parallel_loop3A_641 : i32 to vector<16xi32>
      %parallel_loop3A_643 = arith.constant 12 : i32
      %parallel_loop3A_644 = arith.constant 0 : i32
      %parallel_loop3A_645 = arith.constant 0 : i32
      %parallel_loop3A_646 = tpu.memref_slice %arg6[%parallel_loop3A_643, %parallel_loop3A_644, %parallel_loop3A_645] : memref<42x8x128xf32, #tpu.memory_space<vmem>> -> memref<30x8x128xf32, #tpu.memory_space<vmem>>
      tpu.vector_store_idx %parallel_loop3A_646[%parallel_loop3A_642, %parallel_loop3A_254, %parallel_loop3A_256], %parallel_loop3A_640 : memref<30x8x128xf32, #tpu.memory_space<vmem>>[vector<16xi32>, vector<16xi32>, vector<16xi32>], vector<16xf32>,
    } {sc.loop_unroll_factor = 1 : i64, sc.parallel_access}
    %add3A_136 = arith.constant 128 : i32
    %add3A_137 = arith.addi %mul3A_34, %add3A_136 : i32
    %dma_start3A_138 = arith.constant 12 : i32
    %dma_start3A_139 = arith.constant 0 : i32
    %dma_start3A_140 = arith.constant 0 : i32
    %dma_start3A_141 = tpu.memref_slice %arg6[%dma_start3A_138, %dma_start3A_139, %dma_start3A_140] : memref<42x8x128xf32, #tpu.memory_space<vmem>> -> memref<30x8x128xf32, #tpu.memory_space<vmem>>
    %dma_start3A_142 = arith.constant 12 : i32
    %dma_start3A_143 = tpu.memref_slice %arg5[%dma_start3A_142, %mul3A_11, %add3A_137] : memref<42x32x2048xf32, #tpu.memory_space<hbm>> -> memref<30x8x128xf32, #tpu.memory_space<hbm>>
    %dma_start3A_144 = arith.constant 12 : i32
    %dma_start3A_145 = tpu.memref_slice %arg5[%dma_start3A_144, %mul3A_11, %add3A_137] : memref<42x32x2048xf32, #tpu.memory_space<hbm>> -> memref<30x8x128xf32, #tpu.memory_space<hbm>>
    %dma_start3A_146 = arith.constant 12 : i32
    %dma_start3A_147 = arith.constant 0 : i32
    %dma_start3A_148 = arith.constant 0 : i32
    %dma_start3A_149 = tpu.memref_slice %arg6[%dma_start3A_146, %dma_start3A_147, %dma_start3A_148] : memref<42x8x128xf32, #tpu.memory_space<vmem>> -> memref<30x8x128xf32, #tpu.memory_space<vmem>>
    tpu.enqueue_dma source(%dma_start3A_149 : memref<30x8x128xf32, #tpu.memory_space<vmem>>) target(%dma_start3A_145 : memref<30x8x128xf32, #tpu.memory_space<hbm>>) target_semaphore(%arg16 : memref<!tpu.dma_semaphore, #tpu.memory_space<semaphore_mem>>)
    %add3A_150 = arith.constant 0 : i32
    %add3A_151 = arith.addi %mul3A_34, %add3A_150 : i32
    %dma_wait3A_152 = arith.constant 12 : i32
    %dma_wait3A_153 = tpu.memref_slice %arg5[%dma_wait3A_152, %mul3A_11, %add3A_151] : memref<42x32x2048xf32, #tpu.memory_space<hbm>> -> memref<30x8x128xf32, #tpu.memory_space<hbm>>
    %dma_wait3A_154 = arith.constant 12 : i32
    %dma_wait3A_155 = tpu.memref_slice %arg5[%dma_wait3A_154, %mul3A_11, %add3A_151] : memref<42x32x2048xf32, #tpu.memory_space<hbm>> -> memref<30x8x128xf32, #tpu.memory_space<hbm>>
    tpu.wait_dma2 semaphore(%arg16 : memref<!tpu.dma_semaphore, #tpu.memory_space<semaphore_mem>>) src(%arg8 : memref<30x8x128xf32, #tpu.memory_space<vmem>>) dst(%dma_wait3A_155 : memref<30x8x128xf32, #tpu.memory_space<hbm>>)
    %add3A_156 = arith.constant 0 : i32
    %add3A_157 = arith.addi %mul3A_34, %add3A_156 : i32
    %dma_wait3A_158 = arith.constant 0 : i32
    %dma_wait3A_159 = arith.constant 0 : i32
    %dma_wait3A_160 = arith.constant 0 : i32
    %dma_wait3A_161 = tpu.memref_slice %arg6[%dma_wait3A_158, %dma_wait3A_159, %dma_wait3A_160] : memref<42x8x128xf32, #tpu.memory_space<vmem>> -> memref<12x8x128xf32, #tpu.memory_space<vmem>>
    %dma_wait3A_162 = arith.constant 0 : i32
    %dma_wait3A_163 = tpu.memref_slice %arg5[%dma_wait3A_162, %mul3A_11, %add3A_157] : memref<42x32x2048xf32, #tpu.memory_space<hbm>> -> memref<12x8x128xf32, #tpu.memory_space<hbm>>
    %dma_wait3A_164 = arith.constant 0 : i32
    %dma_wait3A_165 = tpu.memref_slice %arg5[%dma_wait3A_164, %mul3A_11, %add3A_157] : memref<42x32x2048xf32, #tpu.memory_space<hbm>> -> memref<12x8x128xf32, #tpu.memory_space<hbm>>
    %dma_wait3A_166 = arith.constant 0 : i32
    %dma_wait3A_167 = arith.constant 0 : i32
    %dma_wait3A_168 = arith.constant 0 : i32
    %dma_wait3A_169 = tpu.memref_slice %arg6[%dma_wait3A_166, %dma_wait3A_167, %dma_wait3A_168] : memref<42x8x128xf32, #tpu.memory_space<vmem>> -> memref<12x8x128xf32, #tpu.memory_space<vmem>>
    tpu.wait_dma2 semaphore(%arg17 : memref<!tpu.dma_semaphore, #tpu.memory_space<semaphore_mem>>) src(%dma_wait3A_169 : memref<12x8x128xf32, #tpu.memory_space<vmem>>) dst(%dma_wait3A_165 : memref<12x8x128xf32, #tpu.memory_space<hbm>>)
    %add3A_170 = arith.constant 128 : i32
    %add3A_171 = arith.addi %mul3A_34, %add3A_170 : i32
    %dma_wait3A_172 = arith.constant 12 : i32
    %dma_wait3A_173 = arith.constant 0 : i32
    %dma_wait3A_174 = arith.constant 0 : i32
    %dma_wait3A_175 = tpu.memref_slice %arg6[%dma_wait3A_172, %dma_wait3A_173, %dma_wait3A_174] : memref<42x8x128xf32, #tpu.memory_space<vmem>> -> memref<30x8x128xf32, #tpu.memory_space<vmem>>
    %dma_wait3A_176 = arith.constant 12 : i32
    %dma_wait3A_177 = tpu.memref_slice %arg5[%dma_wait3A_176, %mul3A_11, %add3A_171] : memref<42x32x2048xf32, #tpu.memory_space<hbm>> -> memref<30x8x128xf32, #tpu.memory_space<hbm>>
    %dma_wait3A_178 = arith.constant 12 : i32
    %dma_wait3A_179 = tpu.memref_slice %arg5[%dma_wait3A_178, %mul3A_11, %add3A_171] : memref<42x32x2048xf32, #tpu.memory_space<hbm>> -> memref<30x8x128xf32, #tpu.memory_space<hbm>>
    %dma_wait3A_180 = arith.constant 12 : i32
    %dma_wait3A_181 = arith.constant 0 : i32
    %dma_wait3A_182 = arith.constant 0 : i32
    %dma_wait3A_183 = tpu.memref_slice %arg6[%dma_wait3A_180, %dma_wait3A_181, %dma_wait3A_182] : memref<42x8x128xf32, #tpu.memory_space<vmem>> -> memref<30x8x128xf32, #tpu.memory_space<vmem>>
    tpu.wait_dma2 semaphore(%arg16 : memref<!tpu.dma_semaphore, #tpu.memory_space<semaphore_mem>>) src(%dma_wait3A_183 : memref<30x8x128xf32, #tpu.memory_space<vmem>>) dst(%dma_wait3A_179 : memref<30x8x128xf32, #tpu.memory_space<hbm>>)
    %add3A_184 = arith.constant 128 : i32
    %add3A_185 = arith.addi %mul3A_34, %add3A_184 : i32
    %dma_wait3A_186 = arith.constant 0 : i32
    %dma_wait3A_187 = arith.constant 0 : i32
    %dma_wait3A_188 = arith.constant 0 : i32
    %dma_wait3A_189 = tpu.memref_slice %arg7[%dma_wait3A_186, %dma_wait3A_187, %dma_wait3A_188] : memref<42x8x128xf32, #tpu.memory_space<vmem>> -> memref<12x8x128xf32, #tpu.memory_space<vmem>>
    %dma_wait3A_190 = arith.constant 0 : i32
    %dma_wait3A_191 = tpu.memref_slice %arg5[%dma_wait3A_190, %mul3A_11, %add3A_185] : memref<42x32x2048xf32, #tpu.memory_space<hbm>> -> memref<12x8x128xf32, #tpu.memory_space<hbm>>
    %dma_wait3A_192 = arith.constant 0 : i32
    %dma_wait3A_193 = tpu.memref_slice %arg5[%dma_wait3A_192, %mul3A_11, %add3A_185] : memref<42x32x2048xf32, #tpu.memory_space<hbm>> -> memref<12x8x128xf32, #tpu.memory_space<hbm>>
    %dma_wait3A_194 = arith.constant 0 : i32
    %dma_wait3A_195 = arith.constant 0 : i32
    %dma_wait3A_196 = arith.constant 0 : i32
    %dma_wait3A_197 = tpu.memref_slice %arg7[%dma_wait3A_194, %dma_wait3A_195, %dma_wait3A_196] : memref<42x8x128xf32, #tpu.memory_space<vmem>> -> memref<12x8x128xf32, #tpu.memory_space<vmem>>
    tpu.wait_dma2 semaphore(%arg17 : memref<!tpu.dma_semaphore, #tpu.memory_space<semaphore_mem>>) src(%dma_wait3A_197 : memref<12x8x128xf32, #tpu.memory_space<vmem>>) dst(%dma_wait3A_193 : memref<12x8x128xf32, #tpu.memory_space<hbm>>)
    return
  }
}

</mosaic_0001>

<sc_bundles>
// kernel: kernel.3.cloned.1.call-start
scs
__scs_entry_jumppad:
0x0: {  	(pc) =	sbr.rel $0x88, $3  }
0x1: {  	(tag) =	ssettag $0x0;
	lr =	simm.s32 $0x1  }
0x2: {  	[smem:$0x3F9E] =	sst lr;
	_ =	strace $0xD0000000  }
0x3: {  	_ = 	snop  }
0x4: {  	_ = 	snop  }
0x5: {  	_ = 	snop  }
0x6: {  	_ = 	snop  }
0x7: {  	_ = 	snop  }
__scs_overlays_trampoline_lowered:
0x8: {  	[smem:$0x3FAD] =	sst s0  }
0x9: {  	[smem:$0x3FAE] =	sst s1  }
0xa: {  	[smem:$0x3FAF] =	sst s2  }
0xb: {  	[smem:$0x3FB0] =	sst s3  }
0xc: {  	[smem:$0x3FB1] =	sst s4  }
0xd: {  	[smem:$0x3FB2] =	sst s5  }
0xe: {  	[smem:$0x3FB3] =	sst s6  }
0xf: {  	[smem:$0x3FB4] =	sst s7  }
0x10: {  	[smem:$0x3FB5] =	sst s8  }
0x11: {  	[smem:$0x3FB6] =	sst s9;
	s0 =	simm.s32 @!p0 $0x0  }
0x12: {  	s1 =	sld [smem:$0x3F9C];
	s0 =	simm.s32 @p0 $0x1  }
0x13: {  	[smem:$0x3FB7] =	sst s0;
	s0 =	simm.s32 @!p1 $0x0  }
0x14: {  	s2 =	sld [smem:$0x3F9B];
	s0 =	simm.s32 @p1 $0x1  }
0x15: {  	[smem:$0x3FB8] =	sst s0;
	s0 =	simm.s32 @!p2 $0x0  }
0x16: {  	s3 =	sld [smem:$0x3FDB];
	s0 =	simm.s32 @p2 $0x1  }
0x17: {  	s4 =	simm.s32 $0x1BF5;
	[smem:$0x3FBA] =	sst s0  }
0x18: {  	s0 =	sld [smem:$0x3F9D];
	_ =	swait.ge [sflag:s4], $0x0  }
0x19: {  	s7 =	sld [smem:$0x3F9E]  }
0x1a: {  	s8 =	sadd.s32 $0xFFFFE003, lr  }
0x1b: {  	s9 =	sadd.s32 $0xFFFFFEF7, lr;
	s5 =	simm.s32 $0xFFFFFFFF;
	p2 =	slt.u32 s8, $0xFFFFF086  }
0x1c: {  	p1 =	slt.u32 s9, $0xF7A;
	s5 =	simm.s32 @!p2 $0x0  }
0x1d: {  	s5 =	simm.s32 @p1 $0x1;
	p0 =	seq.s32 s7, s2  }
0x1e: {  	s7 =	smul.u32 @!p0 $0xF7A, s2;
	p2 =	seq.s32 @!p0 s5, $0x0  }
0x1f: {  	s9 =	smul.u32 $0xF7A, s1;
	s8 =	simm.s32 @!p0 $0x1BF5;
	p2 =	por !p2, p0  }
0x20: {  	[sflag:s8] =	ssyncset.s32 @!p0 $0xFFFFF086;
	s6 =	sadd.s32 @!p0 s3, s7;
	s7 =	simm.s32 @!p0 $0x108  }
0x21: {  	s3 =	sadd.s32 s3, s9;
	s6 =	sadd.s32 @!p0 $0x88, s6;
	s7 =	simm.s32 @p2 $0x1082  }
0x22: {  	[simem:s7], [sflag:s8] =	dma.local @!p0 [hbm:s6], $0xF7A  }
0x23: {  	s9 =	sor.u32 $0xD0000000, s2;
	s6 =	simm.s32 $0x108;
	_ =	swait.ge @!p0 [sflag:s8], $0x0  }
0x24: {  	s3 =	sadd.s32 $0x88, s3;
	s6 =	simm.s32 @!p1 $0x1082;
	[sflag:s4] =	ssyncset.s32 $0xFFFFF086  }
0x25: {  	[simem:s6], [sflag:s4] =	dma.local [hbm:s3], $0xF7A  }
0x26: {  	[smem:$0x3F9E] =	sst s1;
	(tag) =	ssettag s2;
	_ =	strace s9  }
0x27: {  	s1 =	sld [smem:$0x3FAE]  }
0x28: {  	s2 =	sld [smem:$0x3FAF]  }
0x29: {  	s4 =	sld [smem:$0x3FB1]  }
0x2a: {  	p0 =	seq.s32 s5, $0x0;
	s5 =	sld [smem:$0x3FB2]  }
0x2b: {  	s6 =	sld [smem:$0x3FB3]  }
0x2c: {  	s7 =	sld [smem:$0x3FB4]  }
0x2d: {  	s3 =	simm.s32 $0x108;
	s8 =	sld [smem:$0x3FB5]  }
0x2e: {  	s3 =	simm.s32 @!p0 $0x1082;
	s9 =	sld [smem:$0x3FB6]  }
0x2f: {  	lr =	sadd.s32 s0, s3;
	s0 =	sld [smem:$0x3FAD]  }
0x30: {  	s3 =	sld [smem:$0x3FB0]  }
0x31: {  	[smem:$0x3FB9] =	sst s10  }
0x32: {  	s10 =	sld [smem:$0x3FB7];
	_ =	sdelay $0x3  }
0x33: {  	p0 =	seq.s32 s10, $0x1;
	s10 =	sld [smem:$0x3FB9];
	_ =	sdelay $0x3  }
0x34: {  	[smem:$0x3FB9] =	sst s10  }
0x35: {  	s10 =	sld [smem:$0x3FB8];
	_ =	sdelay $0x3  }
0x36: {  	p1 =	seq.s32 s10, $0x1;
	s10 =	sld [smem:$0x3FB9];
	_ =	sdelay $0x3  }
0x37: {  	[smem:$0x3FB9] =	sst s10  }
0x38: {  	s10 =	sld [smem:$0x3FBA]  }
0x39: {  	_ = 	snop;
	(pc) =	sbr.ind lr, $3  }
0x3a: {  	_ = 	snop  }
0x3b: {  	_ = 	snop  }
0x3c: {  	p2 =	seq.s32 s10, $0x1;
	s10 =	sld [smem:$0x3FB9]  }
0x3d: {  	_ =	shalt  }
0x3e: {  	_ =	shalt  }
0x3f: {  	_ =	shalt  }
0x40: {  	_ =	shalt  }
0x41: {  	_ =	shalt  }
0x42: {  	_ =	shalt  }
0x43: {  	_ =	shalt  }
0x44: {  	_ =	shalt  }
0x45: {  	_ =	shalt  }
0x46: {  	_ =	shalt  }
0x47: {  	_ =	shalt  }
0x48: {  	_ =	shalt  }
0x49: {  	_ =	shalt  }
0x4a: {  	_ =	shalt  }
0x4b: {  	_ =	shalt  }
0x4c: {  	_ =	shalt  }
0x4d: {  	_ =	shalt  }
0x4e: {  	_ =	shalt  }
0x4f: {  	_ =	shalt  }
0x50: {  	_ =	shalt  }
0x51: {  	_ =	shalt  }
0x52: {  	_ =	shalt  }
0x53: {  	_ =	shalt  }
0x54: {  	_ =	shalt  }
0x55: {  	_ =	shalt  }
0x56: {  	_ =	shalt  }
0x57: {  	_ =	shalt  }
0x58: {  	_ =	shalt  }
0x59: {  	_ =	shalt  }
0x5a: {  	_ =	shalt  }
0x5b: {  	_ =	shalt  }
0x5c: {  	_ =	shalt  }
0x5d: {  	_ =	shalt  }
0x5e: {  	_ =	shalt  }
0x5f: {  	_ =	shalt  }
0x60: {  	_ =	shalt  }
0x61: {  	_ =	shalt  }
0x62: {  	_ =	shalt  }
0x63: {  	_ =	shalt  }
0x64: {  	_ =	shalt  }
0x65: {  	_ =	shalt  }
0x66: {  	_ =	shalt  }
0x67: {  	_ =	shalt  }
0x68: {  	_ =	shalt  }
0x69: {  	_ =	shalt  }
0x6a: {  	_ =	shalt  }
0x6b: {  	_ =	shalt  }
0x6c: {  	_ =	shalt  }
0x6d: {  	_ =	shalt  }
0x6e: {  	_ =	shalt  }
0x6f: {  	_ =	shalt  }
0x70: {  	_ =	shalt  }
0x71: {  	_ =	shalt  }
0x72: {  	_ =	shalt  }
0x73: {  	_ =	shalt  }
0x74: {  	_ =	shalt  }
0x75: {  	_ =	shalt  }
0x76: {  	_ =	shalt  }
0x77: {  	_ =	shalt  }
0x78: {  	_ =	shalt  }
0x79: {  	_ =	shalt  }
0x7a: {  	_ =	shalt  }
0x7b: {  	_ =	shalt  }
0x7c: {  	_ =	shalt  }
0x7d: {  	_ =	shalt  }
0x7e: {  	_ =	shalt  }
0x7f: {  	_ =	shalt  }
0x80: {  	_ =	shalt  }
0x81: {  	_ =	shalt  }
0x82: {  	_ =	shalt  }
0x83: {  	_ =	shalt  }
0x84: {  	_ =	shalt  }
0x85: {  	_ =	shalt  }
0x86: {  	_ =	shalt  }
0x87: {  	_ =	shalt  }
.Lfunc_end0:
.L_simem_size_0:
called_computation_lowered:
.L_overlay_start_0:
0x88: {  	s2 =	sld [smem:$0x3FD9]  }
0x89: {  	s3 =	sld [smem:$0x3FFE];
	_ =	sdelay $0x1  }
0x8a: {  	s1 =	srdreg.scid  }
0x8b: {  	s0 =	sand.u32 $0x1, s1  }
0x8c: {  	s17 =	sshll.u32 s0, $0xA;
	s2 =	sadd.s32 s3, s2  }
0x8d: {  	s2 =	sadd.s32 s2, s17  }
0x8e: {  	[smem:$0x3FC5] =	sst s2  }
0x8f: {  	_ = 	snop  }
0x90: {  	s2 =	sld [smem:$0x3FC9]  }
0x91: {  	s18 =	sld [smem:$0x3FC8]  }
0x92: {  	s4 =	sld [smem:$0x3FD0];
	(tm) =	ssettm $0x1  }
0x93: {  	s5 =	sld [smem:$0x3FFB];
	_ =	sdelay $0x3  }
0x94: {  	_ =	strace s5  }
0x95: {  	s5 =	sld [smem:$0x3FFC];
	_ =	sdelay $0x3  }
0x96: {  	_ =	strace s5  }
0x97: {  	s5 =	sld [smem:$0x3FFD];
	_ =	sdelay $0x3  }
0x98: {  	_ =	strace s5  }
0x99: {  	_ =	strace $0x8FFFFFFF  }
0x9a: {  	s19 =	sld [smem:$0x3FDB];
	_ =	sdelay $0x1  }
0x9b: {  	s6 =	simm.s32 $_scs_section_size  }
0x9c: {  	s7 =	simm.s32 $_size__tile_overlayer_lowered;
	s8 =	simm.s32 $_tile_overlayer_lowered  }
0x9d: {  	s22 =	simm.s32 $0x1BFF;
	s21 =	sshll.u32 s8, $0x1;
	s5 =	sadd.s32 s6, s19  }
0x9e: {  	s9 =	simm.s32 $0x0;
	s20 =	sshll.u32 s7, $0x1;
	s7 =	sadd.s32 s21, s5  }
0x9f: {  	[timem:s9], [sflag:s22] =	dma.local [hbm:s7], s20  }
0xa0: {  	_ =	swait.ge [sflag:s22], s20  }
0xa1: {  	s6 =	ssub.s32 $0x0, s20;
	[sflag:s22] =	ssyncset.done $0x0  }
0xa2: {  	[sflag:s22] =	ssyncadd.s32 s6;
	_ =	sdelay $0x1  }
0xa3: {  	s23 =	simm.s32 $0x1B8B  }
0xa4: {  	_ =	swait.ge [sflag:s23], $0x1  }
0xa5: {  	[sflag:s23] =	ssyncset.done $0x0  }
0xa6: {  	s25 =	simm.s32 $0x1B8E;
	s24 =	sld [smem:$0x3FFE];
	[sflag:s23] =	ssyncadd.s32 $0xFFFFFFFF  }
0xa7: {  	s26 =	simm.s32 $execute0_lowered;
	[smem:$0x3FD2] =	sst s25  }
0xa8: {  	s7 =	sshll.u32 s26, $0x1;
	_ =	strace $0x80000046;
	[dreg:$0x1] =	wrdreg $0xFFFFFFFF  }
0xa9: {  	s28 =	simm.s32 $_size_execute0_lowered;
	s5 =	sadd.s32 s5, s7;
	[dreg:$0x0] =	wrdreg $0x0  }
0xaa: {  	s7 =	sshll.u32 s28, $0x1;
	[dreg:$0x2] =	wrdreg s5  }
0xab: {  	[dreg:$0x3] =	wrdreg s7  }
0xac: {  	[dreg:$0x4] =	wrdreg $0xC0  }
0xad: {  	_ =	task [dreg:s9], $0x5FFFF  }
0xae: {  	[dreg:$0x1] =	wrdreg $0xFFFFFFFF  }
0xaf: {  	[dreg:$0x0] =	wrdreg $0x60  }
0xb0: {  	[dreg:$0x2] =	wrdreg s2  }
0xb1: {  	[dreg:$0x3] =	wrdreg s18  }
0xb2: {  	[dreg:$0x4] =	wrdreg s24  }
0xb3: {  	[dreg:$0x5] =	wrdreg s4  }
0xb4: {  	[dreg:$0x6] =	wrdreg $0x9  }
0xb5: {  	_ =	task.clear_ibuf [dreg:s9], $0x7FFFF;
	_ =	strace $0x90000046  }
0xb6: {  	s29 =	simm.s32 $0x9;
	_ =	strace $0x80000048  }
0xb7: {  	_ =	swait.ge [sflag:s29], $0x1  }
0xb8: {  	[sflag:s29] =	ssyncadd.s32 $0xFFFFFFFF  }
0xb9: {  	_ =	strace $0x90000048  }
0xba: {  	_ =	sfence  }
0xbb: {  	s30 =	sld [smem:$0x0];
	_ =	sdelay $0x2  }
0xbc: {  	s31 =	sshll.u32 s1, $0xD;
	s1 =	sshrl.u32 s1, $0x2  }
0xbd: {  	s3 =	sand.u32 $0x4000, s31;
	s1 =	sadd.s32 s1, s30  }
0xbe: {  	s0 =	sor.u32 s3, s0;
	s1 =	sshll.u32 s1, $0x11  }
0xbf: {  	s0 =	sor.u32 s1, s0  }
0xc0: {  	s0 =	sadd.s32 $0x8F2B, s0  }
0xc1: {  	[sflag:s0] =	ssyncadd.remote.s32 $0x1  }
0xc2: {  	_ =	sfence.sel $0xFFFF  }
0xc3: {  	[dreg:$0x0] =	wrdreg $0xFFFFFFFF;
	(pc) =	sbr.abs _section_cstart, $3  }
0xc4: {  	[dreg:$0x1] =	wrdreg $0xFFFFFFFF  }
0xc5: {  	_ =	task.clear_ibuf [dreg:s9], $0x2FFFF;
	_ =	strace $0x9FFFFFFF  }
0xc6: {  	(tm) =	ssettm $0x7FFFFFFF  }
0xc7: {  	_ =	shalt  }
tec
execute0_lowered:
.L_overlay_start_1:
0x0: {  	(tag) =	ssettag $0x1  }
0x1: {  	s0 =	rddreg [dreg:$0x0]  }
0x2: {  	s1 =	rddreg [dreg:$0x1];
	s6 =	stileid.u32  }
0x3: {  	s2 =	srdreg.scid;
	s4 =	rddreg [dreg:$0x3];
	s13 =	simm.s32 $0x400  }
0x4: {  	s14 =	simm.s32 $0x10000;
	s15 =	simm.s32 $0x3000;
	s17 =	simm.s32 $0x1D000  }
0x5: {  	s18 =	simm.s32 $0xA800;
	s19 =	simm.s32 $0x4;
	s20 =	simm.s32 $0x5  }
0x6: {  	s21 =	simm.s32 $0x1;
	s22 =	simm.s32 $0x15000;
	s23 =	simm.s32 $0x3  }
0x7: {  	s24 =	simm.s32 $0x2;
	s25 =	simm.s32 $0x6;
	s3 =	sshll.u32 s6, $0x1  }
0x8: {  	s2 =	sand.u32 $0x1, s2;
	s6 =	sshll.u32 s6, $0xA;
	s3 =	sand.u32 $0x2, s3  }
0x9: {  	s28 =	simm.s32 $0x0;
	s7 =	sand.u32 $0x3800, s6;
	s5 =	sor.u32 s2, s3  }
0xa: {  	s3 =	simm.s32 $0x0;
	s2 =	ssub.s32 $0x2, s2;
	s5 =	sshll.u32 s5, $0xE  }
0xb: {  	[smem:$0x7FF] =	sst s3;
	s26 =	sshrl.u32 s2, $0x1;
	s7 =	sor.u32 s7, s5  }
0xc: {  	_ =	strace $0x80000047;
	s5 =	sor.u32 s5, s6;
	s2 =	ssub.s32 s2, s26  }
0xd: {  	s26 =	simm.s32 $0x7;
	s8 =	sshrl.u32 s7, $0x3;
	s5 =	sshrl.u32 s5, $0x3  }
0xe: {  	s12 =	smax.u32 s2, $0x1;
	s10 =	sor.u32 $0x18000, s8;
	s1 =	sadd.s32 s1, s8  }
0xf: {  	s30 =	sadd.s32 s0, s8;
	s31 =	sor.u32 $0x80, s5;
	[dreg:$0x6] =	wrdreg s1  }
0x10: {  	s8 =	sadd.s32 s4, s8;
	s29 =	sadd.s32 s0, s10;
	[dreg:$0x7] =	wrdreg s30  }
0x11: {  	s0 =	sadd.s32 s0, s31;
	s9 =	sadd.s32 s4, s31;
	[dreg:$0x5] =	wrdreg s29  }
0x12: {  	v0 =	vlaneseq.u32;
	s10 =	sadd.s32 s4, s10;
	[dreg:$0x8] =	wrdreg s0;
	s11 =	sadd.s32 $0x18000, s9  }
.LBB2_1:
0x13: {  	s0 =	rddreg [dreg:$0x5]  }
0x14: {  	[tilespmem:s15], [sflag:$0x1] =	stream.strided.gather [hbm4b:s0+s13], $0x7800, s14, s13, $0x38;
	[tilespmem:$0x1D080] =	vst v63  }
0x15: {  	s16 =	rddreg [dreg:$0x6];
	s1 =	simm.s32 $0x1C800  }
0x16: {  	[tilespmem:s1], [sflag:$0x4] =	stream.linear.gather [hbm4b:s16+s3], $0x800, $0x38;
	[tilespmem:$0x1D080] =	vst v63  }
0x17: {  	s2 =	rddreg [dreg:$0x2]  }
0x18: {  	[tilespmem:s17], [sflag:$0x5] =	stream.linear.gather [hbm4b:s2+s3], $0x80, $0x38;
	[tilespmem:$0x1D080] =	vst v63  }
0x19: {  	s4 =	rddreg [dreg:$0x7]  }
0x1a: {  	[tilespmem:s3], [sflag:$0x3] =	stream.strided.gather [hbm4b:s4+s13], $0x3000, s14, s13, $0x38;
	[tilespmem:$0x1D080] =	vst v63  }
0x1b: {  	s5 =	rddreg [dreg:$0x8]  }
0x1c: {  	[tilespmem:s18], [sflag:$0x2] =	stream.strided.gather [hbm4b:s5+s13], $0xA800, s14, s13, $0x38;
	[tilespmem:$0x1D080] =	vst v63  }
0x1d: {  	_ =	swait.ge [sflag:s19], $0x800  }
0x1e: {  	[sflag:s19] =	ssyncset.done $0x0  }
0x1f: {  	[sflag:s19] =	ssyncadd.s32 $0xFFFFF800  }
0x20: {  	_ =	swait.ge [sflag:s20], $0x80  }
0x21: {  	[sflag:s20] =	ssyncset.done $0x0  }
0x22: {  	[sflag:s20] =	ssyncadd.s32 $0xFFFFFF80  }
0x23: {  	s6 =	simm.s32 $0x0;
	_ =	swait.ge [sflag:s21], $0x7800  }
0x24: {  	s7 =	sand.u32 $0x70, s3;
	s2 =	sand.u32 $0x3FFFFF80, s6;
	[sflag:s21] =	ssyncset.done $0x0  }
0x25: {  	s2 =	sor.u32 s7, s2;
	[sflag:s21] =	ssyncadd.s32 $0xFFFF8800  }
0x26: {  	v1 =	vld [tilespmem:s2+$0x1C800];
	_ =	sdelay $0x4  }
0x27: {  	v1 =	vshll.u32 v1, $0x1;
	_ =	sdelay $0x4  }
0x28: {  	v4 =	vld.idx.msk [tilespmem:v1+s17+$0x0], $0xffff;
	_ =	sdelay $0x4  }
0x29: {  	v2 =	vshll.u32 v4, $0xA  }
0x2a: {  	s2 =	sand.u32 $0xFFFFFF80, s6;
	v2 =	vand.u32 $0xFC00, v2  }
0x2b: {  	v14 =	vor.u32 s7, v0;
	v2 =	vadd.s32 s2, v2  }
0x2c: {  	v2 =	vor.u32 v14, v2  }
0x2d: {  	v3 =	vadd.s32 $0x3000, v2;
	_ =	sdelay $0x3  }
0x2e: {  	v1 =	vor.u32 $0x1, v1  }
0x2f: {  	v8 =	vor.u32 s2, v14;
	v3 =	vld.idx.msk [tilespmem:v3+s3+$0x0], $0xffff  }
0x30: {  	v5 =	vadd.s32 $0x3400, v2  }
0x31: {  	s16 =	simm.s32 $0x10;
	s5 =	simm.s32 $0x10  }
0x32: {  	s4 =	sand.u32 $0x3FFFFF80, s16;
	s1 =	sand.u32 $0x70, s5  }
0x33: {  	s4 =	sor.u32 s1, s4;
	v18 =	vld.idx.msk [tilespmem:v1+s17+$0x0], $0xffff  }
0x34: {  	v1 =	vld [tilespmem:s4+$0x1C800];
	[tilespmem:v8+s22+$0x0] =	vst.idx.msk $0xffff, v3  }
0x35: {  	v3 =	vld.idx.msk [tilespmem:v5+s3+$0x0], $0xffff;
	v5 =	vor.u32 $0x400, v8  }
0x36: {  	v2 =	vadd.s32 $0x3800, v2;
	_ =	sdelay $0x1  }
0x37: {  	v6 =	vshll.u32 v4, $0x4  }
0x38: {  	v6 =	vand.u32 $0xFC00, v6;
	v1 =	vshll.u32 v1, $0x1  }
0x39: {  	[tilespmem:v5+s22+$0x0] =	vst.idx.msk $0xffff, v3;
	v3 =	vadd.s32 s2, v6  }
0x3a: {  	v5 =	vor.u32 $0x800, v8;
	v2 =	vld.idx.msk [tilespmem:v2+s3+$0x0], $0xffff;
	v6 =	vor.u32 v14, v3  }
0x3b: {  	v3 =	vadd.s32 $0x3000, v6;
	_ =	sdelay $0x1  }
0x3c: {  	v10 =	vld.idx.msk [tilespmem:v1+s17+$0x0], $0xffff;
	_ =	sdelay $0x1  }
0x3d: {  	[tilespmem:v5+s22+$0x0] =	vst.idx.msk $0xffff, v2  }
0x3e: {  	v5 =	vor.u32 $0xC00, v8;
	v2 =	vld.idx.msk [tilespmem:v3+s3+$0x0], $0xffff  }
0x3f: {  	v7 =	vadd.s32 $0x3400, v6  }
0x40: {  	v3 =	vshll.u32 v10, $0xA  }
0x41: {  	s30 =	sand.u32 $0xFFFFFF80, s16;
	v9 =	vand.u32 $0xFC00, v3  }
0x42: {  	v3 =	vor.u32 s1, v0;
	v9 =	vadd.s32 s30, v9  }
0x43: {  	[tilespmem:v5+s22+$0x0] =	vst.idx.msk $0xffff, v2;
	v2 =	vor.u32 v3, v9  }
0x44: {  	v5 =	vld.idx.msk [tilespmem:v7+s3+$0x0], $0xffff;
	v7 =	vor.u32 $0x1000, v8;
	v9 =	vadd.s32 $0x3000, v2  }
0x45: {  	v6 =	vadd.s32 $0x3800, v6;
	_ =	sdelay $0x1  }
0x46: {  	v11 =	vshrl.u32 v4, $0x2  }
0x47: {  	v11 =	vand.u32 $0xFC00, v11;
	v12 =	vor.u32 $0x1, v1  }
0x48: {  	v1 =	vor.u32 s30, v3;
	[tilespmem:v7+s22+$0x0] =	vst.idx.msk $0xffff, v5;
	v5 =	vld.idx.msk [tilespmem:v9+s3+$0x0], $0xffff;
	v7 =	vadd.s32 s2, v11  }
0x49: {  	v13 =	vadd.s32 $0x3400, v2;
	v9 =	vor.u32 $0x1400, v8;
	v6 =	vld.idx.msk [tilespmem:v6+s3+$0x0], $0xffff;
	v7 =	vor.u32 v14, v7  }
0x4a: {  	s7 =	simm.s32 $0x20;
	s6 =	simm.s32 $0x20;
	v15 =	vadd.s32 $0x3000, v7  }
0x4b: {  	s16 =	sand.u32 $0x3FFFFF80, s6;
	s1 =	sand.u32 $0x70, s7  }
0x4c: {  	s4 =	sor.u32 s1, s16;
	v11 =	vld.idx.msk [tilespmem:v12+s17+$0x0], $0xffff  }
0x4d: {  	v12 =	vld [tilespmem:s4+$0x1C800];
	[tilespmem:v1+s22+$0x0] =	vst.idx.msk $0xffff, v5  }
0x4e: {  	v5 =	vld.idx.msk [tilespmem:v13+s3+$0x0], $0xffff;
	[tilespmem:v9+s22+$0x0] =	vst.idx.msk $0xffff, v6;
	v6 =	vor.u32 $0x400, v1  }
0x4f: {  	v2 =	vadd.s32 $0x3800, v2;
	v13 =	vor.u32 $0x1800, v8;
	v9 =	vld.idx.msk [tilespmem:v15+s3+$0x0], $0xffff  }
0x50: {  	v15 =	vadd.s32 $0x3400, v7  }
0x51: {  	v16 =	vshll.u32 v10, $0x4  }
0x52: {  	v16 =	vand.u32 $0xFC00, v16;
	v12 =	vshll.u32 v12, $0x1  }
0x53: {  	[tilespmem:v6+s22+$0x0] =	vst.idx.msk $0xffff, v5;
	v5 =	vadd.s32 s30, v16  }
0x54: {  	v6 =	vor.u32 $0x800, v1;
	v2 =	vld.idx.msk [tilespmem:v2+s3+$0x0], $0xffff;
	[tilespmem:v13+s22+$0x0] =	vst.idx.msk $0xffff, v9;
	v9 =	vor.u32 v3, v5  }
0x55: {  	v16 =	vor.u32 $0x1C00, v8;
	v5 =	vld.idx.msk [tilespmem:v15+s3+$0x0], $0xffff;
	v13 =	vadd.s32 $0x3000, v9  }
0x56: {  	v7 =	vadd.s32 $0x3800, v7  }
0x57: {  	v15 =	vld.idx.msk [tilespmem:v12+s17+$0x0], $0xffff  }
0x58: {  	v17 =	vshrl.u32 v4, $0x8  }
0x59: {  	[tilespmem:v6+s22+$0x0] =	vst.idx.msk $0xffff, v2;
	v2 =	vand.u32 $0xFC00, v17  }
0x5a: {  	v6 =	vld.idx.msk [tilespmem:v13+s3+$0x0], $0xffff;
	[tilespmem:v16+s22+$0x0] =	vst.idx.msk $0xffff, v5;
	v13 =	vor.u32 $0xC00, v1;
	v2 =	vadd.s32 s2, v2  }
0x5b: {  	v17 =	vadd.s32 $0x3400, v9;
	v16 =	vor.u32 $0x2000, v8;
	v7 =	vld.idx.msk [tilespmem:v7+s3+$0x0], $0xffff;
	v19 =	vor.u32 v14, v2  }
0x5c: {  	v5 =	vshll.u32 v15, $0xA;
	v2 =	vadd.s32 $0x3000, v19  }
0x5d: {  	s29 =	sand.u32 $0xFFFFFF80, s6;
	v20 =	vand.u32 $0xFC00, v5  }
0x5e: {  	v5 =	vor.u32 s1, v0;
	v20 =	vadd.s32 s29, v20  }
0x5f: {  	[tilespmem:v13+s22+$0x0] =	vst.idx.msk $0xffff, v6;
	v13 =	vor.u32 v5, v20  }
0x60: {  	v6 =	vld.idx.msk [tilespmem:v17+s3+$0x0], $0xffff;
	[tilespmem:v16+s22+$0x0] =	vst.idx.msk $0xffff, v7;
	v7 =	vor.u32 $0x1000, v1;
	v16 =	vadd.s32 $0x3000, v13  }
0x61: {  	v9 =	vadd.s32 $0x3800, v9;
	v20 =	vor.u32 $0x2400, v8;
	v17 =	vld.idx.msk [tilespmem:v2+s3+$0x0], $0xffff  }
0x62: {  	v21 =	vadd.s32 $0x3400, v19  }
0x63: {  	v2 =	vshrl.u32 v10, $0x2  }
0x64: {  	v12 =	vor.u32 $0x1, v12;
	v22 =	vand.u32 $0xFC00, v2  }
0x65: {  	v2 =	vor.u32 s29, v5;
	[tilespmem:v7+s22+$0x0] =	vst.idx.msk $0xffff, v6;
	v7 =	vld.idx.msk [tilespmem:v16+s3+$0x0], $0xffff;
	v6 =	vadd.s32 s30, v22  }
0x66: {  	v16 =	vor.u32 $0x1400, v1;
	[tilespmem:v20+s22+$0x0] =	vst.idx.msk $0xffff, v17;
	v9 =	vld.idx.msk [tilespmem:v9+s3+$0x0], $0xffff;
	v17 =	vadd.s32 $0x3400, v13;
	v20 =	vor.u32 v3, v6  }
0x67: {  	s5 =	simm.s32 $0x30;
	s6 =	simm.s32 $0x30;
	v23 =	vor.u32 $0x2800, v8;
	v21 =	vld.idx.msk [tilespmem:v21+s3+$0x0], $0xffff;
	v22 =	vadd.s32 $0x3000, v20  }
0x68: {  	s7 =	sand.u32 $0x3FFFFF80, s5;
	s1 =	sand.u32 $0x70, s6;
	v19 =	vadd.s32 $0x3800, v19  }
0x69: {  	s4 =	sor.u32 s1, s7;
	v6 =	vld.idx.msk [tilespmem:v12+s17+$0x0], $0xffff  }
0x6a: {  	v4 =	vshrl.u32 v4, $0xE;
	v12 =	vld [tilespmem:s4+$0x1C800];
	[tilespmem:v2+s22+$0x0] =	vst.idx.msk $0xffff, v7  }
0x6b: {  	v4 =	vand.u32 $0xFC00, v4;
	v7 =	vld.idx.msk [tilespmem:v17+s3+$0x0], $0xffff;
	[tilespmem:v16+s22+$0x0] =	vst.idx.msk $0xffff, v9;
	v9 =	vor.u32 $0x400, v2  }
0x6c: {  	v4 =	vadd.s32 s2, v4;
	v13 =	vadd.s32 $0x3800, v13;
	v17 =	vor.u32 $0x1800, v1;
	v16 =	vld.idx.msk [tilespmem:v22+s3+$0x0], $0xffff;
	[tilespmem:v23+s22+$0x0] =	vst.idx.msk $0xffff, v21  }
0x6d: {  	v4 =	vor.u32 v14, v4;
	v21 =	vor.u32 $0x2C00, v8;
	v22 =	vadd.s32 $0x3400, v20;
	v19 =	vld.idx.msk [tilespmem:v19+s3+$0x0], $0xffff  }
0x6e: {  	v24 =	vshll.u32 v15, $0x4;
	v23 =	vadd.s32 $0x3000, v4  }
0x6f: {  	v24 =	vand.u32 $0xFC00, v24;
	v12 =	vshll.u32 v12, $0x1  }
0x70: {  	[tilespmem:v9+s22+$0x0] =	vst.idx.msk $0xffff, v7;
	v7 =	vadd.s32 s29, v24  }
0x71: {  	v9 =	vld.idx.msk [tilespmem:v13+s3+$0x0], $0xffff;
	v13 =	vor.u32 $0x800, v2;
	[tilespmem:v17+s22+$0x0] =	vst.idx.msk $0xffff, v16;
	v16 =	vor.u32 v5, v7  }
0x72: {  	v7 =	vld.idx.msk [tilespmem:v22+s3+$0x0], $0xffff;
	[tilespmem:v21+s22+$0x0] =	vst.idx.msk $0xffff, v19;
	v17 =	vadd.s32 $0x3000, v16;
	v19 =	vor.u32 $0x1C00, v1  }
0x73: {  	v22 =	vadd.s32 $0x3800, v20;
	v21 =	vld.idx.msk [tilespmem:v23+s3+$0x0], $0xffff;
	v23 =	vor.u32 $0x3000, v8  }
0x74: {  	v24 =	vadd.s32 $0x3400, v4;
	v20 =	vld.idx.msk [tilespmem:v12+s17+$0x0], $0xffff  }
0x75: {  	v25 =	vshrl.u32 v10, $0x8  }
0x76: {  	[tilespmem:v13+s22+$0x0] =	vst.idx.msk $0xffff, v9;
	v9 =	vand.u32 $0xFC00, v25  }
0x77: {  	v13 =	vld.idx.msk [tilespmem:v17+s3+$0x0], $0xffff;
	[tilespmem:v19+s22+$0x0] =	vst.idx.msk $0xffff, v7;
	v17 =	vor.u32 $0xC00, v2;
	v7 =	vadd.s32 s30, v9  }
0x78: {  	v19 =	vor.u32 $0x2000, v1;
	v9 =	vld.idx.msk [tilespmem:v22+s3+$0x0], $0xffff;
	[tilespmem:v23+s22+$0x0] =	vst.idx.msk $0xffff, v21;
	v21 =	vadd.s32 $0x3400, v16;
	v22 =	vor.u32 v3, v7  }
0x79: {  	v25 =	vor.u32 $0x3400, v8;
	v7 =	vshll.u32 v20, $0xA;
	v23 =	vld.idx.msk [tilespmem:v24+s3+$0x0], $0xffff;
	v24 =	vadd.s32 $0x3000, v22  }
0x7a: {  	s31 =	sand.u32 $0xFFFFFF80, s5;
	v4 =	vadd.s32 $0x3800, v4;
	v26 =	vand.u32 $0xFC00, v7  }
0x7b: {  	v7 =	vor.u32 s1, v0;
	v26 =	vadd.s32 s31, v26  }
0x7c: {  	[tilespmem:v17+s22+$0x0] =	vst.idx.msk $0xffff, v13;
	v13 =	vor.u32 v7, v26;
	v17 =	vshll.u32 v18, $0xA  }
0x7d: {  	v21 =	vld.idx.msk [tilespmem:v21+s3+$0x0], $0xffff;
	[tilespmem:v19+s22+$0x0] =	vst.idx.msk $0xffff, v9;
	v9 =	vor.u32 $0x1000, v2;
	v19 =	vadd.s32 $0x3000, v13;
	v17 =	vand.u32 $0xFC00, v17  }
0x7e: {  	v16 =	vadd.s32 $0x3800, v16;
	v24 =	vld.idx.msk [tilespmem:v24+s3+$0x0], $0xffff;
	[tilespmem:v25+s22+$0x0] =	vst.idx.msk $0xffff, v23;
	v23 =	vor.u32 $0x2400, v1;
	v17 =	vadd.s32 s2, v17  }
0x7f: {  	v27 =	vadd.s32 $0x3400, v22;
	v26 =	vor.u32 $0x3800, v8;
	v25 =	vld.idx.msk [tilespmem:v4+s3+$0x0], $0xffff;
	v17 =	vor.u32 v14, v17  }
0x80: {  	v4 =	vshrl.u32 v15, $0x2;
	v28 =	vadd.s32 $0x3000, v17  }
0x81: {  	v12 =	vor.u32 $0x1, v12;
	v29 =	vand.u32 $0xFC00, v4  }
0x82: {  	v4 =	vor.u32 s31, v7;
	[tilespmem:v9+s22+$0x0] =	vst.idx.msk $0xffff, v21;
	v19 =	vld.idx.msk [tilespmem:v19+s3+$0x0], $0xffff;
	v9 =	vadd.s32 s29, v29  }
0x83: {  	v21 =	vor.u32 $0x1400, v2;
	[tilespmem:v23+s22+$0x0] =	vst.idx.msk $0xffff, v24;
	v16 =	vld.idx.msk [tilespmem:v16+s3+$0x0], $0xffff;
	v23 =	vadd.s32 $0x3400, v13;
	v24 =	vor.u32 v5, v9  }
0x84: {  	s16 =	simm.s32 $0x40;
	s4 =	simm.s32 $0x40;
	[tilespmem:v26+s22+$0x0] =	vst.idx.msk $0xffff, v25;
	v25 =	vld.idx.msk [tilespmem:v27+s3+$0x0], $0xffff;
	v26 =	vadd.s32 $0x3000, v24;
	v27 =	vor.u32 $0x2800, v1  }
0x85: {  	s6 =	sand.u32 $0x3FFFFF80, s16;
	s5 =	sand.u32 $0x70, s4;
	v22 =	vadd.s32 $0x3800, v22;
	v29 =	vor.u32 $0x3C00, v8;
	v28 =	vld.idx.msk [tilespmem:v28+s3+$0x0], $0xffff  }
0x86: {  	s1 =	sor.u32 s5, s6;
	v30 =	vadd.s32 $0x3400, v17;
	v9 =	vld.idx.msk [tilespmem:v12+s17+$0x0], $0xffff  }
0x87: {  	v10 =	vshrl.u32 v10, $0xE;
	v12 =	vld [tilespmem:s1+$0x1C800];
	[tilespmem:v4+s22+$0x0] =	vst.idx.msk $0xffff, v19  }
0x88: {  	v10 =	vand.u32 $0xFC00, v10;
	v19 =	vld.idx.msk [tilespmem:v23+s3+$0x0], $0xffff;
	[tilespmem:v21+s22+$0x0] =	vst.idx.msk $0xffff, v16;
	v16 =	vor.u32 $0x400, v4  }
0x89: {  	v10 =	vadd.s32 s30, v10;
	v13 =	vadd.s32 $0x3800, v13;
	v23 =	vor.u32 $0x1800, v2;
	v21 =	vld.idx.msk [tilespmem:v26+s3+$0x0], $0xffff;
	[tilespmem:v27+s22+$0x0] =	vst.idx.msk $0xffff, v25  }
0x8a: {  	v10 =	vor.u32 v3, v10;
	v25 =	vor.u32 $0x2C00, v1;
	v26 =	vadd.s32 $0x3400, v24;
	v22 =	vld.idx.msk [tilespmem:v22+s3+$0x0], $0xffff;
	[tilespmem:v29+s22+$0x0] =	vst.idx.msk $0xffff, v28  }
0x8b: {  	v28 =	vadd.s32 $0x3000, v10;
	v29 =	vor.u32 $0x4000, v8;
	v27 =	vld.idx.msk [tilespmem:v30+s3+$0x0], $0xffff  }
0x8c: {  	v17 =	vadd.s32 $0x3800, v17;
	v30 =	vshll.u32 v20, $0x4  }
0x8d: {  	[tilespmem:v16+s22+$0x0] =	vst.idx.msk $0xffff, v19;
	v16 =	vand.u32 $0xFC00, v30;
	v30 =	vshll.u32 v12, $0x1  }
0x8e: {  	v12 =	vld.idx.msk [tilespmem:v13+s3+$0x0], $0xffff;
	v13 =	vadd.s32 s31, v16;
	[tilespmem:v23+s22+$0x0] =	vst.idx.msk $0xffff, v21  }
0x8f: {  	v19 =	vshll.u32 v18, $0x4;
	v16 =	vor.u32 $0x800, v4;
	v13 =	vor.u32 v7, v13;
	v21 =	vld.idx.msk [tilespmem:v26+s3+$0x0], $0xffff;
	[tilespmem:v25+s22+$0x0] =	vst.idx.msk $0xffff, v22  }
0x90: {  	v23 =	vor.u32 $0x1C00, v2;
	v19 =	vand.u32 $0xFC00, v19;
	v22 =	vadd.s32 $0x3000, v13;
	v25 =	vld.idx.msk [tilespmem:v28+s3+$0x0], $0xffff;
	[tilespmem:v29+s22+$0x0] =	vst.idx.msk $0xffff, v27  }
0x91: {  	v24 =	vadd.s32 $0x3800, v24;
	v26 =	vor.u32 $0x3000, v1;
	v19 =	vadd.s32 s2, v19;
	v17 =	vld.idx.msk [tilespmem:v17+s3+$0x0], $0xffff  }
0x92: {  	v27 =	vadd.s32 $0x3400, v10;
	v28 =	vor.u32 $0x4400, v8;
	v29 =	vor.u32 v14, v19;
	v19 =	vld.idx.msk [tilespmem:v30+s17+$0x0], $0xffff  }
0x93: {  	v32 =	vshrl.u32 v15, $0x8;
	v31 =	vadd.s32 $0x3000, v29  }
0x94: {  	[tilespmem:v16+s22+$0x0] =	vst.idx.msk $0xffff, v12;
	v12 =	vand.u32 $0xFC00, v32  }
0x95: {  	[tilespmem:v23+s22+$0x0] =	vst.idx.msk $0xffff, v21;
	v21 =	vor.u32 $0xC00, v4;
	v12 =	vadd.s32 s29, v12;
	v16 =	vld.idx.msk [tilespmem:v22+s3+$0x0], $0xffff  }
0x96: {  	v23 =	vor.u32 $0x2000, v2;
	v22 =	vld.idx.msk [tilespmem:v24+s3+$0x0], $0xffff;
	[tilespmem:v26+s22+$0x0] =	vst.idx.msk $0xffff, v25;
	v24 =	vadd.s32 $0x3400, v13;
	v25 =	vor.u32 v5, v12  }
0x97: {  	v26 =	vld.idx.msk [tilespmem:v27+s3+$0x0], $0xffff;
	[tilespmem:v28+s22+$0x0] =	vst.idx.msk $0xffff, v17;
	v17 =	vadd.s32 $0x3000, v25;
	v27 =	vor.u32 $0x3400, v1;
	v12 =	vshll.u32 v19, $0xA  }
0x98: {  	s1 =	sand.u32 $0xFFFFFF80, s16;
	v10 =	vadd.s32 $0x3800, v10;
	v28 =	vld.idx.msk [tilespmem:v31+s3+$0x0], $0xffff;
	v31 =	vor.u32 $0x4800, v8;
	v39 =	vand.u32 $0xFC00, v12  }
0x99: {  	v33 =	vadd.s32 $0x3400, v29;
	v12 =	vor.u32 s5, v0;
	v32 =	vadd.s32 s1, v39  }
0x9a: {  	[tilespmem:v21+s22+$0x0] =	vst.idx.msk $0xffff, v16;
	v16 =	vor.u32 v12, v32;
	v21 =	vshll.u32 v11, $0xA  }
0x9b: {  	[tilespmem:v23+s22+$0x0] =	vst.idx.msk $0xffff, v22;
	v22 =	vor.u32 $0x1000, v4;
	v24 =	vld.idx.msk [tilespmem:v24+s3+$0x0], $0xffff;
	v23 =	vadd.s32 $0x3000, v16;
	v21 =	vand.u32 $0xFC00, v21  }
0x9c: {  	v13 =	vadd.s32 $0x3800, v13;
	v17 =	vld.idx.msk [tilespmem:v17+s3+$0x0], $0xffff;
	[tilespmem:v27+s22+$0x0] =	vst.idx.msk $0xffff, v26;
	v26 =	vor.u32 $0x2400, v2;
	v21 =	vadd.s32 s30, v21  }
0x9d: {  	v27 =	vld.idx.msk [tilespmem:v10+s3+$0x0], $0xffff;
	[tilespmem:v31+s22+$0x0] =	vst.idx.msk $0xffff, v28;
	v28 =	vor.u32 $0x3800, v1;
	v31 =	vadd.s32 $0x3400, v25;
	v21 =	vor.u32 v3, v21  }
0x9e: {  	v41 =	vor.u32 $0x4C00, v8;
	v40 =	vld.idx.msk [tilespmem:v33+s3+$0x0], $0xffff;
	v34 =	vadd.s32 $0x3000, v21  }
0x9f: {  	v29 =	vadd.s32 $0x3800, v29;
	v10 =	vshrl.u32 v20, $0x2  }
0xa0: {  	[tilespmem:v22+s22+$0x0] =	vst.idx.msk $0xffff, v24;
	v22 =	vld.idx.msk [tilespmem:v23+s3+$0x0], $0xffff;
	v23 =	vand.u32 $0xFC00, v10;
	v24 =	vor.u32 $0x1, v30  }
0xa1: {  	v10 =	vor.u32 s1, v12;
	[tilespmem:v26+s22+$0x0] =	vst.idx.msk $0xffff, v17;
	v26 =	vor.u32 $0x1400, v4;
	v17 =	vld.idx.msk [tilespmem:v13+s3+$0x0], $0xffff;
	v13 =	vadd.s32 s31, v23  }
0xa2: {  	[tilespmem:v28+s22+$0x0] =	vst.idx.msk $0xffff, v27;
	v23 =	vadd.s32 $0x3400, v16;
	v28 =	vld.idx.msk [tilespmem:v31+s3+$0x0], $0xffff;
	v27 =	vor.u32 v7, v13;
	v13 =	vshrl.u32 v18, $0x2  }
0xa3: {  	s7 =	simm.s32 $0x50;
	s16 =	simm.s32 $0x50;
	v31 =	vor.u32 $0x2800, v2;
	[tilespmem:v41+s22+$0x0] =	vst.idx.msk $0xffff, v40;
	v30 =	vadd.s32 $0x3000, v27;
	v42 =	vld.idx.msk [tilespmem:v34+s3+$0x0], $0xffff;
	v13 =	vand.u32 $0xFC00, v13  }
0xa4: {  	v43 =	vor.u32 $0x3C00, v1;
	s4 =	sand.u32 $0x70, s16;
	s5 =	sand.u32 $0x3FFFFF80, s7;
	v25 =	vadd.s32 $0x3800, v25;
	v29 =	vld.idx.msk [tilespmem:v29+s3+$0x0], $0xffff;
	v13 =	vadd.s32 s2, v13  }
0xa5: {  	v35 =	vor.u32 $0x5000, v8;
	s5 =	sor.u32 s4, s5;
	v44 =	vadd.s32 $0x3400, v21;
	v36 =	vor.u32 v14, v13;
	v13 =	vld.idx.msk [tilespmem:v24+s17+$0x0], $0xffff  }
0xa6: {  	v15 =	vshrl.u32 v15, $0xE;
	v24 =	vld [tilespmem:s5+$0x1C800];
	[tilespmem:v10+s22+$0x0] =	vst.idx.msk $0xffff, v22  }
0xa7: {  	v15 =	vand.u32 $0xFC00, v15;
	v22 =	vadd.s32 $0x3000, v36;
	v23 =	vld.idx.msk [tilespmem:v23+s3+$0x0], $0xffff;
	[tilespmem:v26+s22+$0x0] =	vst.idx.msk $0xffff, v17;
	v17 =	vor.u32 $0x400, v10  }
0xa8: {  	v15 =	vadd.s32 s29, v15;
	v16 =	vadd.s32 $0x3800, v16;
	[tilespmem:v31+s22+$0x0] =	vst.idx.msk $0xffff, v28;
	v28 =	vor.u32 $0x1800, v4;
	v26 =	vld.idx.msk [tilespmem:v30+s3+$0x0], $0xffff  }
0xa9: {  	v15 =	vor.u32 v5, v15;
	v31 =	vadd.s32 $0x3400, v27;
	v25 =	vld.idx.msk [tilespmem:v25+s3+$0x0], $0xffff;
	v30 =	vor.u32 $0x2C00, v2;
	[tilespmem:v43+s22+$0x0] =	vst.idx.msk $0xffff, v42  }
0xaa: {  	v45 =	vor.u32 $0x4000, v1;
	[tilespmem:v35+s22+$0x0] =	vst.idx.msk $0xffff, v29;
	v29 =	vadd.s32 $0x3000, v15;
	v32 =	vld.idx.msk [tilespmem:v44+s3+$0x0], $0xffff  }
0xab: {  	v46 =	vshll.u32 v19, $0x4;
	v21 =	vadd.s32 $0x3800, v21  }
0xac: {  	v47 =	vor.u32 $0x5400, v8;
	v34 =	vand.u32 $0xFC00, v46;
	v24 =	vshll.u32 v24, $0x1;
	v22 =	vld.idx.msk [tilespmem:v22+s3+$0x0], $0xffff;
	[tilespmem:v17+s22+$0x0] =	vst.idx.msk $0xffff, v23  }
0xad: {  	v17 =	vadd.s32 $0x3400, v36;
	v23 =	vadd.s32 s1, v34;
	v16 =	vld.idx.msk [tilespmem:v16+s3+$0x0], $0xffff;
	[tilespmem:v28+s22+$0x0] =	vst.idx.msk $0xffff, v26  }
0xae: {  	v23 =	vor.u32 v12, v23;
	v26 =	vor.u32 $0x800, v10;
	[tilespmem:v30+s22+$0x0] =	vst.idx.msk $0xffff, v25;
	v25 =	vshll.u32 v11, $0x4;
	v28 =	vld.idx.msk [tilespmem:v31+s3+$0x0], $0xffff  }
0xaf: {  	v30 =	vadd.s32 $0x3000, v23;
	v31 =	vor.u32 $0x1C00, v4;
	v29 =	vld.idx.msk [tilespmem:v29+s3+$0x0], $0xffff;
	[tilespmem:v45+s22+$0x0] =	vst.idx.msk $0xffff, v32;
	v25 =	vand.u32 $0xFC00, v25  }
0xb0: {  	v48 =	vor.u32 $0x3000, v2;
	v27 =	vadd.s32 $0x3800, v27;
	v21 =	vld.idx.msk [tilespmem:v21+s3+$0x0], $0xffff;
	v25 =	vadd.s32 s30, v25  }
0xb1: {  	v50 =	vor.u32 $0x4400, v1;
	v49 =	vadd.s32 $0x3400, v15;
	[tilespmem:v47+s22+$0x0] =	vst.idx.msk $0xffff, v22;
	v25 =	vor.u32 v3, v25;
	v22 =	vld.idx.msk [tilespmem:v24+s17+$0x0], $0xffff  }
0xb2: {  	v38 =	vor.u32 $0x5800, v8;
	v51 =	vshrl.u32 v20, $0x8;
	v17 =	vld.idx.msk [tilespmem:v17+s3+$0x0], $0xffff;
	v37 =	vadd.s32 $0x3000, v25  }
0xb3: {  	v52 =	vshrl.u32 v18, $0x8;
	v35 =	vand.u32 $0xFC00, v51;
	[tilespmem:v26+s22+$0x0] =	vst.idx.msk $0xffff, v16;
	v16 =	vadd.s32 $0x3800, v36  }
0xb4: {  	v15 =	vadd.s32 $0x3800, v15;
	v35 =	vadd.s32 s31, v35;
	v30 =	vld.idx.msk [tilespmem:v30+s3+$0x0], $0xffff;
	[tilespmem:v31+s22+$0x0] =	vst.idx.msk $0xffff, v28;
	v28 =	vor.u32 $0xC00, v10  }
0xb5: {  	v35 =	vor.u32 v7, v35;
	v31 =	vor.u32 $0x2000, v4;
	[tilespmem:v48+s22+$0x0] =	vst.idx.msk $0xffff, v29;
	v29 =	vadd.s32 $0x3400, v23;
	v27 =	vld.idx.msk [tilespmem:v27+s3+$0x0], $0xffff  }
0xb6: {  	v53 =	vadd.s32 $0x3000, v35;
	v32 =	vand.u32 $0xFC00, v52;
	v33 =	vld.idx.msk [tilespmem:v49+s3+$0x0], $0xffff;
	[tilespmem:v50+s22+$0x0] =	vst.idx.msk $0xffff, v21;
	v21 =	vor.u32 $0x3400, v2  }
0xb7: {  	v32 =	vadd.s32 s2, v32;
	v54 =	vshll.u32 v22, $0xA;
	v34 =	vld.idx.msk [tilespmem:v37+s3+$0x0], $0xffff;
	[tilespmem:v38+s22+$0x0] =	vst.idx.msk $0xffff, v17;
	v17 =	vor.u32 $0x4800, v1  }
0xb8: {  	s0 =	sand.u32 $0xFFFFFF80, s7;
	v32 =	vor.u32 v14, v32;
	v26 =	vor.u32 $0x5C00, v8;
	v37 =	vand.u32 $0xFC00, v54;
	v38 =	vld.idx.msk [tilespmem:v16+s3+$0x0], $0xffff  }
0xb9: {  	v39 =	vadd.s32 $0x3400, v25;
	v16 =	vor.u32 s4, v0;
	[tilespmem:v28+s22+$0x0] =	vst.idx.msk $0xffff, v30;
	v30 =	vadd.s32 s0, v37  }
0xba: {  	s16 =	simm.s32 $0x60;
	s4 =	simm.s32 $0x60;
	v28 =	vadd.s32 $0x3000, v32;
	v29 =	vld.idx.msk [tilespmem:v29+s3+$0x0], $0xffff;
	[tilespmem:v31+s22+$0x0] =	vst.idx.msk $0xffff, v27;
	v27 =	vor.u32 v16, v30;
	v30 =	vshll.u32 v6, $0xA  }
0xbb: {  	s5 =	sand.u32 $0x70, s16;
	s6 =	sand.u32 $0x3FFFFF80, s4;
	v31 =	vor.u32 $0x1000, v10;
	[tilespmem:v21+s22+$0x0] =	vst.idx.msk $0xffff, v33;
	v36 =	vld.idx.msk [tilespmem:v53+s3+$0x0], $0xffff;
	v55 =	vadd.s32 $0x3000, v27;
	v21 =	vand.u32 $0xFC00, v30  }
0xbc: {  	s6 =	sor.u32 s5, s6;
	v30 =	vor.u32 $0x2400, v4;
	v56 =	vld.idx.msk [tilespmem:v15+s3+$0x0], $0xffff;
	[tilespmem:v17+s22+$0x0] =	vst.idx.msk $0xffff, v34;
	v17 =	vadd.s32 $0x3800, v23;
	v15 =	vadd.s32 s29, v21  }
0xbd: {  	v23 =	vor.u32 $0x3800, v2;
	v21 =	vld [tilespmem:s6+$0x1C800];
	[tilespmem:v26+s22+$0x0] =	vst.idx.msk $0xffff, v38;
	v26 =	vadd.s32 $0x3400, v35;
	v57 =	vor.u32 v5, v15  }
0xbe: {  	v58 =	vor.u32 $0x4C00, v1;
	v34 =	vld.idx.msk [tilespmem:v39+s3+$0x0], $0xffff;
	v40 =	vadd.s32 $0x3000, v57  }
0xbf: {  	v60 =	vor.u32 $0x1400, v10;
	v42 =	vshrl.u32 v19, $0x2;
	v25 =	vadd.s32 $0x3800, v25;
	v28 =	vld.idx.msk [tilespmem:v28+s3+$0x0], $0xffff  }
0xc0: {  	v41 =	vor.u32 $0x6000, v8;
	v24 =	vor.u32 $0x1, v24;
	[tilespmem:v31+s22+$0x0] =	vst.idx.msk $0xffff, v29;
	v31 =	vand.u32 $0xFC00, v42;
	v29 =	vld.idx.msk [tilespmem:v55+s3+$0x0], $0xffff  }
0xc1: {  	v15 =	vor.u32 s0, v16;
	[tilespmem:v30+s22+$0x0] =	vst.idx.msk $0xffff, v36;
	v30 =	vadd.s32 $0x3400, v32;
	v59 =	vld.idx.msk [tilespmem:v17+s3+$0x0], $0xffff;
	v17 =	vadd.s32 s1, v31  }
0xc2: {  	[tilespmem:v23+s22+$0x0] =	vst.idx.msk $0xffff, v56;
	v31 =	vadd.s32 $0x3400, v27;
	v33 =	vor.u32 v12, v17;
	v43 =	vld.idx.msk [tilespmem:v26+s3+$0x0], $0xffff;
	v17 =	vshrl.u32 v11, $0x2  }
0xc3: {  	v62 =	vor.u32 $0x2800, v4;
	[tilespmem:v58+s22+$0x0] =	vst.idx.msk $0xffff, v34;
	v61 =	vadd.s32 $0x3000, v33;
	v40 =	vld.idx.msk [tilespmem:v40+s3+$0x0], $0xffff;
	v17 =	vand.u32 $0xFC00, v17  }
0xc4: {  	v44 =	vor.u32 $0x3C00, v2;
	v35 =	vadd.s32 $0x3800, v35;
	v25 =	vld.idx.msk [tilespmem:v25+s3+$0x0], $0xffff;
	v17 =	vadd.s32 s30, v17  }
0xc5: {  	v45 =	vor.u32 $0x5000, v1;
	[tilespmem:v41+s22+$0x0] =	vst.idx.msk $0xffff, v28;
	v28 =	vadd.s32 $0x3400, v57;
	v26 =	vor.u32 v3, v17;
	v17 =	vld.idx.msk [tilespmem:v24+s17+$0x0], $0xffff  }
0xc6: {  	v20 =	vshrl.u32 v20, $0xE;
	v47 =	vor.u32 $0x6400, v8;
	v30 =	vld.idx.msk [tilespmem:v30+s3+$0x0], $0xffff;
	[tilespmem:v15+s22+$0x0] =	vst.idx.msk $0xffff, v29;
	v46 =	vadd.s32 $0x3000, v26  }
0xc7: {  	v20 =	vand.u32 $0xFC00, v20;
	v18 =	vshrl.u32 v18, $0xE;
	v63 =	vadd.s32 $0x3800, v32;
	v41 =	vld.idx.msk [tilespmem:v31+s3+$0x0], $0xffff;
	[tilespmem:v60+s22+$0x0] =	vst.idx.msk $0xffff, v59  }
0xc8: {  	v20 =	vadd.s32 s31, v20;
	v18 =	vand.u32 $0xFC00, v18;
	v42 =	vor.u32 $0x400, v15;
	[tilespmem:v62+s22+$0x0] =	vst.idx.msk $0xffff, v43;
	v37 =	vld.idx.msk [tilespmem:v61+s3+$0x0], $0xffff  }
0xc9: {  	v39 =	vor.u32 $0x1800, v10;
	v32 =	vor.u32 $0x2C00, v4;
	v43 =	vadd.s32 $0x3800, v27;
	v34 =	vld.idx.msk [tilespmem:v35+s3+$0x0], $0xffff;
	[tilespmem:v44+s22+$0x0] =	vst.idx.msk $0xffff, v40  }
0xca: {  	v36 =	vadd.s32 s2, v18;
	v31 =	vor.u32 v7, v20;
	v40 =	vadd.s32 $0x3400, v33;
	[tilespmem:v45+s22+$0x0] =	vst.idx.msk $0xffff, v25;
	v28 =	vld.idx.msk [tilespmem:v28+s3+$0x0], $0xffff  }
0xcb: {  	v23 =	vor.u32 $0x6800, v8;
	v29 =	vor.u32 $0x4000, v2;
	v35 =	vadd.s32 $0x3000, v31;
	[tilespmem:v47+s22+$0x0] =	vst.idx.msk $0xffff, v30;
	v27 =	vld.idx.msk [tilespmem:v46+s3+$0x0], $0xffff  }
0xcc: {  	s6 =	simm.s32 $0x7;
	v24 =	vor.u32 $0x5400, v1;
	v44 =	vshll.u32 v22, $0x4;
	v30 =	vadd.s32 $0x3800, v57;
	v25 =	vld.idx.msk [tilespmem:v63+s3+$0x0], $0xffff  }
.LBB2_2:
0xcd: {  	p0 =	sne.s32 s6, $0x3F;
	[tilespmem:v42+s22+$0x0] =	vst.idx.msk $0xffff, v41;
	v18 =	vand.u32 $0xFC00, v44;
	v20 =	vadd.s32 $0x3400, v26;
	v38 =	vor.u32 v14, v36;
	v14 =	vmovc v3;
	s2 =	smov.u32 s31;
	s31 =	smov.u32 s1  }
0xce: {  	v42 =	vor.u32 $0x800, v15;
	v3 =	vmovc v5;
	s1 =	smov.u32 s0;
	v41 =	vld.idx.msk [tilespmem:v43+s3+$0x0], $0xffff;
	v18 =	vadd.s32 s0, v18;
	[tilespmem:v39+s22+$0x0] =	vst.idx.msk $0xffff, v37;
	v37 =	vadd.s32 $0x3000, v38  }
0xcf: {  	v36 =	vshll.u32 v21, $0x1;
	v21 =	vor.u32 v16, v18;
	v39 =	vld.idx.msk [tilespmem:v40+s3+$0x0], $0xffff;
	[tilespmem:v32+s22+$0x0] =	vst.idx.msk $0xffff, v34;
	v40 =	vshll.u32 v6, $0x4  }
0xd0: {  	v5 =	vmovc v7;
	v34 =	vor.u32 $0x1C00, v10;
	v32 =	vadd.s32 $0x3000, v21;
	v35 =	vld.idx.msk [tilespmem:v35+s3+$0x0], $0xffff;
	[tilespmem:v29+s22+$0x0] =	vst.idx.msk $0xffff, v28;
	v18 =	vand.u32 $0xFC00, v40  }
0xd1: {  	v7 =	vmovc v12;
	v28 =	vadd.s32 $0x3800, v33;
	v29 =	vor.u32 $0x3000, v4;
	v30 =	vld.idx.msk [tilespmem:v30+s3+$0x0], $0xffff;
	v43 =	vadd.s32 s29, v18;
	[tilespmem:v24+s22+$0x0] =	vst.idx.msk $0xffff, v27  }
0xd2: {  	v24 =	vadd.s32 $0x3400, v31;
	v27 =	vor.u32 $0x4400, v2;
	v33 =	vor.u32 v3, v43;
	v40 =	vld.idx.msk [tilespmem:v20+s3+$0x0], $0xffff;
	[tilespmem:v23+s22+$0x0] =	vst.idx.msk $0xffff, v25  }
0xd3: {  	v12 =	vmovc v16;
	v25 =	vor.u32 $0x5800, v1;
	v23 =	vadd.s32 $0x3000, v33;
	v37 =	vld.idx.msk [tilespmem:v37+s3+$0x0], $0xffff;
	v18 =	vmovc v13;
	v13 =	vmov v17  }
0xd4: {  	v16 =	vshrl.u32 v19, $0x8;
	v17 =	vadd.s32 $0x3800, v26;
	v26 =	vor.u32 $0x6C00, v8;
	v20 =	vld.idx.msk [tilespmem:v36+s17+$0x0], $0xffff;
	[tilespmem:v42+s22+$0x0] =	vst.idx.msk $0xffff, v41  }
0xd5: {  	v16 =	vand.u32 $0xFC00, v16;
	v32 =	vld.idx.msk [tilespmem:v32+s3+$0x0], $0xffff;
	[tilespmem:v34+s22+$0x0] =	vst.idx.msk $0xffff, v39;
	v34 =	vor.u32 $0x5C00, v1;
	v39 =	vadd.s32 $0x3400, v38  }
0xd6: {  	v16 =	vadd.s32 s31, v16;
	v41 =	vor.u32 $0xC00, v15;
	v42 =	vor.u32 $0x2000, v10;
	v28 =	vld.idx.msk [tilespmem:v28+s3+$0x0], $0xffff;
	[tilespmem:v29+s22+$0x0] =	vst.idx.msk $0xffff, v35  }
0xd7: {  	v29 =	vadd.s32 $0x3400, v21;
	v35 =	vor.u32 v7, v16;
	v16 =	vshrl.u32 v11, $0x8;
	v24 =	vld.idx.msk [tilespmem:v24+s3+$0x0], $0xffff;
	[tilespmem:v27+s22+$0x0] =	vst.idx.msk $0xffff, v30  }
0xd8: {  	v27 =	vadd.s32 $0x3000, v35;
	v30 =	vor.u32 $0x3400, v4;
	v16 =	vand.u32 $0xFC00, v16;
	v23 =	vld.idx.msk [tilespmem:v23+s3+$0x0], $0xffff;
	[tilespmem:v25+s22+$0x0] =	vst.idx.msk $0xffff, v40  }
0xd9: {  	v25 =	vadd.s32 $0x3800, v31;
	v31 =	vor.u32 $0x4800, v2;
	v16 =	vadd.s32 s30, v16;
	v17 =	vld.idx.msk [tilespmem:v17+s3+$0x0], $0xffff;
	[tilespmem:v26+s22+$0x0] =	vst.idx.msk $0xffff, v37  }
0xda: {  	v26 =	vshll.u32 v20, $0xA;
	v37 =	vadd.s32 $0x3400, v33;
	v40 =	vor.u32 v14, v16;
	v39 =	vld.idx.msk [tilespmem:v39+s3+$0x0], $0xffff  }
0xdb: {  	s0 =	sand.u32 $0xFFFFFF80, s4;
	v26 =	vand.u32 $0xFC00, v26;
	[tilespmem:v41+s22+$0x0] =	vst.idx.msk $0xffff, v32;
	v32 =	vadd.s32 $0x3000, v40;
	v41 =	vor.u32 $0x7000, v8  }
0xdc: {  	v16 =	vor.u32 s5, v0;
	v26 =	vadd.s32 s0, v26;
	v29 =	vld.idx.msk [tilespmem:v29+s3+$0x0], $0xffff;
	[tilespmem:v42+s22+$0x0] =	vst.idx.msk $0xffff, v28;
	v28 =	vadd.s32 $0x3800, v38  }
0xdd: {  	v38 =	vor.u32 v16, v26;
	v26 =	vor.u32 $0x1000, v15;
	v27 =	vld.idx.msk [tilespmem:v27+s3+$0x0], $0xffff;
	[tilespmem:v30+s22+$0x0] =	vst.idx.msk $0xffff, v24;
	v24 =	vshll.u32 v9, $0xA  }
0xde: {  	v42 =	vor.u32 $0x2400, v10;
	v30 =	vadd.s32 $0x3000, v38;
	v25 =	vld.idx.msk [tilespmem:v25+s3+$0x0], $0xffff;
	v24 =	vand.u32 $0xFC00, v24;
	[tilespmem:v31+s22+$0x0] =	vst.idx.msk $0xffff, v23  }
0xdf: {  	s16 =	sadd.s32 $0x10, s16;
	s4 =	sshll.u32 s6, $0x4;
	v23 =	vadd.s32 $0x3800, v21;
	v31 =	vor.u32 $0x3800, v4;
	v21 =	vadd.s32 s2, v24;
	v24 =	vld.idx.msk [tilespmem:v37+s3+$0x0], $0xffff;
	[tilespmem:v34+s22+$0x0] =	vst.idx.msk $0xffff, v17  }
0xe0: {  	s7 =	sand.u32 $0x3FFFFF80, s4;
	s5 =	sand.u32 $0x70, s16;
	v17 =	vadd.s32 $0x3400, v35;
	v34 =	vor.u32 $0x4C00, v2;
	v45 =	vor.u32 v5, v21;
	v32 =	vld.idx.msk [tilespmem:v32+s3+$0x0], $0xffff;
	[tilespmem:v41+s22+$0x0] =	vst.idx.msk $0xffff, v39  }
0xe1: {  	s7 =	sor.u32 s5, s7;
	v39 =	vor.u32 $0x6000, v1;
	v37 =	vadd.s32 $0x3000, v45;
	v28 =	vld.idx.msk [tilespmem:v28+s3+$0x0], $0xffff  }
0xe2: {  	v41 =	vor.u32 $0x7400, v8;
	v8 =	vmovc v1;
	v1 =	vmovc v2;
	v21 =	vld [tilespmem:s7+$0x1C800];
	[tilespmem:v26+s22+$0x0] =	vst.idx.msk $0xffff, v29;
	v26 =	vshrl.u32 v22, $0x2;
	v29 =	vadd.s32 $0x3800, v33  }
0xe3: {  	v43 =	vor.u32 s0, v16;
	v2 =	vmovc v4;
	v30 =	vld.idx.msk [tilespmem:v30+s3+$0x0], $0xffff;
	v26 =	vand.u32 $0xFC00, v26;
	[tilespmem:v42+s22+$0x0] =	vst.idx.msk $0xffff, v27;
	v27 =	vadd.s32 $0x3400, v40  }
0xe4: {  	v44 =	vor.u32 $0x1400, v15;
	v36 =	vor.u32 $0x1, v36;
	v4 =	vmovc v10;
	v42 =	vld.idx.msk [tilespmem:v23+s3+$0x0], $0xffff;
	v23 =	vadd.s32 s1, v26;
	[tilespmem:v31+s22+$0x0] =	vst.idx.msk $0xffff, v25  }
0xe5: {  	v25 =	vadd.s32 $0x3400, v38;
	v33 =	vor.u32 v12, v23;
	v31 =	vld.idx.msk [tilespmem:v17+s3+$0x0], $0xffff;
	[tilespmem:v34+s22+$0x0] =	vst.idx.msk $0xffff, v24;
	v23 =	vshrl.u32 v6, $0x2  }
0xe6: {  	v10 =	vmovc v15;
	v46 =	vor.u32 $0x2800, v4;
	v34 =	vadd.s32 $0x3000, v33;
	v47 =	vld.idx.msk [tilespmem:v37+s3+$0x0], $0xffff;
	v17 =	vand.u32 $0xFC00, v23;
	[tilespmem:v39+s22+$0x0] =	vst.idx.msk $0xffff, v32  }
0xe7: {  	v35 =	vadd.s32 $0x3800, v35;
	v15 =	vmovc v43;
	v48 =	vor.u32 $0x3C00, v2;
	v29 =	vld.idx.msk [tilespmem:v29+s3+$0x0], $0xffff;
	v17 =	vadd.s32 s29, v17;
	[tilespmem:v41+s22+$0x0] =	vst.idx.msk $0xffff, v28  }
0xe8: {  	v49 =	vor.u32 $0x5000, v1;
	v28 =	vadd.s32 $0x3400, v45;
	v26 =	vor.u32 v3, v17;
	v50 =	vld.idx.msk [tilespmem:v27+s3+$0x0], $0xffff  }
0xe9: {  	v23 =	vor.u32 $0x6800, v8;
	v17 =	vld.idx.msk [tilespmem:v36+s17+$0x0], $0xffff;
	[tilespmem:v43+s22+$0x0] =	vst.idx.msk $0xffff, v30;
	v27 =	vadd.s32 $0x3000, v26;
	v30 =	vor.u32 $0x6400, v8  }
0xea: {  	v24 =	vor.u32 $0x5400, v1;
	v36 =	vadd.s32 $0x3800, v40;
	v41 =	vld.idx.msk [tilespmem:v25+s3+$0x0], $0xffff;
	[tilespmem:v44+s22+$0x0] =	vst.idx.msk $0xffff, v42;
	v25 =	vshrl.u32 v19, $0xE;
	v19 =	vmovc v22  }
.Ltmp0:
0xeb: {  	v32 =	vor.u32 $0x2C00, v4;
	v42 =	vor.u32 $0x400, v15;
	v22 =	vmovc v20;
	v37 =	vld.idx.msk [tilespmem:v34+s3+$0x0], $0xffff;
	[tilespmem:v46+s22+$0x0] =	vst.idx.msk $0xffff, v31;
	v25 =	vand.u32 $0xFC00, v25;
	(pc) =	sbr.rel @p0 .LBB2_2-.Ltmp0, $4  }
0xec: {  	v39 =	vor.u32 $0x1800, v10;
	v43 =	vadd.s32 $0x3800, v38;
	v34 =	vld.idx.msk [tilespmem:v35+s3+$0x0], $0xffff;
	v20 =	vadd.s32 s31, v25;
	[tilespmem:v48+s22+$0x0] =	vst.idx.msk $0xffff, v47  }
0xed: {  	v40 =	vadd.s32 $0x3400, v33;
	v25 =	vshrl.u32 v11, $0xE;
	v31 =	vor.u32 v7, v20;
	v28 =	vld.idx.msk [tilespmem:v28+s3+$0x0], $0xffff;
	[tilespmem:v49+s22+$0x0] =	vst.idx.msk $0xffff, v29  }
0xee: {  	v11 =	vmovc v6;
	v29 =	vor.u32 $0x4000, v2;
	v20 =	vand.u32 $0xFC00, v25;
	v35 =	vadd.s32 $0x3000, v31;
	v27 =	vld.idx.msk [tilespmem:v27+s3+$0x0], $0xffff;
	[tilespmem:v30+s22+$0x0] =	vst.idx.msk $0xffff, v50  }
0xef: {  	s6 =	sadd.s32 $0x1, s6;
	v44 =	vshll.u32 v22, $0x4;
	v6 =	vmovc v9;
	v9 =	vmovc v18;
	v30 =	vadd.s32 $0x3800, v45;
	v25 =	vld.idx.msk [tilespmem:v36+s3+$0x0], $0xffff;
	v36 =	vadd.s32 s30, v20;
	s30 =	smov.u32 s29;
	s29 =	smov.u32 s2  }
0xf0: {  	v18 =	vshll.u32 v21, $0x1;
	_ =	sdelay $0x4  }
0xf1: {  	v38 =	vld.idx.msk [tilespmem:v18+s17+$0x0], $0xffff;
	_ =	sdelay $0x4  }
0xf2: {  	v20 =	vshll.u32 v38, $0xA  }
0xf3: {  	s2 =	sand.u32 $0xFFFFFF80, s4;
	v21 =	vand.u32 $0xFC00, v20  }
0xf4: {  	v20 =	vor.u32 s5, v0;
	v21 =	vadd.s32 s2, v21  }
0xf5: {  	v45 =	vor.u32 v20, v21  }
0xf6: {  	v21 =	vadd.s32 $0x3000, v45;
	_ =	sdelay $0x4  }
0xf7: {  	v46 =	vor.u32 $0x1, v18;
	v18 =	vor.u32 s2, v20;
	v47 =	vld.idx.msk [tilespmem:v21+s3+$0x0], $0xffff  }
0xf8: {  	v48 =	vadd.s32 $0x3400, v45;
	_ =	sdelay $0x3  }
0xf9: {  	v21 =	vld.idx.msk [tilespmem:v46+s17+$0x0], $0xffff;
	[tilespmem:v18+s22+$0x0] =	vst.idx.msk $0xffff, v47  }
0xfa: {  	v53 =	vor.u32 $0x400, v18;
	v52 =	vld.idx.msk [tilespmem:v48+s3+$0x0], $0xffff  }
0xfb: {  	v45 =	vadd.s32 $0x3800, v45;
	_ =	sdelay $0x1  }
0xfc: {  	v44 =	vand.u32 $0xFC00, v44;
	v54 =	vshll.u32 v38, $0x4  }
0xfd: {  	[tilespmem:v42+s22+$0x0] =	vst.idx.msk $0xffff, v41;
	v55 =	vadd.s32 s0, v44;
	v56 =	vand.u32 $0xFC00, v54  }
0xfe: {  	v57 =	vor.u32 $0x800, v15;
	v43 =	vld.idx.msk [tilespmem:v43+s3+$0x0], $0xffff;
	v41 =	vor.u32 v16, v55;
	v42 =	vadd.s32 s2, v56;
	[tilespmem:v53+s22+$0x0] =	vst.idx.msk $0xffff, v52  }
0xff: {  	v58 =	vadd.s32 $0x3000, v41;
	v59 =	vor.u32 $0x800, v18;
	v42 =	vor.u32 v20, v42;
	v45 =	vld.idx.msk [tilespmem:v45+s3+$0x0], $0xffff  }
0x100: {  	v60 =	vadd.s32 $0x3000, v42;
	_ =	sdelay $0x2  }
0x101: {  	[tilespmem:v57+s22+$0x0] =	vst.idx.msk $0xffff, v43  }
0x102: {  	v61 =	vor.u32 $0xC00, v15;
	v43 =	vld.idx.msk [tilespmem:v58+s3+$0x0], $0xffff;
	[tilespmem:v59+s22+$0x0] =	vst.idx.msk $0xffff, v45  }
0x103: {  	v62 =	vadd.s32 $0x3400, v41;
	v52 =	vor.u32 $0xC00, v18;
	v63 =	vld.idx.msk [tilespmem:v60+s3+$0x0], $0xffff  }
0x104: {  	v53 =	vadd.s32 $0x3400, v42;
	_ =	sdelay $0x2  }
0x105: {  	[tilespmem:v61+s22+$0x0] =	vst.idx.msk $0xffff, v43  }
0x106: {  	v54 =	vor.u32 $0x1000, v15;
	v43 =	vld.idx.msk [tilespmem:v62+s3+$0x0], $0xffff;
	[tilespmem:v52+s22+$0x0] =	vst.idx.msk $0xffff, v63  }
0x107: {  	v41 =	vadd.s32 $0x3800, v41;
	v56 =	vor.u32 $0x1000, v18;
	v55 =	vld.idx.msk [tilespmem:v53+s3+$0x0], $0xffff  }
0x108: {  	v42 =	vadd.s32 $0x3800, v42  }
0x109: {  	v57 =	vshrl.u32 v22, $0x2  }
0x10a: {  	v58 =	vshrl.u32 v38, $0x2;
	v47 =	vand.u32 $0xFC00, v57  }
0x10b: {  	[tilespmem:v54+s22+$0x0] =	vst.idx.msk $0xffff, v43;
	v59 =	vadd.s32 s0, v47;
	v60 =	vand.u32 $0xFC00, v58  }
0x10c: {  	v61 =	vor.u32 $0x1400, v15;
	v41 =	vld.idx.msk [tilespmem:v41+s3+$0x0], $0xffff;
	v43 =	vor.u32 v16, v59;
	v44 =	vadd.s32 s2, v60;
	[tilespmem:v56+s22+$0x0] =	vst.idx.msk $0xffff, v55  }
0x10d: {  	v62 =	vadd.s32 $0x3000, v43;
	v44 =	vor.u32 v20, v44;
	v63 =	vor.u32 $0x1400, v18;
	v42 =	vld.idx.msk [tilespmem:v42+s3+$0x0], $0xffff  }
0x10e: {  	v52 =	vadd.s32 $0x3000, v44;
	_ =	sdelay $0x2  }
0x10f: {  	[tilespmem:v61+s22+$0x0] =	vst.idx.msk $0xffff, v41  }
0x110: {  	v41 =	vld.idx.msk [tilespmem:v62+s3+$0x0], $0xffff;
	v53 =	vor.u32 $0x1800, v15;
	[tilespmem:v63+s22+$0x0] =	vst.idx.msk $0xffff, v42  }
0x111: {  	v54 =	vadd.s32 $0x3400, v43;
	v55 =	vor.u32 $0x1800, v18;
	v46 =	vld.idx.msk [tilespmem:v52+s3+$0x0], $0xffff  }
0x112: {  	v56 =	vadd.s32 $0x3400, v44  }
0x113: {  	[tilespmem:v39+s22+$0x0] =	vst.idx.msk $0xffff, v37  }
0x114: {  	v37 =	vld.idx.msk [tilespmem:v40+s3+$0x0], $0xffff;
	v57 =	vor.u32 $0x1C00, v10  }
0x115: {  	v33 =	vadd.s32 $0x3800, v33;
	[tilespmem:v53+s22+$0x0] =	vst.idx.msk $0xffff, v41  }
0x116: {  	v59 =	vor.u32 $0x1C00, v15;
	v58 =	vld.idx.msk [tilespmem:v54+s3+$0x0], $0xffff;
	[tilespmem:v55+s22+$0x0] =	vst.idx.msk $0xffff, v46  }
0x117: {  	v60 =	vshrl.u32 v19, $0x8;
	v43 =	vadd.s32 $0x3800, v43;
	v62 =	vor.u32 $0x1C00, v18;
	v61 =	vld.idx.msk [tilespmem:v56+s3+$0x0], $0xffff  }
0x118: {  	v44 =	vadd.s32 $0x3800, v44;
	v42 =	vand.u32 $0xFC00, v60  }
0x119: {  	[tilespmem:v57+s22+$0x0] =	vst.idx.msk $0xffff, v37;
	v54 =	vshrl.u32 v38, $0x8;
	v42 =	vadd.s32 s1, v42;
	v52 =	vshrl.u32 v22, $0x8  }
0x11a: {  	v33 =	vld.idx.msk [tilespmem:v33+s3+$0x0], $0xffff;
	v63 =	vor.u32 $0x2000, v10;
	v37 =	vor.u32 v12, v42;
	v53 =	vand.u32 $0xFC00, v52  }
0x11b: {  	[tilespmem:v59+s22+$0x0] =	vst.idx.msk $0xffff, v58;
	v39 =	vadd.s32 s0, v53;
	v55 =	vadd.s32 $0x3000, v37;
	v56 =	vand.u32 $0xFC00, v54  }
0x11c: {  	v57 =	vor.u32 $0x2000, v15;
	v41 =	vld.idx.msk [tilespmem:v43+s3+$0x0], $0xffff;
	v39 =	vor.u32 v16, v39;
	v40 =	vadd.s32 s2, v56;
	[tilespmem:v62+s22+$0x0] =	vst.idx.msk $0xffff, v61  }
0x11d: {  	v59 =	vor.u32 $0x2000, v18;
	v58 =	vadd.s32 $0x3000, v39;
	v40 =	vor.u32 v20, v40;
	v44 =	vld.idx.msk [tilespmem:v44+s3+$0x0], $0xffff  }
0x11e: {  	v60 =	vadd.s32 $0x3000, v40  }
0x11f: {  	[tilespmem:v63+s22+$0x0] =	vst.idx.msk $0xffff, v33  }
0x120: {  	v33 =	vld.idx.msk [tilespmem:v55+s3+$0x0], $0xffff;
	v61 =	vor.u32 $0x2400, v10  }
0x121: {  	[tilespmem:v57+s22+$0x0] =	vst.idx.msk $0xffff, v41;
	v62 =	vadd.s32 $0x3400, v37  }
0x122: {  	v63 =	vor.u32 $0x2400, v15;
	v42 =	vld.idx.msk [tilespmem:v58+s3+$0x0], $0xffff;
	[tilespmem:v59+s22+$0x0] =	vst.idx.msk $0xffff, v44  }
0x123: {  	v53 =	vor.u32 $0x2400, v18;
	v52 =	vadd.s32 $0x3400, v39;
	v45 =	vld.idx.msk [tilespmem:v60+s3+$0x0], $0xffff  }
0x124: {  	v54 =	vadd.s32 $0x3400, v40  }
0x125: {  	[tilespmem:v61+s22+$0x0] =	vst.idx.msk $0xffff, v33  }
0x126: {  	v55 =	vor.u32 $0x2800, v10;
	v33 =	vld.idx.msk [tilespmem:v62+s3+$0x0], $0xffff  }
0x127: {  	v37 =	vadd.s32 $0x3800, v37;
	[tilespmem:v63+s22+$0x0] =	vst.idx.msk $0xffff, v42  }
0x128: {  	v56 =	vor.u32 $0x2800, v15;
	v42 =	vld.idx.msk [tilespmem:v52+s3+$0x0], $0xffff;
	[tilespmem:v53+s22+$0x0] =	vst.idx.msk $0xffff, v45  }
0x129: {  	v19 =	vshrl.u32 v19, $0xE;
	v39 =	vadd.s32 $0x3800, v39;
	v58 =	vor.u32 $0x2800, v18;
	v57 =	vld.idx.msk [tilespmem:v54+s3+$0x0], $0xffff  }
0x12a: {  	v19 =	vand.u32 $0xFC00, v19;
	v40 =	vadd.s32 $0x3800, v40  }
0x12b: {  	v19 =	vadd.s32 s1, v19;
	v22 =	vshrl.u32 v22, $0xE;
	v59 =	vor.u32 $0x2C00, v10;
	[tilespmem:v55+s22+$0x0] =	vst.idx.msk $0xffff, v33  }
0x12c: {  	v33 =	vor.u32 v12, v19;
	v19 =	vand.u32 $0xFC00, v22;
	v22 =	vshrl.u32 v38, $0xE;
	v37 =	vld.idx.msk [tilespmem:v37+s3+$0x0], $0xffff  }
0x12d: {  	[tilespmem:v56+s22+$0x0] =	vst.idx.msk $0xffff, v42;
	v60 =	vadd.s32 $0x3000, v33;
	v19 =	vadd.s32 s0, v19;
	v22 =	vand.u32 $0xFC00, v22  }
0x12e: {  	v61 =	vor.u32 $0x2C00, v15;
	v39 =	vld.idx.msk [tilespmem:v39+s3+$0x0], $0xffff;
	v42 =	vor.u32 v16, v19;
	v19 =	vadd.s32 s2, v22;
	[tilespmem:v58+s22+$0x0] =	vst.idx.msk $0xffff, v57  }
0x12f: {  	v62 =	vor.u32 $0x2C00, v18;
	v22 =	vadd.s32 $0x3000, v42;
	v44 =	vor.u32 v20, v19;
	v40 =	vld.idx.msk [tilespmem:v40+s3+$0x0], $0xffff  }
0x130: {  	[tilespmem:v32+s22+$0x0] =	vst.idx.msk $0xffff, v34;
	v19 =	vadd.s32 $0x3000, v44  }
0x131: {  	v35 =	vld.idx.msk [tilespmem:v35+s3+$0x0], $0xffff;
	v63 =	vor.u32 $0x3000, v4;
	[tilespmem:v59+s22+$0x0] =	vst.idx.msk $0xffff, v37  }
0x132: {  	v52 =	vadd.s32 $0x3400, v31;
	v53 =	vor.u32 $0x3000, v10;
	v38 =	vld.idx.msk [tilespmem:v60+s3+$0x0], $0xffff  }
0x133: {  	v54 =	vadd.s32 $0x3400, v33;
	[tilespmem:v61+s22+$0x0] =	vst.idx.msk $0xffff, v39  }
0x134: {  	v50 =	vor.u32 $0x4400, v2;
	v55 =	vor.u32 $0x3000, v15;
	v22 =	vld.idx.msk [tilespmem:v22+s3+$0x0], $0xffff;
	[tilespmem:v62+s22+$0x0] =	vst.idx.msk $0xffff, v40  }
0x135: {  	v32 =	vadd.s32 $0x3400, v26;
	v59 =	vor.u32 $0x3000, v18;
	v57 =	vadd.s32 $0x3400, v42;
	v58 =	vld.idx.msk [tilespmem:v19+s3+$0x0], $0xffff  }
0x136: {  	v34 =	vor.u32 v14, v36;
	v31 =	vadd.s32 $0x3800, v31;
	[tilespmem:v63+s22+$0x0] =	vst.idx.msk $0xffff, v35;
	v60 =	vadd.s32 $0x3400, v44  }
0x137: {  	v56 =	vshll.u32 v6, $0x4;
	v61 =	vshll.u32 v9, $0xA;
	v37 =	vld.idx.msk [tilespmem:v52+s3+$0x0], $0xffff;
	[tilespmem:v53+s22+$0x0] =	vst.idx.msk $0xffff, v38;
	v62 =	vor.u32 $0x3400, v4  }
0x138: {  	v63 =	vor.u32 $0x3400, v10;
	v14 =	vand.u32 $0xFC00, v56;
	v35 =	vand.u32 $0xFC00, v61;
	v39 =	vld.idx.msk [tilespmem:v54+s3+$0x0], $0xffff  }
0x139: {  	v56 =	vor.u32 $0x3800, v15;
	v35 =	vadd.s32 s31, v35;
	[tilespmem:v55+s22+$0x0] =	vst.idx.msk $0xffff, v22;
	v22 =	vadd.s32 $0x3800, v33  }
0x13a: {  	v41 =	vor.u32 v7, v35;
	v42 =	vadd.s32 $0x3800, v42;
	v53 =	vor.u32 $0x3400, v15;
	v52 =	vld.idx.msk [tilespmem:v57+s3+$0x0], $0xffff;
	[tilespmem:v59+s22+$0x0] =	vst.idx.msk $0xffff, v58  }
0x13b: {  	v44 =	vadd.s32 $0x3800, v44;
	v54 =	vshll.u32 v13, $0xA;
	v55 =	vor.u32 $0x3400, v18;
	v36 =	vld.idx.msk [tilespmem:v60+s3+$0x0], $0xffff  }
0x13c: {  	v47 =	vadd.s32 $0x3000, v41;
	v38 =	vor.u32 $0x3800, v4;
	v43 =	vand.u32 $0xFC00, v54;
	[tilespmem:v62+s22+$0x0] =	vst.idx.msk $0xffff, v37  }
0x13d: {  	v57 =	vadd.s32 s1, v43;
	v37 =	vor.u32 $0x3800, v10;
	[tilespmem:v63+s22+$0x0] =	vst.idx.msk $0xffff, v39;
	v58 =	vshll.u32 v17, $0xA;
	v59 =	vld.idx.msk [tilespmem:v31+s3+$0x0], $0xffff  }
0x13e: {  	v39 =	vor.u32 v12, v57;
	v22 =	vld.idx.msk [tilespmem:v22+s3+$0x0], $0xffff;
	v31 =	vand.u32 $0xFC00, v58;
	v60 =	vshll.u32 v21, $0xA  }
0x13f: {  	v61 =	vadd.s32 $0x3000, v39;
	[tilespmem:v53+s22+$0x0] =	vst.idx.msk $0xffff, v52;
	v31 =	vadd.s32 s0, v31;
	v62 =	vand.u32 $0xFC00, v60  }
0x140: {  	v14 =	vadd.s32 s29, v14;
	v63 =	vld.idx.msk [tilespmem:v42+s3+$0x0], $0xffff;
	v45 =	vor.u32 v16, v31;
	v31 =	vadd.s32 s2, v62;
	[tilespmem:v55+s22+$0x0] =	vst.idx.msk $0xffff, v36  }
0x141: {  	[tilespmem:v24+s22+$0x0] =	vst.idx.msk $0xffff, v27;
	v58 =	vor.u32 $0x3800, v18;
	v57 =	vadd.s32 $0x3000, v45;
	v49 =	vor.u32 v20, v31;
	v44 =	vld.idx.msk [tilespmem:v44+s3+$0x0], $0xffff  }
0x142: {  	v24 =	vadd.s32 $0x3800, v34;
	v51 =	vor.u32 v5, v14;
	v14 =	vadd.s32 $0x3000, v49;
	[tilespmem:v38+s22+$0x0] =	vst.idx.msk $0xffff, v59  }
0x143: {  	v27 =	vor.u32 $0x6000, v1;
	v48 =	vor.u32 $0x4400, v4;
	v59 =	vor.u32 $0x3C00, v4;
	[tilespmem:v37+s22+$0x0] =	vst.idx.msk $0xffff, v22;
	v38 =	vld.idx.msk [tilespmem:v47+s3+$0x0], $0xffff  }
0x144: {  	v35 =	vor.u32 $0x5800, v1;
	v60 =	vadd.s32 $0x3400, v41;
	v43 =	vld.idx.msk [tilespmem:v61+s3+$0x0], $0xffff;
	v61 =	vor.u32 $0x3C00, v10  }
0x145: {  	v33 =	vor.u32 $0x6C00, v8;
	v19 =	vadd.s32 $0x3000, v34;
	[tilespmem:v56+s22+$0x0] =	vst.idx.msk $0xffff, v63;
	v63 =	vadd.s32 $0x3400, v39  }
0x146: {  	v54 =	vor.u32 $0x3C00, v18;
	v52 =	vadd.s32 $0x3000, v51;
	v53 =	vor.u32 $0x3C00, v15;
	v36 =	vld.idx.msk [tilespmem:v57+s3+$0x0], $0xffff;
	[tilespmem:v58+s22+$0x0] =	vst.idx.msk $0xffff, v44  }
0x147: {  	v41 =	vadd.s32 $0x3800, v41;
	v62 =	vshrl.u32 v11, $0x8;
	v57 =	vadd.s32 $0x3400, v45;
	v46 =	vld.idx.msk [tilespmem:v14+s3+$0x0], $0xffff  }
0x148: {  	v11 =	vshrl.u32 v11, $0xE;
	v31 =	vadd.s32 $0x3800, v26;
	[tilespmem:v59+s22+$0x0] =	vst.idx.msk $0xffff, v38;
	v58 =	vadd.s32 $0x3400, v49  }
0x149: {  	v40 =	vand.u32 $0xFC00, v62;
	v62 =	vshll.u32 v13, $0x4;
	[tilespmem:v61+s22+$0x0] =	vst.idx.msk $0xffff, v43;
	v43 =	vor.u32 $0x4000, v4;
	v37 =	vld.idx.msk [tilespmem:v60+s3+$0x0], $0xffff  }
0x14a: {  	[tilespmem:v29+s22+$0x0] =	vst.idx.msk $0xffff, v28;
	v26 =	vor.u32 $0x5C00, v1;
	v28 =	vand.u32 $0xFC00, v62;
	v42 =	vld.idx.msk [tilespmem:v63+s3+$0x0], $0xffff;
	v60 =	vor.u32 $0x4000, v10  }
0x14b: {  	v30 =	vld.idx.msk [tilespmem:v30+s3+$0x0], $0xffff;
	v29 =	vadd.s32 $0x3800, v49;
	v39 =	vadd.s32 $0x3800, v39;
	v59 =	vshll.u32 v9, $0x4;
	[tilespmem:v53+s22+$0x0] =	vst.idx.msk $0xffff, v36  }
0x14c: {  	v45 =	vadd.s32 $0x3800, v45;
	v61 =	vor.u32 $0x4000, v15;
	v47 =	vand.u32 $0xFC00, v59;
	v44 =	vld.idx.msk [tilespmem:v57+s3+$0x0], $0xffff;
	[tilespmem:v54+s22+$0x0] =	vst.idx.msk $0xffff, v46  }
0x14d: {  	v63 =	vor.u32 $0x4000, v18;
	v14 =	vadd.s32 s30, v40;
	v47 =	vadd.s32 s31, v47;
	v40 =	vld.idx.msk [tilespmem:v58+s3+$0x0], $0xffff  }
0x14e: {  	v55 =	vor.u32 $0x4800, v2;
	v28 =	vadd.s32 s1, v28;
	v47 =	vor.u32 v7, v47;
	[tilespmem:v43+s22+$0x0] =	vst.idx.msk $0xffff, v37  }
0x14f: {  	v49 =	vshll.u32 v17, $0x4;
	v56 =	vadd.s32 $0x3000, v47;
	v37 =	vor.u32 $0x4400, v10;
	[tilespmem:v60+s22+$0x0] =	vst.idx.msk $0xffff, v42;
	v57 =	vld.idx.msk [tilespmem:v41+s3+$0x0], $0xffff  }
0x150: {  	[tilespmem:v50+s22+$0x0] =	vst.idx.msk $0xffff, v30;
	v41 =	vor.u32 v12, v28;
	v28 =	vand.u32 $0xFC00, v49;
	v39 =	vld.idx.msk [tilespmem:v39+s3+$0x0], $0xffff;
	v58 =	vshll.u32 v21, $0x4  }
0x151: {  	v50 =	vld.idx.msk [tilespmem:v52+s3+$0x0], $0xffff;
	v59 =	vadd.s32 $0x3000, v41;
	v28 =	vadd.s32 s0, v28;
	[tilespmem:v61+s22+$0x0] =	vst.idx.msk $0xffff, v44;
	v42 =	vand.u32 $0xFC00, v58  }
0x152: {  	v60 =	vor.u32 $0x4400, v15;
	v44 =	vld.idx.msk [tilespmem:v45+s3+$0x0], $0xffff;
	v45 =	vor.u32 v16, v28;
	v28 =	vadd.s32 s2, v42;
	[tilespmem:v63+s22+$0x0] =	vst.idx.msk $0xffff, v40  }
0x153: {  	[tilespmem:v23+s22+$0x0] =	vst.idx.msk $0xffff, v25;
	v61 =	vadd.s32 $0x3000, v45;
	v53 =	vor.u32 v20, v28;
	v63 =	vor.u32 $0x4400, v18;
	v62 =	vld.idx.msk [tilespmem:v29+s3+$0x0], $0xffff  }
0x154: {  	v32 =	vld.idx.msk [tilespmem:v32+s3+$0x0], $0xffff;
	v22 =	vadd.s32 $0x3400, v34;
	v34 =	vor.u32 $0x4C00, v2;
	v30 =	vadd.s32 $0x3000, v53;
	[tilespmem:v48+s22+$0x0] =	vst.idx.msk $0xffff, v57  }
0x155: {  	v52 =	vor.u32 $0x4C00, v4;
	v38 =	vadd.s32 $0x3400, v51;
	v54 =	vor.u32 $0x4800, v4;
	[tilespmem:v37+s22+$0x0] =	vst.idx.msk $0xffff, v39;
	v48 =	vld.idx.msk [tilespmem:v56+s3+$0x0], $0xffff  }
0x156: {  	[tilespmem:v55+s22+$0x0] =	vst.idx.msk $0xffff, v50;
	v50 =	vor.u32 $0x5000, v2;
	v58 =	vor.u32 $0x4800, v10;
	v57 =	vadd.s32 $0x3400, v47;
	v43 =	vld.idx.msk [tilespmem:v59+s3+$0x0], $0xffff  }
0x157: {  	v19 =	vld.idx.msk [tilespmem:v19+s3+$0x0], $0xffff;
	v55 =	vor.u32 $0x4C00, v10;
	v14 =	vor.u32 v3, v14;
	v59 =	vadd.s32 $0x3400, v41;
	[tilespmem:v60+s22+$0x0] =	vst.idx.msk $0xffff, v44  }
0x158: {  	v36 =	vadd.s32 $0x3800, v51;
	v56 =	vshrl.u32 v6, $0x2;
	v60 =	vor.u32 $0x4800, v15;
	v42 =	vld.idx.msk [tilespmem:v61+s3+$0x0], $0xffff;
	[tilespmem:v63+s22+$0x0] =	vst.idx.msk $0xffff, v62  }
0x159: {  	[tilespmem:v35+s22+$0x0] =	vst.idx.msk $0xffff, v32;
	v25 =	vadd.s32 $0x3400, v45;
	v39 =	vand.u32 $0xFC00, v56;
	v61 =	vor.u32 $0x4800, v18;
	v30 =	vld.idx.msk [tilespmem:v30+s3+$0x0], $0xffff  }
0x15a: {  	v38 =	vld.idx.msk [tilespmem:v38+s3+$0x0], $0xffff;
	v49 =	vor.u32 $0x5800, v15;
	v23 =	vadd.s32 s29, v39;
	[tilespmem:v54+s22+$0x0] =	vst.idx.msk $0xffff, v48;
	v62 =	vadd.s32 $0x3400, v53  }
0x15b: {  	v28 =	vadd.s32 $0x3000, v14;
	v29 =	vor.u32 $0x7000, v8;
	v23 =	vor.u32 v5, v23;
	[tilespmem:v58+s22+$0x0] =	vst.idx.msk $0xffff, v43;
	v40 =	vld.idx.msk [tilespmem:v57+s3+$0x0], $0xffff  }
0x15c: {  	[tilespmem:v33+s22+$0x0] =	vst.idx.msk $0xffff, v19;
	v56 =	vadd.s32 $0x3800, v41;
	v44 =	vadd.s32 $0x3800, v47;
	v37 =	vadd.s32 $0x3000, v23;
	v46 =	vld.idx.msk [tilespmem:v59+s3+$0x0], $0xffff  }
0x15d: {  	v22 =	vld.idx.msk [tilespmem:v22+s3+$0x0], $0xffff;
	v58 =	vshrl.u32 v13, $0x2;
	v63 =	vshrl.u32 v9, $0x2;
	v57 =	vor.u32 $0x4C00, v15;
	[tilespmem:v60+s22+$0x0] =	vst.idx.msk $0xffff, v42  }
0x15e: {  	v59 =	vadd.s32 $0x3800, v45;
	v32 =	vand.u32 $0xFC00, v58;
	v54 =	vand.u32 $0xFC00, v63;
	v25 =	vld.idx.msk [tilespmem:v25+s3+$0x0], $0xffff;
	[tilespmem:v61+s22+$0x0] =	vst.idx.msk $0xffff, v30  }
0x15f: {  	[tilespmem:v34+s22+$0x0] =	vst.idx.msk $0xffff, v38;
	v32 =	vadd.s32 s1, v32;
	v63 =	vor.u32 $0x5000, v10;
	v61 =	vor.u32 $0x4C00, v18;
	v60 =	vld.idx.msk [tilespmem:v62+s3+$0x0], $0xffff  }
0x160: {  	v36 =	vld.idx.msk [tilespmem:v36+s3+$0x0], $0xffff;
	v47 =	vadd.s32 s31, v54;
	v32 =	vor.u32 v12, v32;
	[tilespmem:v52+s22+$0x0] =	vst.idx.msk $0xffff, v40;
	v62 =	vadd.s32 $0x3800, v53  }
0x161: {  	v42 =	vor.u32 $0x5000, v4;
	v52 =	vshrl.u32 v17, $0x2;
	[tilespmem:v55+s22+$0x0] =	vst.idx.msk $0xffff, v46;
	v30 =	vor.u32 v7, v47;
	v44 =	vld.idx.msk [tilespmem:v44+s3+$0x0], $0xffff  }
0x162: {  	v43 =	vand.u32 $0xFC00, v52;
	v39 =	vld.idx.msk [tilespmem:v56+s3+$0x0], $0xffff;
	v56 =	vor.u32 $0x5000, v15;
	v53 =	vshrl.u32 v21, $0x2  }
0x163: {  	v34 =	vadd.s32 $0x3000, v30;
	v54 =	vadd.s32 s0, v43;
	[tilespmem:v57+s22+$0x0] =	vst.idx.msk $0xffff, v25;
	v55 =	vand.u32 $0xFC00, v53  }
0x164: {  	v25 =	vadd.s32 $0x3000, v32;
	v41 =	vor.u32 v16, v54;
	v35 =	vld.idx.msk [tilespmem:v59+s3+$0x0], $0xffff;
	v43 =	vadd.s32 s2, v55;
	[tilespmem:v61+s22+$0x0] =	vst.idx.msk $0xffff, v60  }
0x165: {  	[tilespmem:v50+s22+$0x0] =	vst.idx.msk $0xffff, v36;
	v58 =	vor.u32 $0x5000, v18;
	v19 =	vadd.s32 $0x3000, v41;
	v43 =	vor.u32 v20, v43;
	v57 =	vld.idx.msk [tilespmem:v62+s3+$0x0], $0xffff  }
0x166: {  	v31 =	vld.idx.msk [tilespmem:v31+s3+$0x0], $0xffff;
	v8 =	vor.u32 $0x7400, v8;
	v50 =	vor.u32 $0x5800, v18;
	[tilespmem:v29+s22+$0x0] =	vst.idx.msk $0xffff, v22;
	v60 =	vadd.s32 $0x3000, v43  }
0x167: {  	v45 =	vadd.s32 $0x3400, v14;
	v22 =	vshrl.u32 v13, $0x8;
	v37 =	vld.idx.msk [tilespmem:v37+s3+$0x0], $0xffff;
	[tilespmem:v42+s22+$0x0] =	vst.idx.msk $0xffff, v44;
	v61 =	vor.u32 $0x5400, v2  }
0x168: {  	v14 =	vadd.s32 $0x3800, v14;
	[tilespmem:v63+s22+$0x0] =	vst.idx.msk $0xffff, v39;
	v63 =	vor.u32 $0x5400, v4;
	v34 =	vld.idx.msk [tilespmem:v34+s3+$0x0], $0xffff;
	v62 =	vadd.s32 $0x3400, v23  }
0x169: {  	v22 =	vand.u32 $0xFC00, v22;
	v53 =	vadd.s32 $0x3400, v30;
	v54 =	vor.u32 $0x5400, v10;
	v25 =	vld.idx.msk [tilespmem:v25+s3+$0x0], $0xffff;
	[tilespmem:v56+s22+$0x0] =	vst.idx.msk $0xffff, v35  }
0x16a: {  	v22 =	vadd.s32 s1, v22;
	v55 =	vadd.s32 $0x3400, v32;
	v56 =	vor.u32 $0x5400, v15;
	v19 =	vld.idx.msk [tilespmem:v19+s3+$0x0], $0xffff;
	[tilespmem:v58+s22+$0x0] =	vst.idx.msk $0xffff, v57  }
0x16b: {  	[tilespmem:v26+s22+$0x0] =	vst.idx.msk $0xffff, v31;
	v22 =	vor.u32 v12, v22;
	v31 =	vadd.s32 $0x3400, v41;
	v57 =	vor.u32 $0x5400, v18;
	v47 =	vld.idx.msk [tilespmem:v60+s3+$0x0], $0xffff  }
0x16c: {  	v28 =	vld.idx.msk [tilespmem:v28+s3+$0x0], $0xffff;
	v46 =	vor.u32 $0x5800, v10;
	v52 =	vshrl.u32 v6, $0x8;
	[tilespmem:v61+s22+$0x0] =	vst.idx.msk $0xffff, v37;
	v58 =	vadd.s32 $0x3400, v43  }
0x16d: {  	v40 =	vand.u32 $0xFC00, v52;
	v52 =	vshrl.u32 v17, $0x8;
	v44 =	vor.u32 $0x5800, v2;
	[tilespmem:v63+s22+$0x0] =	vst.idx.msk $0xffff, v34;
	v42 =	vld.idx.msk [tilespmem:v62+s3+$0x0], $0xffff  }
0x16e: {  	v26 =	vadd.s32 s29, v40;
	v23 =	vadd.s32 $0x3800, v23;
	[tilespmem:v54+s22+$0x0] =	vst.idx.msk $0xffff, v25;
	v25 =	vld.idx.msk [tilespmem:v53+s3+$0x0], $0xffff;
	v62 =	vor.u32 $0x5800, v4  }
0x16f: {  	v30 =	vadd.s32 $0x3800, v30;
	v59 =	vand.u32 $0xFC00, v11;
	v26 =	vor.u32 v5, v26;
	v33 =	vld.idx.msk [tilespmem:v55+s3+$0x0], $0xffff;
	[tilespmem:v56+s22+$0x0] =	vst.idx.msk $0xffff, v19  }
0x170: {  	v32 =	vadd.s32 $0x3800, v32;
	v29 =	vadd.s32 $0x3800, v41;
	v61 =	vshrl.u32 v9, $0x8;
	v31 =	vld.idx.msk [tilespmem:v31+s3+$0x0], $0xffff;
	[tilespmem:v57+s22+$0x0] =	vst.idx.msk $0xffff, v47  }
0x171: {  	[tilespmem:v27+s22+$0x0] =	vst.idx.msk $0xffff, v28;
	v36 =	vadd.s32 s30, v59;
	v59 =	vor.u32 $0x5C00, v2;
	v39 =	vand.u32 $0xFC00, v61;
	v37 =	vld.idx.msk [tilespmem:v58+s3+$0x0], $0xffff  }
0x172: {  	v24 =	vld.idx.msk [tilespmem:v24+s3+$0x0], $0xffff;
	v43 =	vadd.s32 $0x3800, v43;
	v53 =	vand.u32 $0xFC00, v52;
	v54 =	vshrl.u32 v21, $0x8;
	[tilespmem:v44+s22+$0x0] =	vst.idx.msk $0xffff, v42  }
0x173: {  	v60 =	vadd.s32 $0x3000, v26;
	v63 =	vadd.s32 s31, v39;
	v55 =	vadd.s32 $0x3000, v22;
	[tilespmem:v62+s22+$0x0] =	vst.idx.msk $0xffff, v25;
	v23 =	vld.idx.msk [tilespmem:v23+s3+$0x0], $0xffff  }
0x174: {  	v35 =	vand.u32 $0xFC00, v54;
	v19 =	vor.u32 $0x5C00, v4;
	v38 =	vor.u32 v7, v63;
	[tilespmem:v46+s22+$0x0] =	vst.idx.msk $0xffff, v33;
	v30 =	vld.idx.msk [tilespmem:v30+s3+$0x0], $0xffff  }
0x175: {  	v51 =	vadd.s32 $0x3000, v38;
	v25 =	vor.u32 $0x5C00, v10;
	v33 =	vadd.s32 s0, v53;
	[tilespmem:v49+s22+$0x0] =	vst.idx.msk $0xffff, v31;
	v31 =	vld.idx.msk [tilespmem:v32+s3+$0x0], $0xffff  }
0x176: {  	v56 =	vor.u32 $0x5C00, v15;
	v35 =	vadd.s32 s2, v35;
	v33 =	vor.u32 v16, v33;
	v29 =	vld.idx.msk [tilespmem:v29+s3+$0x0], $0xffff;
	[tilespmem:v50+s22+$0x0] =	vst.idx.msk $0xffff, v37  }
0x177: {  	v28 =	vor.u32 $0x5C00, v18;
	[tilespmem:v8+s22+$0x0] =	vst.idx.msk $0xffff, v24;
	v35 =	vor.u32 v20, v35;
	v27 =	vadd.s32 $0x3000, v33;
	v57 =	vld.idx.msk [tilespmem:v43+s3+$0x0], $0xffff  }
0x178: {  	v6 =	vshrl.u32 v6, $0xE;
	v11 =	vor.u32 $0x6400, v1;
	v61 =	vld.idx.msk [tilespmem:v45+s3+$0x0], $0xffff;
	[tilespmem:v59+s22+$0x0] =	vst.idx.msk $0xffff, v23;
	v23 =	vadd.s32 $0x3000, v35  }
0x179: {  	v24 =	vor.u32 $0x6000, v18;
	v6 =	vand.u32 $0xFC00, v6;
	v59 =	vor.u32 $0x6000, v2;
	[tilespmem:v19+s22+$0x0] =	vst.idx.msk $0xffff, v30;
	v34 =	vld.idx.msk [tilespmem:v60+s3+$0x0], $0xffff  }
0x17a: {  	v17 =	vshrl.u32 v17, $0xE;
	v19 =	vadd.s32 $0x3400, v26;
	v42 =	vld.idx.msk [tilespmem:v51+s3+$0x0], $0xffff;
	[tilespmem:v25+s22+$0x0] =	vst.idx.msk $0xffff, v31;
	v25 =	vor.u32 $0x6000, v4  }
0x17b: {  	v6 =	vadd.s32 s29, v6;
	v31 =	vadd.s32 $0x3400, v38;
	v32 =	vld.idx.msk [tilespmem:v55+s3+$0x0], $0xffff;
	[tilespmem:v56+s22+$0x0] =	vst.idx.msk $0xffff, v29;
	v29 =	vor.u32 $0x6000, v10  }
0x17c: {  	v5 =	vor.u32 v5, v6;
	v60 =	vadd.s32 $0x3400, v22;
	v27 =	vld.idx.msk [tilespmem:v27+s3+$0x0], $0xffff;
	[tilespmem:v28+s22+$0x0] =	vst.idx.msk $0xffff, v57;
	v28 =	vor.u32 $0x6000, v15  }
0x17d: {  	v3 =	vor.u32 v3, v36;
	v9 =	vshrl.u32 v9, $0xE;
	[tilespmem:v11+s22+$0x0] =	vst.idx.msk $0xffff, v61;
	v8 =	vadd.s32 $0x3400, v33;
	v23 =	vld.idx.msk [tilespmem:v23+s3+$0x0], $0xffff  }
0x17e: {  	v36 =	vadd.s32 $0x3000, v3;
	v9 =	vand.u32 $0xFC00, v9;
	v6 =	vadd.s32 $0x3400, v35;
	[tilespmem:v59+s22+$0x0] =	vst.idx.msk $0xffff, v34  }
0x17f: {  	v45 =	vor.u32 $0x6800, v4;
	v9 =	vadd.s32 s31, v9;
	v30 =	vor.u32 $0x6400, v2;
	v19 =	vld.idx.msk [tilespmem:v19+s3+$0x0], $0xffff;
	[tilespmem:v25+s22+$0x0] =	vst.idx.msk $0xffff, v42  }
0x180: {  	v63 =	vadd.s32 $0x3000, v5;
	v26 =	vadd.s32 $0x3800, v26;
	v25 =	vld.idx.msk [tilespmem:v31+s3+$0x0], $0xffff;
	v31 =	vor.u32 $0x6400, v4;
	[tilespmem:v29+s22+$0x0] =	vst.idx.msk $0xffff, v32  }
0x181: {  	v7 =	vor.u32 v7, v9;
	v46 =	vor.u32 $0x6400, v10;
	v29 =	vadd.s32 $0x3800, v38;
	v32 =	vld.idx.msk [tilespmem:v60+s3+$0x0], $0xffff;
	[tilespmem:v28+s22+$0x0] =	vst.idx.msk $0xffff, v27  }
0x182: {  	v9 =	vadd.s32 $0x3800, v22;
	v11 =	vshrl.u32 v13, $0xE;
	v22 =	vor.u32 $0x6400, v15;
	v8 =	vld.idx.msk [tilespmem:v8+s3+$0x0], $0xffff;
	[tilespmem:v24+s22+$0x0] =	vst.idx.msk $0xffff, v23  }
0x183: {  	v11 =	vand.u32 $0xFC00, v11;
	v13 =	vadd.s32 $0x3800, v33;
	v23 =	vor.u32 $0x6400, v18;
	v6 =	vld.idx.msk [tilespmem:v6+s3+$0x0], $0xffff  }
0x184: {  	v14 =	vld.idx.msk [tilespmem:v14+s3+$0x0], $0xffff;
	v58 =	vor.u32 $0x6800, v1;
	v11 =	vadd.s32 s1, v11;
	[tilespmem:v30+s22+$0x0] =	vst.idx.msk $0xffff, v19;
	v24 =	vadd.s32 $0x3800, v35  }
0x185: {  	v62 =	vor.u32 $0x6800, v2;
	v11 =	vor.u32 v12, v11;
	v12 =	vand.u32 $0xFC00, v17;
	v26 =	vld.idx.msk [tilespmem:v26+s3+$0x0], $0xffff;
	[tilespmem:v31+s22+$0x0] =	vst.idx.msk $0xffff, v25  }
0x186: {  	v17 =	vshrl.u32 v21, $0xE;
	v21 =	vadd.s32 $0x3000, v11;
	v19 =	vadd.s32 $0x3000, v7;
	v27 =	vld.idx.msk [tilespmem:v29+s3+$0x0], $0xffff;
	[tilespmem:v46+s22+$0x0] =	vst.idx.msk $0xffff, v32  }
0x187: {  	v25 =	vor.u32 $0x6800, v10;
	v9 =	vld.idx.msk [tilespmem:v9+s3+$0x0], $0xffff;
	[tilespmem:v22+s22+$0x0] =	vst.idx.msk $0xffff, v8;
	v8 =	vadd.s32 s0, v12;
	v12 =	vand.u32 $0xFC00, v17  }
0x188: {  	v17 =	vor.u32 $0x6800, v15;
	v13 =	vld.idx.msk [tilespmem:v13+s3+$0x0], $0xffff;
	v8 =	vor.u32 v16, v8;
	[tilespmem:v23+s22+$0x0] =	vst.idx.msk $0xffff, v6;
	v6 =	vadd.s32 s2, v12  }
0x189: {  	[tilespmem:v58+s22+$0x0] =	vst.idx.msk $0xffff, v14;
	v14 =	vor.u32 $0x6800, v18;
	v12 =	vadd.s32 $0x3000, v8;
	v16 =	vld.idx.msk [tilespmem:v24+s3+$0x0], $0xffff;
	v6 =	vor.u32 v20, v6  }
0x18a: {  	v22 =	vor.u32 $0x6C00, v1;
	[tilespmem:v62+s22+$0x0] =	vst.idx.msk $0xffff, v26;
	v20 =	vld.idx.msk [tilespmem:v36+s3+$0x0], $0xffff;
	v23 =	vadd.s32 $0x3000, v6  }
0x18b: {  	v28 =	vor.u32 $0x6C00, v2;
	v26 =	vld.idx.msk [tilespmem:v63+s3+$0x0], $0xffff;
	[tilespmem:v45+s22+$0x0] =	vst.idx.msk $0xffff, v27;
	v24 =	vadd.s32 $0x3400, v3  }
0x18c: {  	v29 =	vor.u32 $0x6C00, v4;
	v27 =	vadd.s32 $0x3400, v5;
	v19 =	vld.idx.msk [tilespmem:v19+s3+$0x0], $0xffff;
	[tilespmem:v25+s22+$0x0] =	vst.idx.msk $0xffff, v9  }
0x18d: {  	v9 =	vadd.s32 $0x3400, v7;
	v25 =	vor.u32 $0x6C00, v10;
	v21 =	vld.idx.msk [tilespmem:v21+s3+$0x0], $0xffff;
	[tilespmem:v17+s22+$0x0] =	vst.idx.msk $0xffff, v13  }
0x18e: {  	v13 =	vadd.s32 $0x3400, v11;
	v17 =	vor.u32 $0x6C00, v15;
	v12 =	vld.idx.msk [tilespmem:v12+s3+$0x0], $0xffff;
	[tilespmem:v14+s22+$0x0] =	vst.idx.msk $0xffff, v16  }
0x18f: {  	[tilespmem:v22+s22+$0x0] =	vst.idx.msk $0xffff, v20;
	v14 =	vadd.s32 $0x3400, v8;
	v20 =	vor.u32 $0x6C00, v18;
	v16 =	vld.idx.msk [tilespmem:v23+s3+$0x0], $0xffff  }
0x190: {  	[tilespmem:v28+s22+$0x0] =	vst.idx.msk $0xffff, v26;
	v22 =	vld.idx.msk [tilespmem:v24+s3+$0x0], $0xffff;
	v23 =	vor.u32 $0x7000, v1;
	v24 =	vadd.s32 $0x3400, v6  }
0x191: {  	v3 =	vadd.s32 $0x3800, v3;
	v26 =	vld.idx.msk [tilespmem:v27+s3+$0x0], $0xffff;
	v27 =	vor.u32 $0x7000, v2;
	[tilespmem:v29+s22+$0x0] =	vst.idx.msk $0xffff, v19  }
0x192: {  	v5 =	vadd.s32 $0x3800, v5;
	v19 =	vor.u32 $0x7000, v4;
	v9 =	vld.idx.msk [tilespmem:v9+s3+$0x0], $0xffff;
	[tilespmem:v25+s22+$0x0] =	vst.idx.msk $0xffff, v21  }
0x193: {  	v7 =	vadd.s32 $0x3800, v7;
	v21 =	vor.u32 $0x7000, v10;
	v13 =	vld.idx.msk [tilespmem:v13+s3+$0x0], $0xffff;
	[tilespmem:v17+s22+$0x0] =	vst.idx.msk $0xffff, v12  }
0x194: {  	v11 =	vadd.s32 $0x3800, v11;
	v12 =	vld.idx.msk [tilespmem:v14+s3+$0x0], $0xffff;
	v14 =	vor.u32 $0x7000, v15;
	[tilespmem:v20+s22+$0x0] =	vst.idx.msk $0xffff, v16  }
0x195: {  	v8 =	vadd.s32 $0x3800, v8;
	v17 =	vor.u32 $0x7000, v18;
	[tilespmem:v23+s22+$0x0] =	vst.idx.msk $0xffff, v22;
	v16 =	vld.idx.msk [tilespmem:v24+s3+$0x0], $0xffff  }
0x196: {  	v1 =	vor.u32 $0x7400, v1;
	v6 =	vadd.s32 $0x3800, v6;
	[tilespmem:v27+s22+$0x0] =	vst.idx.msk $0xffff, v26;
	v3 =	vld.idx.msk [tilespmem:v3+s3+$0x0], $0xffff  }
0x197: {  	v2 =	vor.u32 $0x7400, v2;
	v5 =	vld.idx.msk [tilespmem:v5+s3+$0x0], $0xffff;
	[tilespmem:v19+s22+$0x0] =	vst.idx.msk $0xffff, v9  }
0x198: {  	v4 =	vor.u32 $0x7400, v4;
	v7 =	vld.idx.msk [tilespmem:v7+s3+$0x0], $0xffff;
	[tilespmem:v21+s22+$0x0] =	vst.idx.msk $0xffff, v13  }
0x199: {  	v10 =	vor.u32 $0x7400, v10;
	v9 =	vld.idx.msk [tilespmem:v11+s3+$0x0], $0xffff;
	[tilespmem:v14+s22+$0x0] =	vst.idx.msk $0xffff, v12  }
0x19a: {  	v11 =	vor.u32 $0x7400, v15;
	v8 =	vld.idx.msk [tilespmem:v8+s3+$0x0], $0xffff;
	[tilespmem:v17+s22+$0x0] =	vst.idx.msk $0xffff, v16  }
0x19b: {  	[tilespmem:v1+s22+$0x0] =	vst.idx.msk $0xffff, v3;
	v3 =	vor.u32 $0x7400, v18;
	v1 =	vld.idx.msk [tilespmem:v6+s3+$0x0], $0xffff  }
0x19c: {  	[tilespmem:v2+s22+$0x0] =	vst.idx.msk $0xffff, v5  }
0x19d: {  	[tilespmem:v4+s22+$0x0] =	vst.idx.msk $0xffff, v7  }
0x19e: {  	[tilespmem:v10+s22+$0x0] =	vst.idx.msk $0xffff, v9  }
0x19f: {  	[tilespmem:v11+s22+$0x0] =	vst.idx.msk $0xffff, v8  }
0x1a0: {  	[tilespmem:v3+s22+$0x0] =	vst.idx.msk $0xffff, v1  }
0x1a1: {  	_ =	swait.ge [sflag:s23], $0x3000  }
0x1a2: {  	[sflag:s23] =	ssyncset.done $0x0  }
0x1a3: {  	s2 =	simm.s32 $0x0;
	[sflag:s23] =	ssyncadd.s32 $0xFFFFD000  }
0x1a4: {  	[hbm4b:s8+s13] =	stream.strided.scatter [tilespmem:s2], [sflag:$0x7], $0x3000, s14, s13, $0x38;
	[tilespmem:$0x1D080] =	vst v63  }
0x1a5: {  	_ = 	snop  }
0x1a6: {  	[hbm4b:s10+s13] =	stream.strided.scatter [tilespmem:s22], [sflag:$0x6], $0x7800, s14, s13, $0x38;
	[tilespmem:$0x1D080] =	vst v63  }
0x1a7: {  	s4 =	simm.s32 $0x0;
	_ =	swait.ge [sflag:s24], $0xA800  }
0x1a8: {  	s5 =	sand.u32 $0x3FFFFF80, s4;
	s0 =	sand.u32 $0x70, s2;
	[sflag:s24] =	ssyncset.done $0x0  }
0x1a9: {  	s2 =	sor.u32 s0, s5;
	[sflag:s24] =	ssyncadd.s32 $0xFFFF5800  }
0x1aa: {  	[hbm4b:s9+s13] =	stream.strided.scatter [tilespmem:s18], [sflag:$0x7], $0x3000, s14, s13, $0x38;
	[tilespmem:$0x1D080] =	vst v63  }
0x1ab: {  	v1 =	vld [tilespmem:s2+$0x1CC00];
	_ =	sdelay $0x4  }
0x1ac: {  	v1 =	vshll.u32 v1, $0x1;
	_ =	sdelay $0x4  }
0x1ad: {  	v4 =	vld.idx.msk [tilespmem:v1+s17+$0x0], $0xffff;
	_ =	sdelay $0x4  }
0x1ae: {  	v2 =	vshll.u32 v4, $0xA  }
0x1af: {  	s2 =	sand.u32 $0xFFFFFF80, s4;
	v2 =	vand.u32 $0xFC00, v2  }
0x1b0: {  	v14 =	vor.u32 s0, v0;
	v2 =	vadd.s32 s2, v2  }
0x1b1: {  	v2 =	vor.u32 v14, v2  }
0x1b2: {  	v3 =	vadd.s32 $0x3000, v2;
	_ =	sdelay $0x3  }
0x1b3: {  	v1 =	vor.u32 $0x1, v1  }
0x1b4: {  	v8 =	vor.u32 s2, v14;
	v3 =	vld.idx.msk [tilespmem:v3+s18+$0x0], $0xffff  }
0x1b5: {  	v5 =	vadd.s32 $0x3400, v2  }
0x1b6: {  	s6 =	simm.s32 $0x10;
	s7 =	simm.s32 $0x10  }
0x1b7: {  	s16 =	sand.u32 $0x3FFFFF80, s6;
	s1 =	sand.u32 $0x70, s7  }
0x1b8: {  	s4 =	sor.u32 s1, s16;
	v18 =	vld.idx.msk [tilespmem:v1+s17+$0x0], $0xffff  }
0x1b9: {  	v1 =	vld [tilespmem:s4+$0x1CC00];
	[tilespmem:v8+s15+$0x0] =	vst.idx.msk $0xffff, v3  }
0x1ba: {  	v3 =	vld.idx.msk [tilespmem:v5+s18+$0x0], $0xffff;
	v5 =	vor.u32 $0x400, v8  }
0x1bb: {  	v2 =	vadd.s32 $0x3800, v2;
	_ =	sdelay $0x1  }
0x1bc: {  	v6 =	vshll.u32 v4, $0x4  }
0x1bd: {  	v6 =	vand.u32 $0xFC00, v6;
	v1 =	vshll.u32 v1, $0x1  }
0x1be: {  	[tilespmem:v5+s15+$0x0] =	vst.idx.msk $0xffff, v3;
	v3 =	vadd.s32 s2, v6  }
0x1bf: {  	v5 =	vor.u32 $0x800, v8;
	v2 =	vld.idx.msk [tilespmem:v2+s18+$0x0], $0xffff;
	v6 =	vor.u32 v14, v3  }
0x1c0: {  	v3 =	vadd.s32 $0x3000, v6;
	_ =	sdelay $0x1  }
0x1c1: {  	v10 =	vld.idx.msk [tilespmem:v1+s17+$0x0], $0xffff;
	_ =	sdelay $0x1  }
0x1c2: {  	[tilespmem:v5+s15+$0x0] =	vst.idx.msk $0xffff, v2  }
0x1c3: {  	v5 =	vor.u32 $0xC00, v8;
	v2 =	vld.idx.msk [tilespmem:v3+s18+$0x0], $0xffff  }
0x1c4: {  	v7 =	vadd.s32 $0x3400, v6  }
0x1c5: {  	v3 =	vshll.u32 v10, $0xA  }
0x1c6: {  	s30 =	sand.u32 $0xFFFFFF80, s6;
	v9 =	vand.u32 $0xFC00, v3  }
0x1c7: {  	v3 =	vor.u32 s1, v0;
	v9 =	vadd.s32 s30, v9  }
0x1c8: {  	[tilespmem:v5+s15+$0x0] =	vst.idx.msk $0xffff, v2;
	v2 =	vor.u32 v3, v9  }
0x1c9: {  	v5 =	vld.idx.msk [tilespmem:v7+s18+$0x0], $0xffff;
	v7 =	vor.u32 $0x1000, v8;
	v9 =	vadd.s32 $0x3000, v2  }
0x1ca: {  	v6 =	vadd.s32 $0x3800, v6;
	_ =	sdelay $0x1  }
0x1cb: {  	v11 =	vshrl.u32 v4, $0x2  }
0x1cc: {  	v11 =	vand.u32 $0xFC00, v11;
	v12 =	vor.u32 $0x1, v1  }
0x1cd: {  	v1 =	vor.u32 s30, v3;
	[tilespmem:v7+s15+$0x0] =	vst.idx.msk $0xffff, v5;
	v5 =	vld.idx.msk [tilespmem:v9+s18+$0x0], $0xffff;
	v7 =	vadd.s32 s2, v11  }
0x1ce: {  	v13 =	vadd.s32 $0x3400, v2;
	v9 =	vor.u32 $0x1400, v8;
	v6 =	vld.idx.msk [tilespmem:v6+s18+$0x0], $0xffff;
	v7 =	vor.u32 v14, v7  }
0x1cf: {  	s6 =	simm.s32 $0x20;
	s5 =	simm.s32 $0x20;
	v15 =	vadd.s32 $0x3000, v7  }
0x1d0: {  	s7 =	sand.u32 $0x3FFFFF80, s5;
	s1 =	sand.u32 $0x70, s6  }
0x1d1: {  	s4 =	sor.u32 s1, s7;
	v11 =	vld.idx.msk [tilespmem:v12+s17+$0x0], $0xffff  }
0x1d2: {  	v12 =	vld [tilespmem:s4+$0x1CC00];
	[tilespmem:v1+s15+$0x0] =	vst.idx.msk $0xffff, v5  }
0x1d3: {  	v5 =	vld.idx.msk [tilespmem:v13+s18+$0x0], $0xffff;
	[tilespmem:v9+s15+$0x0] =	vst.idx.msk $0xffff, v6;
	v6 =	vor.u32 $0x400, v1  }
0x1d4: {  	v2 =	vadd.s32 $0x3800, v2;
	v13 =	vor.u32 $0x1800, v8;
	v9 =	vld.idx.msk [tilespmem:v15+s18+$0x0], $0xffff  }
0x1d5: {  	v15 =	vadd.s32 $0x3400, v7  }
0x1d6: {  	v16 =	vshll.u32 v10, $0x4  }
0x1d7: {  	v16 =	vand.u32 $0xFC00, v16;
	v12 =	vshll.u32 v12, $0x1  }
0x1d8: {  	[tilespmem:v6+s15+$0x0] =	vst.idx.msk $0xffff, v5;
	v5 =	vadd.s32 s30, v16  }
0x1d9: {  	v6 =	vor.u32 $0x800, v1;
	v2 =	vld.idx.msk [tilespmem:v2+s18+$0x0], $0xffff;
	[tilespmem:v13+s15+$0x0] =	vst.idx.msk $0xffff, v9;
	v9 =	vor.u32 v3, v5  }
0x1da: {  	v16 =	vor.u32 $0x1C00, v8;
	v5 =	vld.idx.msk [tilespmem:v15+s18+$0x0], $0xffff;
	v13 =	vadd.s32 $0x3000, v9  }
0x1db: {  	v7 =	vadd.s32 $0x3800, v7  }
0x1dc: {  	v15 =	vld.idx.msk [tilespmem:v12+s17+$0x0], $0xffff  }
0x1dd: {  	v17 =	vshrl.u32 v4, $0x8  }
0x1de: {  	[tilespmem:v6+s15+$0x0] =	vst.idx.msk $0xffff, v2;
	v2 =	vand.u32 $0xFC00, v17  }
0x1df: {  	v6 =	vld.idx.msk [tilespmem:v13+s18+$0x0], $0xffff;
	[tilespmem:v16+s15+$0x0] =	vst.idx.msk $0xffff, v5;
	v13 =	vor.u32 $0xC00, v1;
	v2 =	vadd.s32 s2, v2  }
0x1e0: {  	v17 =	vadd.s32 $0x3400, v9;
	v16 =	vor.u32 $0x2000, v8;
	v7 =	vld.idx.msk [tilespmem:v7+s18+$0x0], $0xffff;
	v19 =	vor.u32 v14, v2  }
0x1e1: {  	v5 =	vshll.u32 v15, $0xA;
	v2 =	vadd.s32 $0x3000, v19  }
0x1e2: {  	s29 =	sand.u32 $0xFFFFFF80, s5;
	v20 =	vand.u32 $0xFC00, v5  }
0x1e3: {  	v5 =	vor.u32 s1, v0;
	v20 =	vadd.s32 s29, v20  }
0x1e4: {  	[tilespmem:v13+s15+$0x0] =	vst.idx.msk $0xffff, v6;
	v13 =	vor.u32 v5, v20  }
0x1e5: {  	v6 =	vld.idx.msk [tilespmem:v17+s18+$0x0], $0xffff;
	[tilespmem:v16+s15+$0x0] =	vst.idx.msk $0xffff, v7;
	v7 =	vor.u32 $0x1000, v1;
	v16 =	vadd.s32 $0x3000, v13  }
0x1e6: {  	v9 =	vadd.s32 $0x3800, v9;
	v20 =	vor.u32 $0x2400, v8;
	v17 =	vld.idx.msk [tilespmem:v2+s18+$0x0], $0xffff  }
0x1e7: {  	v21 =	vadd.s32 $0x3400, v19  }
0x1e8: {  	v2 =	vshrl.u32 v10, $0x2  }
0x1e9: {  	v12 =	vor.u32 $0x1, v12;
	v22 =	vand.u32 $0xFC00, v2  }
0x1ea: {  	v2 =	vor.u32 s29, v5;
	[tilespmem:v7+s15+$0x0] =	vst.idx.msk $0xffff, v6;
	v7 =	vld.idx.msk [tilespmem:v16+s18+$0x0], $0xffff;
	v6 =	vadd.s32 s30, v22  }
0x1eb: {  	v16 =	vor.u32 $0x1400, v1;
	[tilespmem:v20+s15+$0x0] =	vst.idx.msk $0xffff, v17;
	v9 =	vld.idx.msk [tilespmem:v9+s18+$0x0], $0xffff;
	v17 =	vadd.s32 $0x3400, v13;
	v20 =	vor.u32 v3, v6  }
0x1ec: {  	s16 =	simm.s32 $0x30;
	v23 =	vor.u32 $0x2800, v8;
	s4 =	simm.s32 $0x30;
	v21 =	vld.idx.msk [tilespmem:v21+s18+$0x0], $0xffff;
	v22 =	vadd.s32 $0x3000, v20  }
0x1ed: {  	s5 =	sand.u32 $0x3FFFFF80, s16;
	s1 =	sand.u32 $0x70, s4;
	v19 =	vadd.s32 $0x3800, v19  }
0x1ee: {  	s4 =	sor.u32 s1, s5;
	v6 =	vld.idx.msk [tilespmem:v12+s17+$0x0], $0xffff  }
0x1ef: {  	v4 =	vshrl.u32 v4, $0xE;
	v12 =	vld [tilespmem:s4+$0x1CC00];
	[tilespmem:v2+s15+$0x0] =	vst.idx.msk $0xffff, v7  }
0x1f0: {  	v4 =	vand.u32 $0xFC00, v4;
	v7 =	vld.idx.msk [tilespmem:v17+s18+$0x0], $0xffff;
	[tilespmem:v16+s15+$0x0] =	vst.idx.msk $0xffff, v9;
	v9 =	vor.u32 $0x400, v2  }
0x1f1: {  	v4 =	vadd.s32 s2, v4;
	v13 =	vadd.s32 $0x3800, v13;
	v17 =	vor.u32 $0x1800, v1;
	v16 =	vld.idx.msk [tilespmem:v22+s18+$0x0], $0xffff;
	[tilespmem:v23+s15+$0x0] =	vst.idx.msk $0xffff, v21  }
0x1f2: {  	v4 =	vor.u32 v14, v4;
	v21 =	vor.u32 $0x2C00, v8;
	v22 =	vadd.s32 $0x3400, v20;
	v19 =	vld.idx.msk [tilespmem:v19+s18+$0x0], $0xffff  }
0x1f3: {  	v24 =	vshll.u32 v15, $0x4;
	v23 =	vadd.s32 $0x3000, v4  }
0x1f4: {  	v24 =	vand.u32 $0xFC00, v24;
	v12 =	vshll.u32 v12, $0x1  }
0x1f5: {  	[tilespmem:v9+s15+$0x0] =	vst.idx.msk $0xffff, v7;
	v7 =	vadd.s32 s29, v24  }
0x1f6: {  	v9 =	vld.idx.msk [tilespmem:v13+s18+$0x0], $0xffff;
	v13 =	vor.u32 $0x800, v2;
	[tilespmem:v17+s15+$0x0] =	vst.idx.msk $0xffff, v16;
	v16 =	vor.u32 v5, v7  }
0x1f7: {  	v7 =	vld.idx.msk [tilespmem:v22+s18+$0x0], $0xffff;
	[tilespmem:v21+s15+$0x0] =	vst.idx.msk $0xffff, v19;
	v17 =	vadd.s32 $0x3000, v16;
	v19 =	vor.u32 $0x1C00, v1  }
0x1f8: {  	v22 =	vadd.s32 $0x3800, v20;
	v21 =	vld.idx.msk [tilespmem:v23+s18+$0x0], $0xffff;
	v23 =	vor.u32 $0x3000, v8  }
0x1f9: {  	v24 =	vadd.s32 $0x3400, v4;
	v20 =	vld.idx.msk [tilespmem:v12+s17+$0x0], $0xffff  }
0x1fa: {  	v25 =	vshrl.u32 v10, $0x8  }
0x1fb: {  	[tilespmem:v13+s15+$0x0] =	vst.idx.msk $0xffff, v9;
	v9 =	vand.u32 $0xFC00, v25  }
0x1fc: {  	v13 =	vld.idx.msk [tilespmem:v17+s18+$0x0], $0xffff;
	[tilespmem:v19+s15+$0x0] =	vst.idx.msk $0xffff, v7;
	v17 =	vor.u32 $0xC00, v2;
	v7 =	vadd.s32 s30, v9  }
0x1fd: {  	v19 =	vor.u32 $0x2000, v1;
	v9 =	vld.idx.msk [tilespmem:v22+s18+$0x0], $0xffff;
	[tilespmem:v23+s15+$0x0] =	vst.idx.msk $0xffff, v21;
	v21 =	vadd.s32 $0x3400, v16;
	v22 =	vor.u32 v3, v7  }
0x1fe: {  	v25 =	vor.u32 $0x3400, v8;
	v7 =	vshll.u32 v20, $0xA;
	v23 =	vld.idx.msk [tilespmem:v24+s18+$0x0], $0xffff;
	v24 =	vadd.s32 $0x3000, v22  }
0x1ff: {  	s31 =	sand.u32 $0xFFFFFF80, s16;
	v4 =	vadd.s32 $0x3800, v4;
	v26 =	vand.u32 $0xFC00, v7  }
0x200: {  	v7 =	vor.u32 s1, v0;
	v26 =	vadd.s32 s31, v26  }
0x201: {  	[tilespmem:v17+s15+$0x0] =	vst.idx.msk $0xffff, v13;
	v13 =	vor.u32 v7, v26;
	v17 =	vshll.u32 v18, $0xA  }
0x202: {  	v21 =	vld.idx.msk [tilespmem:v21+s18+$0x0], $0xffff;
	[tilespmem:v19+s15+$0x0] =	vst.idx.msk $0xffff, v9;
	v9 =	vor.u32 $0x1000, v2;
	v19 =	vadd.s32 $0x3000, v13;
	v17 =	vand.u32 $0xFC00, v17  }
0x203: {  	v16 =	vadd.s32 $0x3800, v16;
	v24 =	vld.idx.msk [tilespmem:v24+s18+$0x0], $0xffff;
	[tilespmem:v25+s15+$0x0] =	vst.idx.msk $0xffff, v23;
	v23 =	vor.u32 $0x2400, v1;
	v17 =	vadd.s32 s2, v17  }
0x204: {  	v27 =	vadd.s32 $0x3400, v22;
	v26 =	vor.u32 $0x3800, v8;
	v25 =	vld.idx.msk [tilespmem:v4+s18+$0x0], $0xffff;
	v17 =	vor.u32 v14, v17  }
0x205: {  	v4 =	vshrl.u32 v15, $0x2;
	v28 =	vadd.s32 $0x3000, v17  }
0x206: {  	v12 =	vor.u32 $0x1, v12;
	v29 =	vand.u32 $0xFC00, v4  }
0x207: {  	v4 =	vor.u32 s31, v7;
	[tilespmem:v9+s15+$0x0] =	vst.idx.msk $0xffff, v21;
	v19 =	vld.idx.msk [tilespmem:v19+s18+$0x0], $0xffff;
	v9 =	vadd.s32 s29, v29  }
0x208: {  	v21 =	vor.u32 $0x1400, v2;
	[tilespmem:v23+s15+$0x0] =	vst.idx.msk $0xffff, v24;
	v16 =	vld.idx.msk [tilespmem:v16+s18+$0x0], $0xffff;
	v23 =	vadd.s32 $0x3400, v13;
	v24 =	vor.u32 v5, v9  }
0x209: {  	s6 =	simm.s32 $0x40;
	s7 =	simm.s32 $0x40;
	[tilespmem:v26+s15+$0x0] =	vst.idx.msk $0xffff, v25;
	v25 =	vld.idx.msk [tilespmem:v27+s18+$0x0], $0xffff;
	v26 =	vadd.s32 $0x3000, v24;
	v27 =	vor.u32 $0x2800, v1  }
0x20a: {  	s16 =	sand.u32 $0x70, s7;
	s5 =	sand.u32 $0x3FFFFF80, s6;
	v22 =	vadd.s32 $0x3800, v22;
	v29 =	vor.u32 $0x3C00, v8;
	v28 =	vld.idx.msk [tilespmem:v28+s18+$0x0], $0xffff  }
0x20b: {  	s1 =	sor.u32 s16, s5;
	v30 =	vadd.s32 $0x3400, v17;
	v9 =	vld.idx.msk [tilespmem:v12+s17+$0x0], $0xffff  }
0x20c: {  	v10 =	vshrl.u32 v10, $0xE;
	v12 =	vld [tilespmem:s1+$0x1CC00];
	[tilespmem:v4+s15+$0x0] =	vst.idx.msk $0xffff, v19  }
0x20d: {  	v10 =	vand.u32 $0xFC00, v10;
	v19 =	vld.idx.msk [tilespmem:v23+s18+$0x0], $0xffff;
	[tilespmem:v21+s15+$0x0] =	vst.idx.msk $0xffff, v16;
	v16 =	vor.u32 $0x400, v4  }
0x20e: {  	v10 =	vadd.s32 s30, v10;
	v13 =	vadd.s32 $0x3800, v13;
	v23 =	vor.u32 $0x1800, v2;
	v21 =	vld.idx.msk [tilespmem:v26+s18+$0x0], $0xffff;
	[tilespmem:v27+s15+$0x0] =	vst.idx.msk $0xffff, v25  }
0x20f: {  	v10 =	vor.u32 v3, v10;
	v25 =	vor.u32 $0x2C00, v1;
	v26 =	vadd.s32 $0x3400, v24;
	v22 =	vld.idx.msk [tilespmem:v22+s18+$0x0], $0xffff;
	[tilespmem:v29+s15+$0x0] =	vst.idx.msk $0xffff, v28  }
0x210: {  	v28 =	vadd.s32 $0x3000, v10;
	v29 =	vor.u32 $0x4000, v8;
	v27 =	vld.idx.msk [tilespmem:v30+s18+$0x0], $0xffff  }
0x211: {  	v17 =	vadd.s32 $0x3800, v17;
	v30 =	vshll.u32 v20, $0x4  }
0x212: {  	[tilespmem:v16+s15+$0x0] =	vst.idx.msk $0xffff, v19;
	v16 =	vand.u32 $0xFC00, v30;
	v30 =	vshll.u32 v12, $0x1  }
0x213: {  	v12 =	vld.idx.msk [tilespmem:v13+s18+$0x0], $0xffff;
	v13 =	vadd.s32 s31, v16;
	[tilespmem:v23+s15+$0x0] =	vst.idx.msk $0xffff, v21  }
0x214: {  	v19 =	vshll.u32 v18, $0x4;
	v16 =	vor.u32 $0x800, v4;
	v13 =	vor.u32 v7, v13;
	v21 =	vld.idx.msk [tilespmem:v26+s18+$0x0], $0xffff;
	[tilespmem:v25+s15+$0x0] =	vst.idx.msk $0xffff, v22  }
0x215: {  	v23 =	vor.u32 $0x1C00, v2;
	v19 =	vand.u32 $0xFC00, v19;
	v22 =	vadd.s32 $0x3000, v13;
	v25 =	vld.idx.msk [tilespmem:v28+s18+$0x0], $0xffff;
	[tilespmem:v29+s15+$0x0] =	vst.idx.msk $0xffff, v27  }
0x216: {  	v24 =	vadd.s32 $0x3800, v24;
	v26 =	vor.u32 $0x3000, v1;
	v19 =	vadd.s32 s2, v19;
	v17 =	vld.idx.msk [tilespmem:v17+s18+$0x0], $0xffff  }
0x217: {  	v27 =	vadd.s32 $0x3400, v10;
	v28 =	vor.u32 $0x4400, v8;
	v29 =	vor.u32 v14, v19;
	v19 =	vld.idx.msk [tilespmem:v30+s17+$0x0], $0xffff  }
0x218: {  	v47 =	vshrl.u32 v15, $0x8;
	v31 =	vadd.s32 $0x3000, v29  }
0x219: {  	[tilespmem:v16+s15+$0x0] =	vst.idx.msk $0xffff, v12;
	v12 =	vand.u32 $0xFC00, v47  }
0x21a: {  	[tilespmem:v23+s15+$0x0] =	vst.idx.msk $0xffff, v21;
	v21 =	vor.u32 $0xC00, v4;
	v12 =	vadd.s32 s29, v12;
	v16 =	vld.idx.msk [tilespmem:v22+s18+$0x0], $0xffff  }
0x21b: {  	v23 =	vor.u32 $0x2000, v2;
	v22 =	vld.idx.msk [tilespmem:v24+s18+$0x0], $0xffff;
	[tilespmem:v26+s15+$0x0] =	vst.idx.msk $0xffff, v25;
	v24 =	vadd.s32 $0x3400, v13;
	v25 =	vor.u32 v5, v12  }
0x21c: {  	v26 =	vld.idx.msk [tilespmem:v27+s18+$0x0], $0xffff;
	[tilespmem:v28+s15+$0x0] =	vst.idx.msk $0xffff, v17;
	v17 =	vadd.s32 $0x3000, v25;
	v27 =	vor.u32 $0x3400, v1;
	v12 =	vshll.u32 v19, $0xA  }
0x21d: {  	s1 =	sand.u32 $0xFFFFFF80, s6;
	v10 =	vadd.s32 $0x3800, v10;
	v28 =	vld.idx.msk [tilespmem:v31+s18+$0x0], $0xffff;
	v31 =	vor.u32 $0x4800, v8;
	v48 =	vand.u32 $0xFC00, v12  }
0x21e: {  	v49 =	vadd.s32 $0x3400, v29;
	v12 =	vor.u32 s16, v0;
	v32 =	vadd.s32 s1, v48  }
0x21f: {  	[tilespmem:v21+s15+$0x0] =	vst.idx.msk $0xffff, v16;
	v16 =	vor.u32 v12, v32;
	v21 =	vshll.u32 v11, $0xA  }
0x220: {  	[tilespmem:v23+s15+$0x0] =	vst.idx.msk $0xffff, v22;
	v22 =	vor.u32 $0x1000, v4;
	v24 =	vld.idx.msk [tilespmem:v24+s18+$0x0], $0xffff;
	v23 =	vadd.s32 $0x3000, v16;
	v21 =	vand.u32 $0xFC00, v21  }
0x221: {  	v13 =	vadd.s32 $0x3800, v13;
	v17 =	vld.idx.msk [tilespmem:v17+s18+$0x0], $0xffff;
	[tilespmem:v27+s15+$0x0] =	vst.idx.msk $0xffff, v26;
	v26 =	vor.u32 $0x2400, v2;
	v21 =	vadd.s32 s30, v21  }
0x222: {  	v27 =	vld.idx.msk [tilespmem:v10+s18+$0x0], $0xffff;
	[tilespmem:v31+s15+$0x0] =	vst.idx.msk $0xffff, v28;
	v28 =	vor.u32 $0x3800, v1;
	v31 =	vadd.s32 $0x3400, v25;
	v21 =	vor.u32 v3, v21  }
0x223: {  	v51 =	vor.u32 $0x4C00, v8;
	v50 =	vld.idx.msk [tilespmem:v49+s18+$0x0], $0xffff;
	v52 =	vadd.s32 $0x3000, v21  }
0x224: {  	v29 =	vadd.s32 $0x3800, v29;
	v10 =	vshrl.u32 v20, $0x2  }
0x225: {  	[tilespmem:v22+s15+$0x0] =	vst.idx.msk $0xffff, v24;
	v22 =	vld.idx.msk [tilespmem:v23+s18+$0x0], $0xffff;
	v23 =	vand.u32 $0xFC00, v10;
	v24 =	vor.u32 $0x1, v30  }
0x226: {  	v10 =	vor.u32 s1, v12;
	[tilespmem:v26+s15+$0x0] =	vst.idx.msk $0xffff, v17;
	v26 =	vor.u32 $0x1400, v4;
	v17 =	vld.idx.msk [tilespmem:v13+s18+$0x0], $0xffff;
	v13 =	vadd.s32 s31, v23  }
0x227: {  	[tilespmem:v28+s15+$0x0] =	vst.idx.msk $0xffff, v27;
	v23 =	vadd.s32 $0x3400, v16;
	v28 =	vld.idx.msk [tilespmem:v31+s18+$0x0], $0xffff;
	v27 =	vor.u32 v7, v13;
	v13 =	vshrl.u32 v18, $0x2  }
0x228: {  	s7 =	simm.s32 $0x50;
	s6 =	simm.s32 $0x50;
	v31 =	vor.u32 $0x2800, v2;
	[tilespmem:v51+s15+$0x0] =	vst.idx.msk $0xffff, v50;
	v30 =	vadd.s32 $0x3000, v27;
	v53 =	vld.idx.msk [tilespmem:v52+s18+$0x0], $0xffff;
	v13 =	vand.u32 $0xFC00, v13  }
0x229: {  	v54 =	vor.u32 $0x3C00, v1;
	s4 =	sand.u32 $0x70, s7;
	s16 =	sand.u32 $0x3FFFFF80, s6;
	v25 =	vadd.s32 $0x3800, v25;
	v29 =	vld.idx.msk [tilespmem:v29+s18+$0x0], $0xffff;
	v13 =	vadd.s32 s2, v13  }
0x22a: {  	v56 =	vor.u32 $0x5000, v8;
	s5 =	sor.u32 s4, s16;
	v55 =	vadd.s32 $0x3400, v21;
	v57 =	vor.u32 v14, v13;
	v13 =	vld.idx.msk [tilespmem:v24+s17+$0x0], $0xffff  }
0x22b: {  	v15 =	vshrl.u32 v15, $0xE;
	v24 =	vld [tilespmem:s5+$0x1CC00];
	[tilespmem:v10+s15+$0x0] =	vst.idx.msk $0xffff, v22  }
0x22c: {  	v15 =	vand.u32 $0xFC00, v15;
	v22 =	vadd.s32 $0x3000, v57;
	v23 =	vld.idx.msk [tilespmem:v23+s18+$0x0], $0xffff;
	[tilespmem:v26+s15+$0x0] =	vst.idx.msk $0xffff, v17;
	v17 =	vor.u32 $0x400, v10  }
0x22d: {  	v15 =	vadd.s32 s29, v15;
	v16 =	vadd.s32 $0x3800, v16;
	[tilespmem:v31+s15+$0x0] =	vst.idx.msk $0xffff, v28;
	v28 =	vor.u32 $0x1800, v4;
	v26 =	vld.idx.msk [tilespmem:v30+s18+$0x0], $0xffff  }
0x22e: {  	v15 =	vor.u32 v5, v15;
	v31 =	vadd.s32 $0x3400, v27;
	v25 =	vld.idx.msk [tilespmem:v25+s18+$0x0], $0xffff;
	v30 =	vor.u32 $0x2C00, v2;
	[tilespmem:v54+s15+$0x0] =	vst.idx.msk $0xffff, v53  }
0x22f: {  	v58 =	vor.u32 $0x4000, v1;
	[tilespmem:v56+s15+$0x0] =	vst.idx.msk $0xffff, v29;
	v29 =	vadd.s32 $0x3000, v15;
	v32 =	vld.idx.msk [tilespmem:v55+s18+$0x0], $0xffff  }
0x230: {  	v59 =	vshll.u32 v19, $0x4;
	v21 =	vadd.s32 $0x3800, v21  }
0x231: {  	v60 =	vor.u32 $0x5400, v8;
	v34 =	vand.u32 $0xFC00, v59;
	v24 =	vshll.u32 v24, $0x1;
	v22 =	vld.idx.msk [tilespmem:v22+s18+$0x0], $0xffff;
	[tilespmem:v17+s15+$0x0] =	vst.idx.msk $0xffff, v23  }
0x232: {  	v63 =	vor.u32 $0x4400, v1;
	v17 =	vadd.s32 $0x3400, v57;
	v23 =	vadd.s32 s1, v34;
	v16 =	vld.idx.msk [tilespmem:v16+s18+$0x0], $0xffff;
	[tilespmem:v28+s15+$0x0] =	vst.idx.msk $0xffff, v26  }
0x233: {  	v23 =	vor.u32 v12, v23;
	v26 =	vor.u32 $0x800, v10;
	[tilespmem:v30+s15+$0x0] =	vst.idx.msk $0xffff, v25;
	v25 =	vshll.u32 v11, $0x4;
	v28 =	vld.idx.msk [tilespmem:v31+s18+$0x0], $0xffff  }
0x234: {  	v30 =	vadd.s32 $0x3000, v23;
	v31 =	vor.u32 $0x1C00, v4;
	v29 =	vld.idx.msk [tilespmem:v29+s18+$0x0], $0xffff;
	[tilespmem:v58+s15+$0x0] =	vst.idx.msk $0xffff, v32;
	v25 =	vand.u32 $0xFC00, v25  }
0x235: {  	v61 =	vor.u32 $0x3000, v2;
	v27 =	vadd.s32 $0x3800, v27;
	v21 =	vld.idx.msk [tilespmem:v21+s18+$0x0], $0xffff;
	v25 =	vadd.s32 s30, v25  }
0x236: {  	v40 =	vshrl.u32 v20, $0x8;
	v62 =	vadd.s32 $0x3400, v15;
	[tilespmem:v60+s15+$0x0] =	vst.idx.msk $0xffff, v22;
	v25 =	vor.u32 v3, v25;
	v22 =	vld.idx.msk [tilespmem:v24+s17+$0x0], $0xffff  }
0x237: {  	v42 =	vor.u32 $0x5800, v8;
	v35 =	vand.u32 $0xFC00, v40;
	v17 =	vld.idx.msk [tilespmem:v17+s18+$0x0], $0xffff;
	v41 =	vadd.s32 $0x3000, v25  }
0x238: {  	v35 =	vadd.s32 s31, v35;
	[tilespmem:v26+s15+$0x0] =	vst.idx.msk $0xffff, v16;
	v16 =	vadd.s32 $0x3800, v57  }
0x239: {  	v43 =	vshrl.u32 v18, $0x8;
	v35 =	vor.u32 v7, v35;
	v30 =	vld.idx.msk [tilespmem:v30+s18+$0x0], $0xffff;
	[tilespmem:v31+s15+$0x0] =	vst.idx.msk $0xffff, v28;
	v28 =	vor.u32 $0xC00, v10  }
0x23a: {  	v44 =	vadd.s32 $0x3000, v35;
	v31 =	vor.u32 $0x2000, v4;
	[tilespmem:v61+s15+$0x0] =	vst.idx.msk $0xffff, v29;
	v29 =	vadd.s32 $0x3400, v23;
	v27 =	vld.idx.msk [tilespmem:v27+s18+$0x0], $0xffff  }
0x23b: {  	v15 =	vadd.s32 $0x3800, v15;
	v32 =	vand.u32 $0xFC00, v43;
	v33 =	vld.idx.msk [tilespmem:v62+s18+$0x0], $0xffff;
	[tilespmem:v63+s15+$0x0] =	vst.idx.msk $0xffff, v21;
	v21 =	vor.u32 $0x3400, v2  }
0x23c: {  	v32 =	vadd.s32 s2, v32;
	v45 =	vshll.u32 v22, $0xA;
	v34 =	vld.idx.msk [tilespmem:v41+s18+$0x0], $0xffff;
	[tilespmem:v42+s15+$0x0] =	vst.idx.msk $0xffff, v17;
	v17 =	vor.u32 $0x4800, v1  }
0x23d: {  	s0 =	sand.u32 $0xFFFFFF80, s6;
	v32 =	vor.u32 v14, v32;
	v26 =	vor.u32 $0x5C00, v8;
	v37 =	vand.u32 $0xFC00, v45;
	v38 =	vld.idx.msk [tilespmem:v16+s18+$0x0], $0xffff  }
0x23e: {  	v46 =	vadd.s32 $0x3400, v25;
	v16 =	vor.u32 s4, v0;
	[tilespmem:v28+s15+$0x0] =	vst.idx.msk $0xffff, v30;
	v30 =	vadd.s32 s0, v37  }
0x23f: {  	s16 =	simm.s32 $0x60;
	s4 =	simm.s32 $0x60;
	v28 =	vadd.s32 $0x3000, v32;
	v29 =	vld.idx.msk [tilespmem:v29+s18+$0x0], $0xffff;
	[tilespmem:v31+s15+$0x0] =	vst.idx.msk $0xffff, v27;
	v27 =	vor.u32 v16, v30;
	v30 =	vshll.u32 v6, $0xA  }
0x240: {  	s5 =	sand.u32 $0x70, s16;
	s6 =	sand.u32 $0x3FFFFF80, s4;
	v31 =	vor.u32 $0x1000, v10;
	[tilespmem:v21+s15+$0x0] =	vst.idx.msk $0xffff, v33;
	v36 =	vld.idx.msk [tilespmem:v44+s18+$0x0], $0xffff;
	v47 =	vadd.s32 $0x3000, v27;
	v21 =	vand.u32 $0xFC00, v30  }
0x241: {  	s6 =	sor.u32 s5, s6;
	v30 =	vor.u32 $0x2400, v4;
	v48 =	vld.idx.msk [tilespmem:v15+s18+$0x0], $0xffff;
	[tilespmem:v17+s15+$0x0] =	vst.idx.msk $0xffff, v34;
	v17 =	vadd.s32 $0x3800, v23;
	v15 =	vadd.s32 s29, v21  }
0x242: {  	v23 =	vor.u32 $0x3800, v2;
	v21 =	vld [tilespmem:s6+$0x1CC00];
	[tilespmem:v26+s15+$0x0] =	vst.idx.msk $0xffff, v38;
	v26 =	vadd.s32 $0x3400, v35;
	v49 =	vor.u32 v5, v15  }
0x243: {  	v59 =	vor.u32 $0x3C00, v2;
	v50 =	vor.u32 $0x4C00, v1;
	v34 =	vld.idx.msk [tilespmem:v46+s18+$0x0], $0xffff;
	v51 =	vadd.s32 $0x3000, v49  }
0x244: {  	v52 =	vor.u32 $0x6000, v8;
	v53 =	vshrl.u32 v19, $0x2;
	v25 =	vadd.s32 $0x3800, v25;
	v28 =	vld.idx.msk [tilespmem:v28+s18+$0x0], $0xffff  }
0x245: {  	v55 =	vor.u32 $0x1400, v10;
	v24 =	vor.u32 $0x1, v24;
	[tilespmem:v31+s15+$0x0] =	vst.idx.msk $0xffff, v29;
	v31 =	vand.u32 $0xFC00, v53;
	v29 =	vld.idx.msk [tilespmem:v47+s18+$0x0], $0xffff  }
0x246: {  	v15 =	vor.u32 s0, v16;
	[tilespmem:v30+s15+$0x0] =	vst.idx.msk $0xffff, v36;
	v30 =	vadd.s32 $0x3400, v32;
	v54 =	vld.idx.msk [tilespmem:v17+s18+$0x0], $0xffff;
	v17 =	vadd.s32 s1, v31  }
0x247: {  	[tilespmem:v23+s15+$0x0] =	vst.idx.msk $0xffff, v48;
	v31 =	vadd.s32 $0x3400, v27;
	v33 =	vor.u32 v12, v17;
	v56 =	vld.idx.msk [tilespmem:v26+s18+$0x0], $0xffff;
	v17 =	vshrl.u32 v11, $0x2  }
0x248: {  	v58 =	vor.u32 $0x2800, v4;
	[tilespmem:v50+s15+$0x0] =	vst.idx.msk $0xffff, v34;
	v57 =	vadd.s32 $0x3000, v33;
	v40 =	vld.idx.msk [tilespmem:v51+s18+$0x0], $0xffff;
	v17 =	vand.u32 $0xFC00, v17  }
0x249: {  	v20 =	vshrl.u32 v20, $0xE;
	v35 =	vadd.s32 $0x3800, v35;
	v25 =	vld.idx.msk [tilespmem:v25+s18+$0x0], $0xffff;
	v17 =	vadd.s32 s30, v17  }
0x24a: {  	v60 =	vor.u32 $0x5000, v1;
	[tilespmem:v52+s15+$0x0] =	vst.idx.msk $0xffff, v28;
	v28 =	vadd.s32 $0x3400, v49;
	v26 =	vor.u32 v3, v17;
	v17 =	vld.idx.msk [tilespmem:v24+s17+$0x0], $0xffff  }
0x24b: {  	v20 =	vand.u32 $0xFC00, v20;
	v62 =	vor.u32 $0x6400, v8;
	v30 =	vld.idx.msk [tilespmem:v30+s18+$0x0], $0xffff;
	[tilespmem:v15+s15+$0x0] =	vst.idx.msk $0xffff, v29;
	v61 =	vadd.s32 $0x3000, v26  }
0x24c: {  	v20 =	vadd.s32 s31, v20;
	v63 =	vadd.s32 $0x3800, v32;
	v41 =	vld.idx.msk [tilespmem:v31+s18+$0x0], $0xffff;
	[tilespmem:v55+s15+$0x0] =	vst.idx.msk $0xffff, v54  }
0x24d: {  	v39 =	vor.u32 $0x1800, v10;
	v18 =	vshrl.u32 v18, $0xE;
	v42 =	vor.u32 $0x400, v15;
	[tilespmem:v58+s15+$0x0] =	vst.idx.msk $0xffff, v56;
	v37 =	vld.idx.msk [tilespmem:v57+s18+$0x0], $0xffff  }
0x24e: {  	v18 =	vand.u32 $0xFC00, v18;
	v43 =	vadd.s32 $0x3800, v27;
	v44 =	vshll.u32 v22, $0x4;
	v34 =	vld.idx.msk [tilespmem:v35+s18+$0x0], $0xffff;
	[tilespmem:v59+s15+$0x0] =	vst.idx.msk $0xffff, v40  }
0x24f: {  	v32 =	vor.u32 $0x2C00, v4;
	v31 =	vor.u32 v7, v20;
	v40 =	vadd.s32 $0x3400, v33;
	[tilespmem:v60+s15+$0x0] =	vst.idx.msk $0xffff, v25;
	v28 =	vld.idx.msk [tilespmem:v28+s18+$0x0], $0xffff  }
0x250: {  	v36 =	vadd.s32 s2, v18;
	v29 =	vor.u32 $0x4000, v2;
	v35 =	vadd.s32 $0x3000, v31;
	[tilespmem:v62+s15+$0x0] =	vst.idx.msk $0xffff, v30;
	v27 =	vld.idx.msk [tilespmem:v61+s18+$0x0], $0xffff  }
0x251: {  	s6 =	simm.s32 $0x7;
	v23 =	vor.u32 $0x6800, v8;
	v24 =	vor.u32 $0x5400, v1;
	v30 =	vadd.s32 $0x3800, v49;
	v25 =	vld.idx.msk [tilespmem:v63+s18+$0x0], $0xffff  }
.LBB2_4:
0x252: {  	p0 =	sne.s32 s6, $0x3F;
	[tilespmem:v42+s15+$0x0] =	vst.idx.msk $0xffff, v41;
	v18 =	vand.u32 $0xFC00, v44;
	v20 =	vadd.s32 $0x3400, v26;
	v38 =	vor.u32 v14, v36;
	v14 =	vmovc v3;
	s2 =	smov.u32 s31;
	s31 =	smov.u32 s1  }
0x253: {  	v42 =	vor.u32 $0x800, v15;
	v3 =	vmovc v5;
	s1 =	smov.u32 s0;
	v41 =	vld.idx.msk [tilespmem:v43+s18+$0x0], $0xffff;
	v18 =	vadd.s32 s0, v18;
	[tilespmem:v39+s15+$0x0] =	vst.idx.msk $0xffff, v37;
	v37 =	vadd.s32 $0x3000, v38  }
0x254: {  	v36 =	vshll.u32 v21, $0x1;
	v21 =	vor.u32 v16, v18;
	v39 =	vld.idx.msk [tilespmem:v40+s18+$0x0], $0xffff;
	[tilespmem:v32+s15+$0x0] =	vst.idx.msk $0xffff, v34;
	v40 =	vshll.u32 v6, $0x4  }
0x255: {  	v5 =	vmovc v7;
	v34 =	vor.u32 $0x1C00, v10;
	v32 =	vadd.s32 $0x3000, v21;
	v35 =	vld.idx.msk [tilespmem:v35+s18+$0x0], $0xffff;
	[tilespmem:v29+s15+$0x0] =	vst.idx.msk $0xffff, v28;
	v18 =	vand.u32 $0xFC00, v40  }
0x256: {  	v7 =	vmovc v12;
	v28 =	vadd.s32 $0x3800, v33;
	v29 =	vor.u32 $0x3000, v4;
	v30 =	vld.idx.msk [tilespmem:v30+s18+$0x0], $0xffff;
	v43 =	vadd.s32 s29, v18;
	[tilespmem:v24+s15+$0x0] =	vst.idx.msk $0xffff, v27  }
0x257: {  	v24 =	vadd.s32 $0x3400, v31;
	v27 =	vor.u32 $0x4400, v2;
	v33 =	vor.u32 v3, v43;
	v40 =	vld.idx.msk [tilespmem:v20+s18+$0x0], $0xffff;
	[tilespmem:v23+s15+$0x0] =	vst.idx.msk $0xffff, v25  }
0x258: {  	v12 =	vmovc v16;
	v25 =	vor.u32 $0x5800, v1;
	v23 =	vadd.s32 $0x3000, v33;
	v37 =	vld.idx.msk [tilespmem:v37+s18+$0x0], $0xffff;
	v18 =	vmovc v13;
	v13 =	vmov v17  }
0x259: {  	v16 =	vshrl.u32 v19, $0x8;
	v17 =	vadd.s32 $0x3800, v26;
	v26 =	vor.u32 $0x6C00, v8;
	v20 =	vld.idx.msk [tilespmem:v36+s17+$0x0], $0xffff;
	[tilespmem:v42+s15+$0x0] =	vst.idx.msk $0xffff, v41  }
0x25a: {  	v16 =	vand.u32 $0xFC00, v16;
	v32 =	vld.idx.msk [tilespmem:v32+s18+$0x0], $0xffff;
	[tilespmem:v34+s15+$0x0] =	vst.idx.msk $0xffff, v39;
	v34 =	vor.u32 $0x5C00, v1;
	v39 =	vadd.s32 $0x3400, v38  }
0x25b: {  	v16 =	vadd.s32 s31, v16;
	v41 =	vor.u32 $0xC00, v15;
	v42 =	vor.u32 $0x2000, v10;
	v28 =	vld.idx.msk [tilespmem:v28+s18+$0x0], $0xffff;
	[tilespmem:v29+s15+$0x0] =	vst.idx.msk $0xffff, v35  }
0x25c: {  	v29 =	vadd.s32 $0x3400, v21;
	v35 =	vor.u32 v7, v16;
	v16 =	vshrl.u32 v11, $0x8;
	v24 =	vld.idx.msk [tilespmem:v24+s18+$0x0], $0xffff;
	[tilespmem:v27+s15+$0x0] =	vst.idx.msk $0xffff, v30  }
0x25d: {  	v27 =	vadd.s32 $0x3000, v35;
	v30 =	vor.u32 $0x3400, v4;
	v16 =	vand.u32 $0xFC00, v16;
	v23 =	vld.idx.msk [tilespmem:v23+s18+$0x0], $0xffff;
	[tilespmem:v25+s15+$0x0] =	vst.idx.msk $0xffff, v40  }
0x25e: {  	v25 =	vadd.s32 $0x3800, v31;
	v31 =	vor.u32 $0x4800, v2;
	v16 =	vadd.s32 s30, v16;
	v17 =	vld.idx.msk [tilespmem:v17+s18+$0x0], $0xffff;
	[tilespmem:v26+s15+$0x0] =	vst.idx.msk $0xffff, v37  }
0x25f: {  	v26 =	vshll.u32 v20, $0xA;
	v37 =	vadd.s32 $0x3400, v33;
	v40 =	vor.u32 v14, v16;
	v39 =	vld.idx.msk [tilespmem:v39+s18+$0x0], $0xffff  }
0x260: {  	s0 =	sand.u32 $0xFFFFFF80, s4;
	v26 =	vand.u32 $0xFC00, v26;
	[tilespmem:v41+s15+$0x0] =	vst.idx.msk $0xffff, v32;
	v32 =	vadd.s32 $0x3000, v40;
	v41 =	vor.u32 $0x7000, v8  }
0x261: {  	v16 =	vor.u32 s5, v0;
	v26 =	vadd.s32 s0, v26;
	v29 =	vld.idx.msk [tilespmem:v29+s18+$0x0], $0xffff;
	[tilespmem:v42+s15+$0x0] =	vst.idx.msk $0xffff, v28;
	v28 =	vadd.s32 $0x3800, v38  }
0x262: {  	v38 =	vor.u32 v16, v26;
	v26 =	vor.u32 $0x1000, v15;
	v27 =	vld.idx.msk [tilespmem:v27+s18+$0x0], $0xffff;
	[tilespmem:v30+s15+$0x0] =	vst.idx.msk $0xffff, v24;
	v24 =	vshll.u32 v9, $0xA  }
0x263: {  	v42 =	vor.u32 $0x2400, v10;
	v30 =	vadd.s32 $0x3000, v38;
	v25 =	vld.idx.msk [tilespmem:v25+s18+$0x0], $0xffff;
	v24 =	vand.u32 $0xFC00, v24;
	[tilespmem:v31+s15+$0x0] =	vst.idx.msk $0xffff, v23  }
0x264: {  	s16 =	sadd.s32 $0x10, s16;
	s4 =	sshll.u32 s6, $0x4;
	v23 =	vadd.s32 $0x3800, v21;
	v31 =	vor.u32 $0x3800, v4;
	v21 =	vadd.s32 s2, v24;
	v24 =	vld.idx.msk [tilespmem:v37+s18+$0x0], $0xffff;
	[tilespmem:v34+s15+$0x0] =	vst.idx.msk $0xffff, v17  }
0x265: {  	s7 =	sand.u32 $0x3FFFFF80, s4;
	s5 =	sand.u32 $0x70, s16;
	v17 =	vadd.s32 $0x3400, v35;
	v34 =	vor.u32 $0x4C00, v2;
	v45 =	vor.u32 v5, v21;
	v32 =	vld.idx.msk [tilespmem:v32+s18+$0x0], $0xffff;
	[tilespmem:v41+s15+$0x0] =	vst.idx.msk $0xffff, v39  }
0x266: {  	s7 =	sor.u32 s5, s7;
	v39 =	vor.u32 $0x6000, v1;
	v37 =	vadd.s32 $0x3000, v45;
	v28 =	vld.idx.msk [tilespmem:v28+s18+$0x0], $0xffff  }
0x267: {  	v41 =	vor.u32 $0x7400, v8;
	v8 =	vmovc v1;
	v1 =	vmovc v2;
	v21 =	vld [tilespmem:s7+$0x1CC00];
	[tilespmem:v26+s15+$0x0] =	vst.idx.msk $0xffff, v29;
	v26 =	vshrl.u32 v22, $0x2;
	v29 =	vadd.s32 $0x3800, v33  }
0x268: {  	v43 =	vor.u32 s0, v16;
	v2 =	vmovc v4;
	v30 =	vld.idx.msk [tilespmem:v30+s18+$0x0], $0xffff;
	v26 =	vand.u32 $0xFC00, v26;
	[tilespmem:v42+s15+$0x0] =	vst.idx.msk $0xffff, v27;
	v27 =	vadd.s32 $0x3400, v40  }
0x269: {  	v44 =	vor.u32 $0x1400, v15;
	v36 =	vor.u32 $0x1, v36;
	v4 =	vmovc v10;
	v42 =	vld.idx.msk [tilespmem:v23+s18+$0x0], $0xffff;
	v23 =	vadd.s32 s1, v26;
	[tilespmem:v31+s15+$0x0] =	vst.idx.msk $0xffff, v25  }
0x26a: {  	v25 =	vadd.s32 $0x3400, v38;
	v33 =	vor.u32 v12, v23;
	v31 =	vld.idx.msk [tilespmem:v17+s18+$0x0], $0xffff;
	[tilespmem:v34+s15+$0x0] =	vst.idx.msk $0xffff, v24;
	v23 =	vshrl.u32 v6, $0x2  }
0x26b: {  	v10 =	vmovc v15;
	v46 =	vor.u32 $0x2800, v4;
	v34 =	vadd.s32 $0x3000, v33;
	v47 =	vld.idx.msk [tilespmem:v37+s18+$0x0], $0xffff;
	v17 =	vand.u32 $0xFC00, v23;
	[tilespmem:v39+s15+$0x0] =	vst.idx.msk $0xffff, v32  }
0x26c: {  	v35 =	vadd.s32 $0x3800, v35;
	v15 =	vmovc v43;
	v48 =	vor.u32 $0x3C00, v2;
	v29 =	vld.idx.msk [tilespmem:v29+s18+$0x0], $0xffff;
	v17 =	vadd.s32 s29, v17;
	[tilespmem:v41+s15+$0x0] =	vst.idx.msk $0xffff, v28  }
0x26d: {  	v49 =	vor.u32 $0x5000, v1;
	v28 =	vadd.s32 $0x3400, v45;
	v26 =	vor.u32 v3, v17;
	v50 =	vld.idx.msk [tilespmem:v27+s18+$0x0], $0xffff  }
0x26e: {  	v23 =	vor.u32 $0x6800, v8;
	v17 =	vld.idx.msk [tilespmem:v36+s17+$0x0], $0xffff;
	[tilespmem:v43+s15+$0x0] =	vst.idx.msk $0xffff, v30;
	v27 =	vadd.s32 $0x3000, v26;
	v30 =	vor.u32 $0x6400, v8  }
0x26f: {  	v24 =	vor.u32 $0x5400, v1;
	v36 =	vadd.s32 $0x3800, v40;
	v41 =	vld.idx.msk [tilespmem:v25+s18+$0x0], $0xffff;
	[tilespmem:v44+s15+$0x0] =	vst.idx.msk $0xffff, v42;
	v25 =	vshrl.u32 v19, $0xE;
	v19 =	vmovc v22  }
.Ltmp1:
0x270: {  	v32 =	vor.u32 $0x2C00, v4;
	v42 =	vor.u32 $0x400, v15;
	v22 =	vmovc v20;
	v37 =	vld.idx.msk [tilespmem:v34+s18+$0x0], $0xffff;
	[tilespmem:v46+s15+$0x0] =	vst.idx.msk $0xffff, v31;
	v25 =	vand.u32 $0xFC00, v25;
	(pc) =	sbr.rel @p0 .LBB2_4-.Ltmp1, $4  }
0x271: {  	v39 =	vor.u32 $0x1800, v10;
	v43 =	vadd.s32 $0x3800, v38;
	v34 =	vld.idx.msk [tilespmem:v35+s18+$0x0], $0xffff;
	v20 =	vadd.s32 s31, v25;
	[tilespmem:v48+s15+$0x0] =	vst.idx.msk $0xffff, v47  }
0x272: {  	v40 =	vadd.s32 $0x3400, v33;
	v25 =	vshrl.u32 v11, $0xE;
	v31 =	vor.u32 v7, v20;
	v28 =	vld.idx.msk [tilespmem:v28+s18+$0x0], $0xffff;
	[tilespmem:v49+s15+$0x0] =	vst.idx.msk $0xffff, v29  }
0x273: {  	v11 =	vmovc v6;
	v29 =	vor.u32 $0x4000, v2;
	v20 =	vand.u32 $0xFC00, v25;
	v35 =	vadd.s32 $0x3000, v31;
	v27 =	vld.idx.msk [tilespmem:v27+s18+$0x0], $0xffff;
	[tilespmem:v30+s15+$0x0] =	vst.idx.msk $0xffff, v50  }
0x274: {  	s6 =	sadd.s32 $0x1, s6;
	v44 =	vshll.u32 v22, $0x4;
	v6 =	vmovc v9;
	v9 =	vmovc v18;
	v30 =	vadd.s32 $0x3800, v45;
	v25 =	vld.idx.msk [tilespmem:v36+s18+$0x0], $0xffff;
	v36 =	vadd.s32 s30, v20;
	s30 =	smov.u32 s29;
	s29 =	smov.u32 s2  }
0x275: {  	v18 =	vshll.u32 v21, $0x1;
	_ =	sdelay $0x4  }
0x276: {  	v38 =	vld.idx.msk [tilespmem:v18+s17+$0x0], $0xffff;
	_ =	sdelay $0x4  }
0x277: {  	v20 =	vshll.u32 v38, $0xA  }
0x278: {  	s2 =	sand.u32 $0xFFFFFF80, s4;
	v60 =	vand.u32 $0xFC00, v20  }
0x279: {  	v20 =	vor.u32 s5, v0;
	v21 =	vadd.s32 s2, v60  }
0x27a: {  	v45 =	vor.u32 v20, v21  }
0x27b: {  	v21 =	vadd.s32 $0x3000, v45;
	_ =	sdelay $0x4  }
0x27c: {  	v46 =	vor.u32 $0x1, v18;
	v18 =	vor.u32 s2, v20;
	v47 =	vld.idx.msk [tilespmem:v21+s18+$0x0], $0xffff  }
0x27d: {  	v48 =	vadd.s32 $0x3400, v45;
	_ =	sdelay $0x3  }
0x27e: {  	v21 =	vld.idx.msk [tilespmem:v46+s17+$0x0], $0xffff;
	[tilespmem:v18+s15+$0x0] =	vst.idx.msk $0xffff, v47  }
0x27f: {  	v62 =	vor.u32 $0x400, v18;
	v61 =	vld.idx.msk [tilespmem:v48+s18+$0x0], $0xffff  }
0x280: {  	v45 =	vadd.s32 $0x3800, v45;
	_ =	sdelay $0x1  }
0x281: {  	v44 =	vand.u32 $0xFC00, v44;
	v63 =	vshll.u32 v38, $0x4  }
0x282: {  	[tilespmem:v42+s15+$0x0] =	vst.idx.msk $0xffff, v41;
	v51 =	vadd.s32 s0, v44;
	v52 =	vand.u32 $0xFC00, v63  }
0x283: {  	v53 =	vor.u32 $0x800, v15;
	v43 =	vld.idx.msk [tilespmem:v43+s18+$0x0], $0xffff;
	v41 =	vor.u32 v16, v51;
	v42 =	vadd.s32 s2, v52;
	[tilespmem:v62+s15+$0x0] =	vst.idx.msk $0xffff, v61  }
0x284: {  	v54 =	vadd.s32 $0x3000, v41;
	v55 =	vor.u32 $0x800, v18;
	v42 =	vor.u32 v20, v42;
	v45 =	vld.idx.msk [tilespmem:v45+s18+$0x0], $0xffff  }
0x285: {  	v56 =	vadd.s32 $0x3000, v42;
	_ =	sdelay $0x2  }
0x286: {  	[tilespmem:v53+s15+$0x0] =	vst.idx.msk $0xffff, v43  }
0x287: {  	v57 =	vor.u32 $0xC00, v15;
	v43 =	vld.idx.msk [tilespmem:v54+s18+$0x0], $0xffff;
	[tilespmem:v55+s15+$0x0] =	vst.idx.msk $0xffff, v45  }
0x288: {  	v58 =	vadd.s32 $0x3400, v41;
	v60 =	vor.u32 $0xC00, v18;
	v59 =	vld.idx.msk [tilespmem:v56+s18+$0x0], $0xffff  }
0x289: {  	v61 =	vadd.s32 $0x3400, v42;
	_ =	sdelay $0x2  }
0x28a: {  	[tilespmem:v57+s15+$0x0] =	vst.idx.msk $0xffff, v43  }
0x28b: {  	v43 =	vld.idx.msk [tilespmem:v58+s18+$0x0], $0xffff;
	v62 =	vor.u32 $0x1000, v15;
	[tilespmem:v60+s15+$0x0] =	vst.idx.msk $0xffff, v59  }
0x28c: {  	v41 =	vadd.s32 $0x3800, v41;
	v52 =	vor.u32 $0x1000, v18;
	v63 =	vld.idx.msk [tilespmem:v61+s18+$0x0], $0xffff  }
0x28d: {  	v42 =	vadd.s32 $0x3800, v42  }
0x28e: {  	v53 =	vshrl.u32 v22, $0x2  }
0x28f: {  	v54 =	vshrl.u32 v38, $0x2;
	v47 =	vand.u32 $0xFC00, v53  }
0x290: {  	[tilespmem:v62+s15+$0x0] =	vst.idx.msk $0xffff, v43;
	v55 =	vadd.s32 s0, v47;
	v56 =	vand.u32 $0xFC00, v54  }
0x291: {  	v57 =	vor.u32 $0x1400, v15;
	v41 =	vld.idx.msk [tilespmem:v41+s18+$0x0], $0xffff;
	v43 =	vor.u32 v16, v55;
	v44 =	vadd.s32 s2, v56;
	[tilespmem:v52+s15+$0x0] =	vst.idx.msk $0xffff, v63  }
0x292: {  	v58 =	vadd.s32 $0x3000, v43;
	v44 =	vor.u32 v20, v44;
	v59 =	vor.u32 $0x1400, v18;
	v42 =	vld.idx.msk [tilespmem:v42+s18+$0x0], $0xffff  }
0x293: {  	v60 =	vadd.s32 $0x3000, v44;
	_ =	sdelay $0x2  }
0x294: {  	[tilespmem:v57+s15+$0x0] =	vst.idx.msk $0xffff, v41  }
0x295: {  	v41 =	vld.idx.msk [tilespmem:v58+s18+$0x0], $0xffff;
	v61 =	vor.u32 $0x1800, v15;
	[tilespmem:v59+s15+$0x0] =	vst.idx.msk $0xffff, v42  }
0x296: {  	v62 =	vadd.s32 $0x3400, v43;
	v63 =	vor.u32 $0x1800, v18;
	v46 =	vld.idx.msk [tilespmem:v60+s18+$0x0], $0xffff  }
0x297: {  	v52 =	vadd.s32 $0x3400, v44;
	_ =	sdelay $0x1  }
0x298: {  	[tilespmem:v39+s15+$0x0] =	vst.idx.msk $0xffff, v37  }
0x299: {  	v37 =	vld.idx.msk [tilespmem:v40+s18+$0x0], $0xffff;
	v53 =	vor.u32 $0x1C00, v10;
	[tilespmem:v61+s15+$0x0] =	vst.idx.msk $0xffff, v41  }
0x29a: {  	v33 =	vadd.s32 $0x3800, v33;
	v55 =	vor.u32 $0x1C00, v15;
	v54 =	vld.idx.msk [tilespmem:v62+s18+$0x0], $0xffff;
	[tilespmem:v63+s15+$0x0] =	vst.idx.msk $0xffff, v46  }
0x29b: {  	v43 =	vadd.s32 $0x3800, v43;
	v58 =	vor.u32 $0x1C00, v18;
	v57 =	vld.idx.msk [tilespmem:v52+s18+$0x0], $0xffff  }
0x29c: {  	v51 =	vor.u32 $0x2000, v15;
	v56 =	vshrl.u32 v19, $0x8;
	v44 =	vadd.s32 $0x3800, v44  }
0x29d: {  	v62 =	vshrl.u32 v38, $0x8;
	v42 =	vand.u32 $0xFC00, v56;
	v60 =	vshrl.u32 v22, $0x8  }
0x29e: {  	[tilespmem:v53+s15+$0x0] =	vst.idx.msk $0xffff, v37;
	v50 =	vand.u32 $0xFC00, v62;
	v42 =	vadd.s32 s1, v42;
	v61 =	vand.u32 $0xFC00, v60  }
0x29f: {  	v33 =	vld.idx.msk [tilespmem:v33+s18+$0x0], $0xffff;
	v59 =	vor.u32 $0x2000, v10;
	[tilespmem:v55+s15+$0x0] =	vst.idx.msk $0xffff, v54;
	v37 =	vor.u32 v12, v42;
	v39 =	vadd.s32 s0, v61  }
0x2a0: {  	v40 =	vadd.s32 s2, v50;
	v41 =	vld.idx.msk [tilespmem:v43+s18+$0x0], $0xffff;
	v39 =	vor.u32 v16, v39;
	v63 =	vadd.s32 $0x3000, v37;
	[tilespmem:v58+s15+$0x0] =	vst.idx.msk $0xffff, v57  }
0x2a1: {  	v53 =	vor.u32 $0x2000, v18;
	v40 =	vor.u32 v20, v40;
	v52 =	vadd.s32 $0x3000, v39;
	v44 =	vld.idx.msk [tilespmem:v44+s18+$0x0], $0xffff  }
0x2a2: {  	v54 =	vadd.s32 $0x3000, v40;
	_ =	sdelay $0x1  }
0x2a3: {  	[tilespmem:v59+s15+$0x0] =	vst.idx.msk $0xffff, v33  }
0x2a4: {  	v55 =	vor.u32 $0x2400, v10;
	[tilespmem:v51+s15+$0x0] =	vst.idx.msk $0xffff, v41;
	v33 =	vld.idx.msk [tilespmem:v63+s18+$0x0], $0xffff  }
0x2a5: {  	v56 =	vadd.s32 $0x3400, v37;
	v42 =	vld.idx.msk [tilespmem:v52+s18+$0x0], $0xffff;
	v57 =	vor.u32 $0x2400, v15;
	[tilespmem:v53+s15+$0x0] =	vst.idx.msk $0xffff, v44  }
0x2a6: {  	v59 =	vor.u32 $0x2400, v18;
	v58 =	vadd.s32 $0x3400, v39;
	v45 =	vld.idx.msk [tilespmem:v54+s18+$0x0], $0xffff  }
0x2a7: {  	v60 =	vadd.s32 $0x3400, v40;
	_ =	sdelay $0x1  }
0x2a8: {  	[tilespmem:v55+s15+$0x0] =	vst.idx.msk $0xffff, v33  }
0x2a9: {  	v61 =	vor.u32 $0x2800, v10;
	v33 =	vld.idx.msk [tilespmem:v56+s18+$0x0], $0xffff;
	[tilespmem:v57+s15+$0x0] =	vst.idx.msk $0xffff, v42  }
0x2aa: {  	v62 =	vor.u32 $0x2800, v15;
	v37 =	vadd.s32 $0x3800, v37;
	v42 =	vld.idx.msk [tilespmem:v58+s18+$0x0], $0xffff;
	[tilespmem:v59+s15+$0x0] =	vst.idx.msk $0xffff, v45  }
0x2ab: {  	v50 =	vor.u32 $0x2800, v18;
	v63 =	vshrl.u32 v19, $0xE;
	v39 =	vadd.s32 $0x3800, v39;
	v49 =	vld.idx.msk [tilespmem:v60+s18+$0x0], $0xffff  }
0x2ac: {  	v40 =	vadd.s32 $0x3800, v40;
	v19 =	vand.u32 $0xFC00, v63  }
0x2ad: {  	v51 =	vor.u32 $0x2C00, v10;
	v52 =	vshrl.u32 v22, $0xE;
	v19 =	vadd.s32 s1, v19  }
0x2ae: {  	v56 =	vor.u32 $0x2C00, v15;
	v53 =	vand.u32 $0xFC00, v52;
	v54 =	vshrl.u32 v38, $0xE;
	[tilespmem:v61+s15+$0x0] =	vst.idx.msk $0xffff, v33  }
0x2af: {  	v22 =	vand.u32 $0xFC00, v54;
	v33 =	vor.u32 v12, v19;
	v19 =	vadd.s32 s0, v53;
	v37 =	vld.idx.msk [tilespmem:v37+s18+$0x0], $0xffff;
	[tilespmem:v62+s15+$0x0] =	vst.idx.msk $0xffff, v42  }
0x2b0: {  	v57 =	vadd.s32 s2, v22;
	v55 =	vadd.s32 $0x3000, v33;
	v42 =	vor.u32 v16, v19;
	v39 =	vld.idx.msk [tilespmem:v39+s18+$0x0], $0xffff;
	[tilespmem:v50+s15+$0x0] =	vst.idx.msk $0xffff, v49  }
0x2b1: {  	v44 =	vor.u32 v20, v57;
	v58 =	vadd.s32 $0x3000, v42;
	v59 =	vor.u32 $0x2C00, v18;
	v40 =	vld.idx.msk [tilespmem:v40+s18+$0x0], $0xffff  }
0x2b2: {  	[tilespmem:v32+s15+$0x0] =	vst.idx.msk $0xffff, v34;
	v19 =	vadd.s32 $0x3000, v44  }
0x2b3: {  	v35 =	vld.idx.msk [tilespmem:v35+s18+$0x0], $0xffff;
	v60 =	vor.u32 $0x3000, v4  }
0x2b4: {  	v61 =	vadd.s32 $0x3400, v31;
	[tilespmem:v51+s15+$0x0] =	vst.idx.msk $0xffff, v37  }
0x2b5: {  	v62 =	vor.u32 $0x3000, v10;
	v38 =	vld.idx.msk [tilespmem:v55+s18+$0x0], $0xffff;
	[tilespmem:v56+s15+$0x0] =	vst.idx.msk $0xffff, v39  }
0x2b6: {  	v32 =	vadd.s32 $0x3400, v26;
	v52 =	vor.u32 $0x3000, v15;
	v63 =	vadd.s32 $0x3400, v33;
	v22 =	vld.idx.msk [tilespmem:v58+s18+$0x0], $0xffff;
	[tilespmem:v59+s15+$0x0] =	vst.idx.msk $0xffff, v40  }
0x2b7: {  	v34 =	vor.u32 v14, v36;
	[tilespmem:v29+s15+$0x0] =	vst.idx.msk $0xffff, v28;
	v54 =	vadd.s32 $0x3400, v42;
	v56 =	vor.u32 $0x3000, v18;
	v55 =	vld.idx.msk [tilespmem:v19+s18+$0x0], $0xffff  }
0x2b8: {  	v29 =	vor.u32 $0x7000, v8;
	v53 =	vshll.u32 v6, $0x4;
	v58 =	vadd.s32 $0x3400, v44;
	[tilespmem:v60+s15+$0x0] =	vst.idx.msk $0xffff, v35  }
0x2b9: {  	v57 =	vand.u32 $0xFC00, v53;
	v53 =	vor.u32 $0x3400, v15;
	v60 =	vor.u32 $0x3400, v4;
	v37 =	vld.idx.msk [tilespmem:v61+s18+$0x0], $0xffff  }
0x2ba: {  	v14 =	vadd.s32 s29, v57;
	v42 =	vadd.s32 $0x3800, v42;
	v61 =	vadd.s32 $0x3800, v31;
	[tilespmem:v62+s15+$0x0] =	vst.idx.msk $0xffff, v38  }
0x2bb: {  	v57 =	vshll.u32 v17, $0xA;
	v44 =	vadd.s32 $0x3800, v44;
	v62 =	vor.u32 $0x3400, v10;
	v39 =	vld.idx.msk [tilespmem:v63+s18+$0x0], $0xffff;
	[tilespmem:v52+s15+$0x0] =	vst.idx.msk $0xffff, v22  }
0x2bc: {  	v38 =	vor.u32 $0x3800, v4;
	v63 =	vadd.s32 $0x3800, v33;
	v59 =	vshll.u32 v9, $0xA;
	v52 =	vld.idx.msk [tilespmem:v54+s18+$0x0], $0xffff;
	[tilespmem:v56+s15+$0x0] =	vst.idx.msk $0xffff, v55  }
0x2bd: {  	v54 =	vshll.u32 v13, $0xA;
	v35 =	vand.u32 $0xFC00, v59;
	v55 =	vor.u32 $0x3400, v18;
	v36 =	vld.idx.msk [tilespmem:v58+s18+$0x0], $0xffff  }
0x2be: {  	[tilespmem:v60+s15+$0x0] =	vst.idx.msk $0xffff, v37;
	v37 =	vor.u32 $0x3800, v10;
	v59 =	vshll.u32 v21, $0xA;
	v35 =	vadd.s32 s31, v35  }
0x2bf: {  	v43 =	vand.u32 $0xFC00, v54;
	v48 =	vld.idx.msk [tilespmem:v61+s18+$0x0], $0xffff;
	v61 =	vand.u32 $0xFC00, v59;
	v41 =	vor.u32 v7, v35  }
0x2c0: {  	v47 =	vadd.s32 $0x3000, v41;
	[tilespmem:v62+s15+$0x0] =	vst.idx.msk $0xffff, v39;
	v56 =	vadd.s32 s1, v43;
	v58 =	vand.u32 $0xFC00, v57  }
0x2c1: {  	v22 =	vld.idx.msk [tilespmem:v63+s18+$0x0], $0xffff;
	[tilespmem:v53+s15+$0x0] =	vst.idx.msk $0xffff, v52;
	v63 =	vor.u32 $0x3800, v15;
	v39 =	vor.u32 v12, v56;
	v31 =	vadd.s32 s0, v58  }
0x2c2: {  	v62 =	vld.idx.msk [tilespmem:v42+s18+$0x0], $0xffff;
	v60 =	vadd.s32 $0x3000, v39;
	v45 =	vor.u32 v16, v31;
	[tilespmem:v55+s15+$0x0] =	vst.idx.msk $0xffff, v36;
	v55 =	vadd.s32 s2, v61  }
0x2c3: {  	v57 =	vor.u32 $0x3800, v18;
	v56 =	vadd.s32 $0x3000, v45;
	v44 =	vld.idx.msk [tilespmem:v44+s18+$0x0], $0xffff;
	v49 =	vor.u32 v20, v55  }
0x2c4: {  	[tilespmem:v24+s15+$0x0] =	vst.idx.msk $0xffff, v27;
	v24 =	vadd.s32 $0x3800, v34;
	v27 =	vor.u32 $0x6000, v1;
	v58 =	vadd.s32 $0x3000, v49  }
0x2c5: {  	v51 =	vor.u32 v5, v14;
	v50 =	vor.u32 $0x4400, v2;
	v33 =	vor.u32 $0x6C00, v8;
	[tilespmem:v38+s15+$0x0] =	vst.idx.msk $0xffff, v48  }
0x2c6: {  	v8 =	vor.u32 $0x7400, v8;
	v19 =	vadd.s32 $0x3000, v34;
	v59 =	vor.u32 $0x3C00, v4;
	v38 =	vld.idx.msk [tilespmem:v47+s18+$0x0], $0xffff;
	[tilespmem:v37+s15+$0x0] =	vst.idx.msk $0xffff, v22  }
0x2c7: {  	v54 =	vor.u32 $0x3C00, v18;
	v37 =	vadd.s32 $0x3400, v41;
	[tilespmem:v63+s15+$0x0] =	vst.idx.msk $0xffff, v62;
	v43 =	vld.idx.msk [tilespmem:v60+s18+$0x0], $0xffff;
	v60 =	vor.u32 $0x3C00, v10  }
0x2c8: {  	v35 =	vor.u32 $0x5800, v1;
	v53 =	vor.u32 $0x3C00, v15;
	v62 =	vadd.s32 $0x3400, v39;
	v36 =	vld.idx.msk [tilespmem:v56+s18+$0x0], $0xffff;
	[tilespmem:v57+s15+$0x0] =	vst.idx.msk $0xffff, v44  }
0x2c9: {  	v52 =	vadd.s32 $0x3000, v51;
	v48 =	vor.u32 $0x4400, v4;
	v63 =	vadd.s32 $0x3400, v45;
	v46 =	vld.idx.msk [tilespmem:v58+s18+$0x0], $0xffff  }
0x2ca: {  	v41 =	vadd.s32 $0x3800, v41;
	v61 =	vshrl.u32 v11, $0x8;
	v58 =	vadd.s32 $0x3400, v49  }
0x2cb: {  	v30 =	vld.idx.msk [tilespmem:v30+s18+$0x0], $0xffff;
	v39 =	vadd.s32 $0x3800, v39;
	v45 =	vadd.s32 $0x3800, v45;
	v40 =	vand.u32 $0xFC00, v61;
	[tilespmem:v59+s15+$0x0] =	vst.idx.msk $0xffff, v38  }
0x2cc: {  	v55 =	vor.u32 $0x4800, v2;
	v59 =	vshll.u32 v9, $0x4;
	v37 =	vld.idx.msk [tilespmem:v37+s18+$0x0], $0xffff;
	[tilespmem:v60+s15+$0x0] =	vst.idx.msk $0xffff, v43;
	v43 =	vor.u32 $0x4000, v4  }
0x2cd: {  	v61 =	vor.u32 $0x4000, v18;
	v47 =	vand.u32 $0xFC00, v59;
	v42 =	vld.idx.msk [tilespmem:v62+s18+$0x0], $0xffff;
	[tilespmem:v53+s15+$0x0] =	vst.idx.msk $0xffff, v36;
	v36 =	vor.u32 $0x4000, v10  }
0x2ce: {  	v59 =	vor.u32 $0x4400, v15;
	v47 =	vadd.s32 s31, v47;
	v53 =	vor.u32 $0x4000, v15;
	v44 =	vld.idx.msk [tilespmem:v63+s18+$0x0], $0xffff;
	[tilespmem:v54+s15+$0x0] =	vst.idx.msk $0xffff, v46  }
0x2cf: {  	v47 =	vor.u32 v7, v47;
	v57 =	vadd.s32 s30, v40;
	v60 =	vshll.u32 v13, $0x4;
	v40 =	vld.idx.msk [tilespmem:v58+s18+$0x0], $0xffff  }
0x2d0: {  	[tilespmem:v50+s15+$0x0] =	vst.idx.msk $0xffff, v30;
	v56 =	vadd.s32 $0x3000, v47;
	v62 =	vand.u32 $0xFC00, v60;
	v63 =	vadd.s32 $0x3800, v49  }
0x2d1: {  	v50 =	vld.idx.msk [tilespmem:v52+s18+$0x0], $0xffff;
	v14 =	vor.u32 v3, v57;
	v28 =	vadd.s32 s1, v62;
	v49 =	vshll.u32 v17, $0x4;
	[tilespmem:v43+s15+$0x0] =	vst.idx.msk $0xffff, v37  }
0x2d2: {  	v57 =	vand.u32 $0xFC00, v49;
	v37 =	vor.u32 $0x4400, v10;
	[tilespmem:v36+s15+$0x0] =	vst.idx.msk $0xffff, v42;
	v36 =	vld.idx.msk [tilespmem:v41+s18+$0x0], $0xffff;
	v58 =	vshll.u32 v21, $0x4  }
0x2d3: {  	v41 =	vor.u32 v12, v28;
	v28 =	vadd.s32 s0, v57;
	[tilespmem:v53+s15+$0x0] =	vst.idx.msk $0xffff, v44;
	v39 =	vld.idx.msk [tilespmem:v39+s18+$0x0], $0xffff;
	v42 =	vand.u32 $0xFC00, v58  }
0x2d4: {  	v43 =	vadd.s32 $0x3000, v41;
	v44 =	vld.idx.msk [tilespmem:v45+s18+$0x0], $0xffff;
	v45 =	vor.u32 v16, v28;
	v60 =	vadd.s32 s2, v42;
	[tilespmem:v61+s15+$0x0] =	vst.idx.msk $0xffff, v40  }
0x2d5: {  	v53 =	vor.u32 v20, v60;
	v61 =	vadd.s32 $0x3000, v45;
	v62 =	vld.idx.msk [tilespmem:v63+s18+$0x0], $0xffff;
	v63 =	vor.u32 $0x4400, v18  }
0x2d6: {  	v31 =	vadd.s32 $0x3800, v26;
	v26 =	vor.u32 $0x5C00, v1;
	[tilespmem:v55+s15+$0x0] =	vst.idx.msk $0xffff, v50;
	v54 =	vadd.s32 $0x3000, v53  }
0x2d7: {  	v32 =	vld.idx.msk [tilespmem:v32+s18+$0x0], $0xffff;
	v22 =	vadd.s32 $0x3400, v34;
	v34 =	vor.u32 $0x4C00, v2;
	v52 =	vor.u32 $0x4C00, v18;
	[tilespmem:v48+s15+$0x0] =	vst.idx.msk $0xffff, v36  }
0x2d8: {  	v11 =	vshrl.u32 v11, $0xE;
	v38 =	vadd.s32 $0x3400, v51;
	v48 =	vld.idx.msk [tilespmem:v56+s18+$0x0], $0xffff;
	[tilespmem:v37+s15+$0x0] =	vst.idx.msk $0xffff, v39;
	v56 =	vor.u32 $0x4800, v4  }
0x2d9: {  	v50 =	vor.u32 $0x5000, v2;
	v58 =	vadd.s32 $0x3400, v47;
	[tilespmem:v59+s15+$0x0] =	vst.idx.msk $0xffff, v44;
	v43 =	vld.idx.msk [tilespmem:v43+s18+$0x0], $0xffff;
	v59 =	vor.u32 $0x4800, v10  }
0x2da: {  	v57 =	vshrl.u32 v6, $0x2;
	v60 =	vadd.s32 $0x3400, v41;
	v42 =	vld.idx.msk [tilespmem:v61+s18+$0x0], $0xffff;
	v61 =	vor.u32 $0x4800, v15;
	[tilespmem:v63+s15+$0x0] =	vst.idx.msk $0xffff, v62  }
0x2db: {  	[tilespmem:v23+s15+$0x0] =	vst.idx.msk $0xffff, v25;
	v28 =	vadd.s32 $0x3000, v14;
	v63 =	vadd.s32 $0x3400, v45;
	v30 =	vld.idx.msk [tilespmem:v54+s18+$0x0], $0xffff;
	v54 =	vor.u32 $0x4800, v18  }
0x2dc: {  	v19 =	vld.idx.msk [tilespmem:v19+s18+$0x0], $0xffff;
	[tilespmem:v35+s15+$0x0] =	vst.idx.msk $0xffff, v32;
	v49 =	vadd.s32 $0x3800, v45;
	v55 =	vadd.s32 $0x3400, v53;
	v39 =	vand.u32 $0xFC00, v57  }
0x2dd: {  	v38 =	vld.idx.msk [tilespmem:v38+s18+$0x0], $0xffff;
	v53 =	vadd.s32 $0x3800, v53;
	v36 =	vadd.s32 $0x3800, v51;
	v62 =	vadd.s32 s29, v39;
	[tilespmem:v56+s15+$0x0] =	vst.idx.msk $0xffff, v48  }
0x2de: {  	v57 =	vor.u32 $0x4C00, v4;
	v56 =	vshrl.u32 v9, $0x2;
	v23 =	vor.u32 v5, v62;
	[tilespmem:v59+s15+$0x0] =	vst.idx.msk $0xffff, v43;
	v40 =	vld.idx.msk [tilespmem:v58+s18+$0x0], $0xffff  }
0x2df: {  	v58 =	vadd.s32 $0x3800, v47;
	v59 =	vand.u32 $0xFC00, v56;
	v46 =	vld.idx.msk [tilespmem:v60+s18+$0x0], $0xffff;
	v60 =	vor.u32 $0x4C00, v10;
	[tilespmem:v61+s15+$0x0] =	vst.idx.msk $0xffff, v42  }
0x2e0: {  	v62 =	vor.u32 $0x4C00, v15;
	v56 =	vshrl.u32 v21, $0x2;
	v61 =	vadd.s32 $0x3800, v41;
	v25 =	vld.idx.msk [tilespmem:v63+s18+$0x0], $0xffff;
	[tilespmem:v54+s15+$0x0] =	vst.idx.msk $0xffff, v30  }
0x2e1: {  	[tilespmem:v33+s15+$0x0] =	vst.idx.msk $0xffff, v19;
	v37 =	vadd.s32 $0x3000, v23;
	v47 =	vadd.s32 s31, v59;
	v59 =	vor.u32 $0x5000, v15;
	v51 =	vld.idx.msk [tilespmem:v55+s18+$0x0], $0xffff  }
0x2e2: {  	v31 =	vld.idx.msk [tilespmem:v31+s18+$0x0], $0xffff;
	[tilespmem:v34+s15+$0x0] =	vst.idx.msk $0xffff, v38;
	v42 =	vor.u32 $0x5000, v4;
	v63 =	vshrl.u32 v13, $0x2;
	v30 =	vor.u32 v7, v47  }
0x2e3: {  	v36 =	vld.idx.msk [tilespmem:v36+s18+$0x0], $0xffff;
	v32 =	vand.u32 $0xFC00, v63;
	[tilespmem:v57+s15+$0x0] =	vst.idx.msk $0xffff, v40;
	v54 =	vor.u32 $0x5000, v10;
	v55 =	vshrl.u32 v17, $0x2  }
0x2e4: {  	v34 =	vadd.s32 $0x3000, v30;
	v32 =	vadd.s32 s1, v32;
	[tilespmem:v60+s15+$0x0] =	vst.idx.msk $0xffff, v46;
	v44 =	vld.idx.msk [tilespmem:v58+s18+$0x0], $0xffff;
	v43 =	vand.u32 $0xFC00, v55  }
0x2e5: {  	v58 =	vand.u32 $0xFC00, v56;
	v32 =	vor.u32 v12, v32;
	v39 =	vld.idx.msk [tilespmem:v61+s18+$0x0], $0xffff;
	v57 =	vadd.s32 s0, v43;
	[tilespmem:v62+s15+$0x0] =	vst.idx.msk $0xffff, v25  }
0x2e6: {  	v43 =	vadd.s32 s2, v58;
	v25 =	vadd.s32 $0x3000, v32;
	v41 =	vor.u32 v16, v57;
	v35 =	vld.idx.msk [tilespmem:v49+s18+$0x0], $0xffff;
	[tilespmem:v52+s15+$0x0] =	vst.idx.msk $0xffff, v51  }
0x2e7: {  	[tilespmem:v26+s15+$0x0] =	vst.idx.msk $0xffff, v31;
	v61 =	vor.u32 $0x5000, v18;
	v43 =	vor.u32 v20, v43;
	v19 =	vadd.s32 $0x3000, v41;
	v60 =	vld.idx.msk [tilespmem:v53+s18+$0x0], $0xffff  }
0x2e8: {  	v22 =	vld.idx.msk [tilespmem:v22+s18+$0x0], $0xffff;
	v45 =	vadd.s32 $0x3400, v14;
	v48 =	vor.u32 $0x5C00, v2;
	[tilespmem:v50+s15+$0x0] =	vst.idx.msk $0xffff, v36;
	v63 =	vadd.s32 $0x3000, v43  }
0x2e9: {  	v14 =	vadd.s32 $0x3800, v14;
	v37 =	vld.idx.msk [tilespmem:v37+s18+$0x0], $0xffff;
	v56 =	vadd.s32 $0x3400, v30;
	v52 =	vor.u32 $0x5400, v2;
	[tilespmem:v42+s15+$0x0] =	vst.idx.msk $0xffff, v44  }
0x2ea: {  	v30 =	vadd.s32 $0x3800, v30;
	v53 =	vadd.s32 $0x3400, v23;
	v34 =	vld.idx.msk [tilespmem:v34+s18+$0x0], $0xffff;
	[tilespmem:v54+s15+$0x0] =	vst.idx.msk $0xffff, v39;
	v54 =	vor.u32 $0x5400, v4  }
0x2eb: {  	v46 =	vor.u32 $0x5C00, v15;
	v55 =	vshrl.u32 v6, $0x8;
	v57 =	vor.u32 $0x5400, v10;
	v25 =	vld.idx.msk [tilespmem:v25+s18+$0x0], $0xffff;
	[tilespmem:v59+s15+$0x0] =	vst.idx.msk $0xffff, v35  }
0x2ec: {  	v58 =	vadd.s32 $0x3400, v32;
	v62 =	vand.u32 $0xFC00, v11;
	v59 =	vor.u32 $0x5400, v15;
	v19 =	vld.idx.msk [tilespmem:v19+s18+$0x0], $0xffff;
	[tilespmem:v61+s15+$0x0] =	vst.idx.msk $0xffff, v60  }
0x2ed: {  	[tilespmem:v29+s15+$0x0] =	vst.idx.msk $0xffff, v22;
	v36 =	vadd.s32 s30, v62;
	v62 =	vor.u32 $0x5400, v18;
	v61 =	vadd.s32 $0x3400, v41;
	v47 =	vld.idx.msk [tilespmem:v63+s18+$0x0], $0xffff  }
0x2ee: {  	v28 =	vld.idx.msk [tilespmem:v28+s18+$0x0], $0xffff;
	v40 =	vand.u32 $0xFC00, v55;
	v55 =	vshrl.u32 v13, $0x8;
	[tilespmem:v52+s15+$0x0] =	vst.idx.msk $0xffff, v37;
	v63 =	vadd.s32 $0x3400, v43  }
0x2ef: {  	v32 =	vadd.s32 $0x3800, v32;
	v22 =	vand.u32 $0xFC00, v55;
	v44 =	vor.u32 $0x5800, v2;
	v42 =	vld.idx.msk [tilespmem:v53+s18+$0x0], $0xffff;
	[tilespmem:v54+s15+$0x0] =	vst.idx.msk $0xffff, v34  }
0x2f0: {  	v49 =	vshrl.u32 v9, $0x8;
	v51 =	vor.u32 $0x5800, v4;
	v23 =	vadd.s32 $0x3800, v23;
	[tilespmem:v57+s15+$0x0] =	vst.idx.msk $0xffff, v25;
	v50 =	vld.idx.msk [tilespmem:v56+s18+$0x0], $0xffff  }
0x2f1: {  	v22 =	vadd.s32 s1, v22;
	v39 =	vand.u32 $0xFC00, v49;
	v53 =	vor.u32 $0x5800, v10;
	v33 =	vld.idx.msk [tilespmem:v58+s18+$0x0], $0xffff;
	[tilespmem:v59+s15+$0x0] =	vst.idx.msk $0xffff, v19  }
0x2f2: {  	v22 =	vor.u32 v12, v22;
	v52 =	vadd.s32 s31, v39;
	v54 =	vor.u32 $0x5800, v15;
	v31 =	vld.idx.msk [tilespmem:v61+s18+$0x0], $0xffff;
	[tilespmem:v62+s15+$0x0] =	vst.idx.msk $0xffff, v47  }
0x2f3: {  	v60 =	vadd.s32 s29, v40;
	v56 =	vadd.s32 $0x3800, v41;
	v57 =	vor.u32 $0x5800, v18;
	v37 =	vld.idx.msk [tilespmem:v63+s18+$0x0], $0xffff  }
0x2f4: {  	v38 =	vor.u32 v7, v52;
	v26 =	vor.u32 v5, v60;
	v43 =	vadd.s32 $0x3800, v43;
	[tilespmem:v44+s15+$0x0] =	vst.idx.msk $0xffff, v42  }
0x2f5: {  	v60 =	vshrl.u32 v17, $0x8;
	v34 =	vadd.s32 $0x3000, v26;
	v58 =	vadd.s32 $0x3000, v38;
	v23 =	vld.idx.msk [tilespmem:v23+s18+$0x0], $0xffff;
	[tilespmem:v51+s15+$0x0] =	vst.idx.msk $0xffff, v50  }
0x2f6: {  	v19 =	vor.u32 $0x5C00, v4;
	v61 =	vand.u32 $0xFC00, v60;
	v62 =	vshrl.u32 v21, $0x8;
	[tilespmem:v53+s15+$0x0] =	vst.idx.msk $0xffff, v33;
	v30 =	vld.idx.msk [tilespmem:v30+s18+$0x0], $0xffff  }
0x2f7: {  	v59 =	vor.u32 $0x5C00, v10;
	v35 =	vand.u32 $0xFC00, v62;
	v33 =	vadd.s32 s0, v61;
	v63 =	vld.idx.msk [tilespmem:v32+s18+$0x0], $0xffff;
	[tilespmem:v54+s15+$0x0] =	vst.idx.msk $0xffff, v31  }
0x2f8: {  	v44 =	vadd.s32 $0x3000, v22;
	v35 =	vadd.s32 s2, v35;
	v33 =	vor.u32 v16, v33;
	v29 =	vld.idx.msk [tilespmem:v56+s18+$0x0], $0xffff;
	[tilespmem:v57+s15+$0x0] =	vst.idx.msk $0xffff, v37  }
0x2f9: {  	[tilespmem:v27+s15+$0x0] =	vst.idx.msk $0xffff, v28;
	v49 =	vor.u32 $0x5C00, v18;
	v35 =	vor.u32 v20, v35;
	v47 =	vadd.s32 $0x3000, v33;
	v50 =	vld.idx.msk [tilespmem:v43+s18+$0x0], $0xffff  }
0x2fa: {  	v24 =	vld.idx.msk [tilespmem:v24+s18+$0x0], $0xffff;
	v11 =	vor.u32 $0x6400, v1;
	v55 =	vor.u32 $0x6000, v4;
	v51 =	vadd.s32 $0x3000, v35;
	[tilespmem:v48+s15+$0x0] =	vst.idx.msk $0xffff, v23  }
0x2fb: {  	v3 =	vor.u32 v3, v36;
	v36 =	vor.u32 $0x6800, v1;
	v52 =	vor.u32 $0x6000, v2;
	v34 =	vld.idx.msk [tilespmem:v34+s18+$0x0], $0xffff;
	[tilespmem:v19+s15+$0x0] =	vst.idx.msk $0xffff, v30  }
0x2fc: {  	v40 =	vadd.s32 $0x3000, v3;
	v25 =	vor.u32 $0x6400, v2;
	v53 =	vadd.s32 $0x3400, v26;
	[tilespmem:v59+s15+$0x0] =	vst.idx.msk $0xffff, v63;
	v54 =	vld.idx.msk [tilespmem:v58+s18+$0x0], $0xffff  }
0x2fd: {  	v60 =	vor.u32 $0x6000, v15;
	v57 =	vadd.s32 $0x3400, v38;
	v58 =	vor.u32 $0x6000, v10;
	v32 =	vld.idx.msk [tilespmem:v44+s18+$0x0], $0xffff;
	[tilespmem:v46+s15+$0x0] =	vst.idx.msk $0xffff, v29  }
0x2fe: {  	v62 =	vor.u32 $0x6000, v18;
	v56 =	vshrl.u32 v6, $0xE;
	v59 =	vadd.s32 $0x3400, v22;
	v27 =	vld.idx.msk [tilespmem:v47+s18+$0x0], $0xffff;
	[tilespmem:v49+s15+$0x0] =	vst.idx.msk $0xffff, v50  }
0x2ff: {  	[tilespmem:v8+s15+$0x0] =	vst.idx.msk $0xffff, v24;
	v26 =	vadd.s32 $0x3800, v26;
	v61 =	vadd.s32 $0x3400, v33;
	v6 =	vand.u32 $0xFC00, v56;
	v23 =	vld.idx.msk [tilespmem:v51+s18+$0x0], $0xffff  }
0x300: {  	v48 =	vor.u32 $0x6400, v4;
	v6 =	vadd.s32 s29, v6;
	v63 =	vld.idx.msk [tilespmem:v45+s18+$0x0], $0xffff;
	v45 =	vadd.s32 $0x3400, v35;
	[tilespmem:v52+s15+$0x0] =	vst.idx.msk $0xffff, v34  }
0x301: {  	v56 =	vor.u32 $0x6400, v18;
	v5 =	vor.u32 v5, v6;
	v44 =	vor.u32 $0x6800, v2;
	v30 =	vld.idx.msk [tilespmem:v53+s18+$0x0], $0xffff;
	[tilespmem:v55+s15+$0x0] =	vst.idx.msk $0xffff, v54  }
0x302: {  	v46 =	vadd.s32 $0x3000, v5;
	v47 =	vshrl.u32 v9, $0xE;
	v52 =	vadd.s32 $0x3800, v22;
	v29 =	vld.idx.msk [tilespmem:v57+s18+$0x0], $0xffff;
	[tilespmem:v58+s15+$0x0] =	vst.idx.msk $0xffff, v32  }
0x303: {  	v9 =	vand.u32 $0xFC00, v47;
	v50 =	vadd.s32 $0x3800, v38;
	v51 =	vor.u32 $0x6400, v10;
	v28 =	vld.idx.msk [tilespmem:v59+s18+$0x0], $0xffff;
	[tilespmem:v60+s15+$0x0] =	vst.idx.msk $0xffff, v27  }
0x304: {  	v49 =	vor.u32 $0x6800, v4;
	v53 =	vor.u32 $0x6400, v15;
	v9 =	vadd.s32 s31, v9;
	v8 =	vld.idx.msk [tilespmem:v61+s18+$0x0], $0xffff;
	[tilespmem:v62+s15+$0x0] =	vst.idx.msk $0xffff, v23  }
0x305: {  	[tilespmem:v11+s15+$0x0] =	vst.idx.msk $0xffff, v63;
	v54 =	vshrl.u32 v13, $0xE;
	v55 =	vadd.s32 $0x3800, v33;
	v7 =	vor.u32 v7, v9;
	v6 =	vld.idx.msk [tilespmem:v45+s18+$0x0], $0xffff  }
0x306: {  	v14 =	vld.idx.msk [tilespmem:v14+s18+$0x0], $0xffff;
	v11 =	vand.u32 $0xFC00, v54;
	v58 =	vadd.s32 $0x3800, v35;
	v32 =	vor.u32 $0x6800, v15;
	[tilespmem:v25+s15+$0x0] =	vst.idx.msk $0xffff, v30  }
0x307: {  	v57 =	vadd.s32 $0x3000, v7;
	v59 =	vor.u32 $0x6800, v10;
	v60 =	vshrl.u32 v17, $0xE;
	v26 =	vld.idx.msk [tilespmem:v26+s18+$0x0], $0xffff;
	[tilespmem:v48+s15+$0x0] =	vst.idx.msk $0xffff, v29  }
0x308: {  	v11 =	vadd.s32 s1, v11;
	v61 =	vand.u32 $0xFC00, v60;
	v62 =	vshrl.u32 v21, $0xE;
	v29 =	vld.idx.msk [tilespmem:v50+s18+$0x0], $0xffff;
	[tilespmem:v51+s15+$0x0] =	vst.idx.msk $0xffff, v28  }
0x309: {  	v11 =	vor.u32 v12, v11;
	v30 =	vadd.s32 s0, v61;
	v31 =	vand.u32 $0xFC00, v62;
	v9 =	vld.idx.msk [tilespmem:v52+s18+$0x0], $0xffff;
	[tilespmem:v53+s15+$0x0] =	vst.idx.msk $0xffff, v8  }
0x30a: {  	v63 =	vadd.s32 $0x3000, v11;
	v33 =	vadd.s32 s2, v31;
	v8 =	vor.u32 v16, v30;
	v13 =	vld.idx.msk [tilespmem:v55+s18+$0x0], $0xffff;
	[tilespmem:v56+s15+$0x0] =	vst.idx.msk $0xffff, v6  }
0x30b: {  	[tilespmem:v36+s15+$0x0] =	vst.idx.msk $0xffff, v14;
	v36 =	vor.u32 $0x6800, v18;
	v35 =	vadd.s32 $0x3000, v8;
	v6 =	vor.u32 v20, v33;
	v37 =	vld.idx.msk [tilespmem:v58+s18+$0x0], $0xffff  }
0x30c: {  	v39 =	vor.u32 $0x6C00, v1;
	v38 =	vld.idx.msk [tilespmem:v40+s18+$0x0], $0xffff;
	[tilespmem:v44+s15+$0x0] =	vst.idx.msk $0xffff, v26;
	v40 =	vadd.s32 $0x3000, v6  }
0x30d: {  	v42 =	vadd.s32 $0x3400, v3;
	v44 =	vor.u32 $0x6C00, v2;
	v43 =	vld.idx.msk [tilespmem:v46+s18+$0x0], $0xffff;
	[tilespmem:v49+s15+$0x0] =	vst.idx.msk $0xffff, v29  }
0x30e: {  	v45 =	vadd.s32 $0x3400, v5;
	v46 =	vor.u32 $0x6C00, v4;
	v24 =	vld.idx.msk [tilespmem:v57+s18+$0x0], $0xffff;
	[tilespmem:v59+s15+$0x0] =	vst.idx.msk $0xffff, v9  }
0x30f: {  	v47 =	vadd.s32 $0x3400, v7;
	v48 =	vor.u32 $0x6C00, v10;
	v21 =	vld.idx.msk [tilespmem:v63+s18+$0x0], $0xffff;
	[tilespmem:v32+s15+$0x0] =	vst.idx.msk $0xffff, v13  }
0x310: {  	v50 =	vor.u32 $0x6C00, v15;
	v49 =	vadd.s32 $0x3400, v11;
	v12 =	vld.idx.msk [tilespmem:v35+s18+$0x0], $0xffff;
	[tilespmem:v36+s15+$0x0] =	vst.idx.msk $0xffff, v37  }
0x311: {  	v52 =	vor.u32 $0x6C00, v18;
	v51 =	vadd.s32 $0x3400, v8;
	[tilespmem:v39+s15+$0x0] =	vst.idx.msk $0xffff, v38;
	v16 =	vld.idx.msk [tilespmem:v40+s18+$0x0], $0xffff  }
0x312: {  	v53 =	vor.u32 $0x7000, v1;
	v54 =	vadd.s32 $0x3400, v6;
	v20 =	vld.idx.msk [tilespmem:v42+s18+$0x0], $0xffff;
	[tilespmem:v44+s15+$0x0] =	vst.idx.msk $0xffff, v43  }
0x313: {  	v3 =	vadd.s32 $0x3800, v3;
	v55 =	vor.u32 $0x7000, v2;
	v25 =	vld.idx.msk [tilespmem:v45+s18+$0x0], $0xffff;
	[tilespmem:v46+s15+$0x0] =	vst.idx.msk $0xffff, v24  }
0x314: {  	v5 =	vadd.s32 $0x3800, v5;
	v56 =	vor.u32 $0x7000, v4;
	v9 =	vld.idx.msk [tilespmem:v47+s18+$0x0], $0xffff;
	[tilespmem:v48+s15+$0x0] =	vst.idx.msk $0xffff, v21  }
0x315: {  	v7 =	vadd.s32 $0x3800, v7;
	v57 =	vor.u32 $0x7000, v10;
	v13 =	vld.idx.msk [tilespmem:v49+s18+$0x0], $0xffff;
	[tilespmem:v50+s15+$0x0] =	vst.idx.msk $0xffff, v12  }
0x316: {  	v11 =	vadd.s32 $0x3800, v11;
	v58 =	vor.u32 $0x7000, v15;
	v12 =	vld.idx.msk [tilespmem:v51+s18+$0x0], $0xffff;
	[tilespmem:v52+s15+$0x0] =	vst.idx.msk $0xffff, v16  }
0x317: {  	v8 =	vadd.s32 $0x3800, v8;
	v59 =	vor.u32 $0x7000, v18;
	[tilespmem:v53+s15+$0x0] =	vst.idx.msk $0xffff, v20;
	v16 =	vld.idx.msk [tilespmem:v54+s18+$0x0], $0xffff  }
0x318: {  	v1 =	vor.u32 $0x7400, v1;
	v6 =	vadd.s32 $0x3800, v6;
	v3 =	vld.idx.msk [tilespmem:v3+s18+$0x0], $0xffff;
	[tilespmem:v55+s15+$0x0] =	vst.idx.msk $0xffff, v25  }
0x319: {  	v2 =	vor.u32 $0x7400, v2;
	v5 =	vld.idx.msk [tilespmem:v5+s18+$0x0], $0xffff;
	[tilespmem:v56+s15+$0x0] =	vst.idx.msk $0xffff, v9  }
0x31a: {  	v60 =	vor.u32 $0x7400, v4;
	v7 =	vld.idx.msk [tilespmem:v7+s18+$0x0], $0xffff;
	[tilespmem:v57+s15+$0x0] =	vst.idx.msk $0xffff, v13  }
0x31b: {  	v62 =	vor.u32 $0x7400, v10;
	v61 =	vld.idx.msk [tilespmem:v11+s18+$0x0], $0xffff;
	[tilespmem:v58+s15+$0x0] =	vst.idx.msk $0xffff, v12  }
0x31c: {  	v63 =	vor.u32 $0x7400, v15;
	v8 =	vld.idx.msk [tilespmem:v8+s18+$0x0], $0xffff;
	[tilespmem:v59+s15+$0x0] =	vst.idx.msk $0xffff, v16  }
0x31d: {  	[tilespmem:v1+s15+$0x0] =	vst.idx.msk $0xffff, v3;
	v3 =	vor.u32 $0x7400, v18;
	v1 =	vld.idx.msk [tilespmem:v6+s18+$0x0], $0xffff  }
0x31e: {  	[tilespmem:v2+s15+$0x0] =	vst.idx.msk $0xffff, v5  }
0x31f: {  	[tilespmem:v60+s15+$0x0] =	vst.idx.msk $0xffff, v7  }
0x320: {  	[tilespmem:v62+s15+$0x0] =	vst.idx.msk $0xffff, v61  }
0x321: {  	[tilespmem:v63+s15+$0x0] =	vst.idx.msk $0xffff, v8  }
0x322: {  	[tilespmem:v3+s15+$0x0] =	vst.idx.msk $0xffff, v1  }
0x323: {  	[hbm4b:s11+s13] =	stream.strided.scatter [tilespmem:s15], [sflag:$0x6], $0x7800, s14, s13, $0x38;
	[tilespmem:$0x1D080] =	vst v63  }
0x324: {  	_ =	swait.ge [sflag:s25], $0x7800  }
0x325: {  	[sflag:s25] =	ssyncset.done $0x0  }
0x326: {  	[sflag:s25] =	ssyncadd.s32 $0xFFFF8800  }
0x327: {  	_ =	swait.ge [sflag:s26], $0x3000  }
0x328: {  	[sflag:s26] =	ssyncset.done $0x0  }
0x329: {  	s28 =	sadd.s32 $0x1, s28;
	[sflag:s26] =	ssyncadd.s32 $0xFFFFD000  }
0x32a: {  	p0 =	sne.s32 s28, s12;
	_ =	swait.ge [sflag:s25], $0x7800  }
.Ltmp2:
0x32b: {  	[sflag:s25] =	ssyncset.done $0x0;
	(pc) =	sbr.rel @p0 .LBB2_1-.Ltmp2, $4  }
0x32c: {  	[sflag:s25] =	ssyncadd.s32 $0xFFFF8800  }
0x32d: {  	_ =	swait.ge [sflag:s26], $0x3000  }
0x32e: {  	[sflag:s26] =	ssyncset.done $0x0  }
0x32f: {  	[sflag:s26] =	ssyncadd.s32 $0xFFFFD000  }
0x330: {  	_ =	sfence.sel $0x180000  }
0x331: {  	[bflag:$0x0] =	sbarrier.arrive $0xFFFF  }
0x332: {  	_ =	strace $0x90000047  }
0x333: {  	s0 =	stileid.u32;
	[bflag:$0x2] =	sbarrier.arrive $0xFFFF  }
0x334: {  	p0 =	sne.s32 s0, $0x0;
	s0 =	rddreg [dreg:$0x4]  }
0x335: {  	s0 =	sadd.s32 @!p0 $0x100000, s0  }
0x336: {  	[sflag:s0] =	ssyncadd.tile.s32 @!p0 $0x1;
	_ =	shalt  }
.Lfunc_end2:
_tile_overlayer_lowered:
.L_overlay_start_2:
0x337: {  	(tag) =	ssettag $0x2  }
0x338: {  	s0 =	rddreg [dreg:$0x0];
	s2 =	stileid.u32  }
0x339: {  	s1 =	rddreg [dreg:$0x1];
	p0 =	sne.s32 s2, $0x0  }
0x33a: {  	s3 =	rddreg [dreg:$0x2];
	[bflag:$0x3] =	sbarrier.arrive $0xFFFF;
	s2 =	simm.s32 @!p0 $0x1C08  }
0x33b: {  	[timem:s3], [sflag:s2] =	dma.local @!p0 [hbm:s0], s1  }
0x33c: {  	s0 =	simm.s32 @!p0 $0x8  }
0x33d: {  	_ =	swait.ge @!p0 [sflag:s0], s1  }
0x33e: {  	s1 =	ssub.s32 @!p0 $0x0, s1;
	[sflag:s0] =	ssyncset.done @!p0 $0x0  }
0x33f: {  	[sflag:s0] =	ssyncadd.s32 @!p0 s1  }
0x340: {  	[bflag:$0x3] =	sbarrier.arrive $0xFFFF  }
0x341: {  	_ =	shalt  }

</sc_bundles>
